<compile_context>
chip_gen: v7x
topology: tpu7x:2x2x1
jax: 0.10.2.dev20260603
libtpu: 0.0.44.dev20260713+nightly
codegen_flags: <defaults>
</compile_context>

<pallas_src>
import functools

import jax
import jax.numpy as jnp
from jax import lax
from jax.experimental import pallas as pl
from jax.experimental.pallas import tpu as pltpu
from jax.experimental.pallas import tpu_sc as plsc

_N = 10000
_E = 320000
_D = 128
_DH = 64

_NC = 2
_NS = 16
_NW = _NC * _NS
_B = 128
_CHT = 160
_CHA = 148
_CHB = _CHT - _CHA
_CHD = _CHT // 2
_NCH = _NS * _CHT
_EP = _NCH * _B
_NP = 10112
_RPT = _NP // _NS
_DW = 16
_TB = 632
_ZR = 79


def _deg_body(src_hbm, dst_hbm, ones_hbm, zdeg_hbm, dego_hbm, degi_hbm,
              idx_s, idx_d, ones_v, dego_sh, degi_sh):
    cid = lax.axis_index("c")
    sid = lax.axis_index("s")
    wid = cid * _NS + sid
    base = wid * _CHD
    pltpu.sync_copy(src_hbm.at[pl.ds(base, _CHD)], idx_s)
    pltpu.sync_copy(dst_hbm.at[pl.ds(base, _CHD)], idx_d)
    pltpu.sync_copy(ones_hbm, ones_v)
    r0 = sid * _RPT
    pltpu.sync_copy(zdeg_hbm, dego_sh.at[pl.ds(r0, _RPT)])
    pltpu.sync_copy(zdeg_hbm, degi_sh.at[pl.ds(r0, _RPT)])
    plsc.subcore_barrier()

    def step(c, carry):
        pltpu.sync_copy(ones_v, dego_sh.at[idx_s.at[c]], add=True)
        pltpu.sync_copy(ones_v, degi_sh.at[idx_d.at[c]], add=True)
        return carry

    lax.fori_loop(0, _CHD, step, 0)
    plsc.subcore_barrier()
    pltpu.sync_copy(dego_sh.at[pl.ds(r0, _RPT)],
                    dego_hbm.at[cid].at[pl.ds(r0, _RPT)])
    pltpu.sync_copy(degi_sh.at[pl.ds(r0, _RPT)],
                    degi_hbm.at[cid].at[pl.ds(r0, _RPT)])


@functools.cache
def _deg_call():
    return pl.kernel(
        _deg_body,
        out_type=(
            jax.ShapeDtypeStruct((_NC, _NP, _DW), jnp.float32),
            jax.ShapeDtypeStruct((_NC, _NP, _DW), jnp.float32),
        ),
        mesh=plsc.VectorSubcoreMesh(core_axis_name="c", subcore_axis_name="s"),
        compiler_params=pltpu.CompilerParams(use_tc_tiling_on_sc=False),
        scratch_types=[
            pltpu.VMEM((_CHD, _B), jnp.int32),
            pltpu.VMEM((_CHD, _B), jnp.int32),
            pltpu.VMEM((_B, _DW), jnp.float32),
            pltpu.VMEM_SHARED((_NP, _DW), jnp.float32),
            pltpu.VMEM_SHARED((_NP, _DW), jnp.float32),
        ],
    )


def _agg_body(h_hbm, src_hbm, dst_hbm, agg_hbm,
              idx_s, idx_d, rows, zbuf, agg_sh, sem0, sem1):
    cid = lax.axis_index("c")
    sid = lax.axis_index("s")
    r0 = sid * _RPT
    sems = (sem0, sem1)

    z16 = jnp.zeros((16,), jnp.float32)

    def zstep(k, carry):
        zbuf[k // 4, pl.ds((k % 4) * 16, 16)] = z16
        return carry

    lax.fori_loop(0, _ZR * 4, zstep, 0)

    def run(nch, base):
        pltpu.sync_copy(src_hbm.at[pl.ds(base, nch)], idx_s.at[pl.ds(0, nch)])
        pltpu.sync_copy(dst_hbm.at[pl.ds(base, nch)], idx_d.at[pl.ds(0, nch)])
        for half in range(2):
            hh = h_hbm.at[half]
            for k in range(_RPT // _ZR):
                pltpu.sync_copy(zbuf, agg_sh.at[pl.ds(r0 + k * _ZR, _ZR)])
            plsc.subcore_barrier()

            pltpu.async_copy(hh.at[idx_s.at[0]], rows.at[0], sems[0])
            pltpu.async_copy(hh.at[idx_s.at[1]], rows.at[1], sems[1])

            def step(i, carry):
                c0 = 2 * i
                for b in range(2):
                    c = c0 + b
                    pltpu.make_async_copy(hh.at[idx_s.at[c]], rows.at[b],
                                          sems[b]).wait()
                    pltpu.sync_copy(rows.at[b], agg_sh.at[idx_d.at[c]],
                                    add=True)
                    pltpu.async_copy(hh.at[idx_s.at[c + 2]], rows.at[b],
                                     sems[b])
                return carry

            lax.fori_loop(0, nch // 2 - 1, step, 0)
            for b in range(2):
                c = nch - 2 + b
                pltpu.make_async_copy(hh.at[idx_s.at[c]], rows.at[b],
                                      sems[b]).wait()
                pltpu.sync_copy(rows.at[b], agg_sh.at[idx_d.at[c]], add=True)

            plsc.subcore_barrier()
            pltpu.sync_copy(agg_sh.at[pl.ds(r0, _RPT)],
                            agg_hbm.at[half].at[cid].at[pl.ds(r0, _RPT)])
            plsc.subcore_barrier()

    lax.cond(cid == 0,
             lambda: run(_CHA, sid * _CHA),
             lambda: run(_CHB, _NS * _CHA + sid * _CHB))


@functools.cache
def _agg_call():
    chm = max(_CHA, _CHB)
    return pl.kernel(
        _agg_body,
        out_type=jax.ShapeDtypeStruct((2, _NC, _NP, _DH), jnp.float32),
        mesh=plsc.VectorSubcoreMesh(core_axis_name="c", subcore_axis_name="s"),
        compiler_params=pltpu.CompilerParams(use_tc_tiling_on_sc=False),
        scratch_types=[
            pltpu.VMEM((chm, _B), jnp.int32),
            pltpu.VMEM((chm, _B), jnp.int32),
            pltpu.VMEM((2, _B, _DH), jnp.float32),
            pltpu.VMEM((_ZR, _DH), jnp.float32),
            pltpu.VMEM_SHARED((_NP, _DH), jnp.float32),
            pltpu.SemaphoreType.DMA,
            pltpu.SemaphoreType.DMA,
        ],
    )


def _mm_body(x_ref, w_ref, o_ref):
    o_ref[...] = jnp.dot(x_ref[...], w_ref[...],
                         preferred_element_type=jnp.float32)


def _mm_call(xp, w):
    return pl.pallas_call(
        _mm_body,
        grid=(_NP // _TB,),
        in_specs=[
            pl.BlockSpec((_TB, _D), lambda i: (i, 0)),
            pl.BlockSpec((_D, _D), lambda i: (0, 0)),
        ],
        out_specs=pl.BlockSpec((_TB, _D), lambda i: (i, 0)),
        out_shape=jax.ShapeDtypeStruct((_NP, _D), jnp.float32),
    )(xp, w)


def _scale_body(h_ref, dego_ref, o_ref):
    d = jnp.sum(dego_ref[...], axis=(0, 2))
    s = lax.rsqrt(jnp.maximum(d, 1.0))
    h = h_ref[...] * s[:, None]
    o_ref[0] = h[:, :_DH]
    o_ref[1] = h[:, _DH:]


def _scale_call(h, dego):
    return pl.pallas_call(
        _scale_body,
        grid=(_NP // _TB,),
        in_specs=[
            pl.BlockSpec((_TB, _D), lambda i: (i, 0)),
            pl.BlockSpec((_NC, _TB, _DW), lambda i: (0, i, 0)),
        ],
        out_specs=pl.BlockSpec((2, _TB, _DH), lambda i: (0, i, 0)),
        out_shape=jax.ShapeDtypeStruct((2, _NP, _DH), jnp.float32),
    )(h, dego)


def _fin_body(agg_ref, degi_ref, b_ref, o_ref):
    a = jnp.concatenate(
        [agg_ref[0, 0] + agg_ref[0, 1], agg_ref[1, 0] + agg_ref[1, 1]],
        axis=-1)
    d = jnp.sum(degi_ref[...], axis=(0, 2))
    s = lax.rsqrt(jnp.maximum(d, 1.0))
    o_ref[...] = jnp.maximum(a * s[:, None] + b_ref[...], 0.0)


def _fin_call(aggp, degi, b2):
    return pl.pallas_call(
        _fin_body,
        grid=(_NP // _TB,),
        in_specs=[
            pl.BlockSpec((2, _NC, _TB, _DH), lambda i: (0, 0, i, 0)),
            pl.BlockSpec((_NC, _TB, _DW), lambda i: (0, i, 0)),
            pl.BlockSpec((1, _D), lambda i: (0, 0)),
        ],
        out_specs=pl.BlockSpec((_TB, _D), lambda i: (i, 0)),
        out_shape=jax.ShapeDtypeStruct((_NP, _D), jnp.float32),
    )(aggp, degi, b2)


def kernel(x, edge_index, W, b):
    pad = _EP - _E
    srcp = jnp.concatenate(
        [edge_index[0], jnp.full((pad,), _N, jnp.int32)]).reshape(_NCH, _B)
    dstp = jnp.concatenate(
        [edge_index[1], jnp.full((pad,), _N, jnp.int32)]).reshape(_NCH, _B)
    xp = jnp.zeros((_NP, _D), jnp.float32).at[:_N].set(x)
    ones_blk = jnp.zeros((_B, _DW), jnp.float32).at[:, 0].set(1.0)
    zdeg = jnp.zeros((_RPT, _DW), jnp.float32)

    dego, degi = _deg_call()(srcp, dstp, ones_blk, zdeg)
    h = _mm_call(xp, W)
    hp = _scale_call(h, dego)
    aggp = _agg_call()(hp, srcp, dstp)
    outp = _fin_call(aggp, degi, b.reshape(1, _D))
    return outp[:_N]

# --- scband reference (transcript-rebuilt; emitter-appended) ---
"""Pipeline reference for scband-embed-gcn-84327387889745 (READ-ONLY COPY).

The authoritative reference and input builder live on the scoring server;
editing this copy changes nothing except your own understanding.
"""

import jax, jax.numpy as jnp
import numpy as np

N = 10000
E = 320000
D = 128

def setup_inputs(seed: int = 0) -> dict:
    key = jax.random.key(seed)
    k1, k2, k3, k4 = jax.random.split(key, 4)
    x = jax.random.normal(k1, (N, D), dtype=jnp.float32)
    edge_index = jax.random.randint(k2, (2, E), 0, N, dtype=jnp.int32)
    W = jax.random.normal(k3, (D, D), dtype=jnp.float32) / np.sqrt(D)
    b = jnp.zeros((D,), dtype=jnp.float32)
    return {"x": x, "edge_index": edge_index, "W": W, "b": b}

def reference(x, edge_index, W, b):
    # GCN message passing with symmetric degree normalization:
    # h = x W; out[dst] += h[src] / sqrt(deg_out(src) * deg_in(dst)); relu(out + b)
    src = edge_index[0]
    dst = edge_index[1]
    n = x.shape[0]
    deg_in = jnp.zeros((n,), dtype=x.dtype).at[dst].add(1.0)
    deg_out = jnp.zeros((n,), dtype=x.dtype).at[src].add(1.0)
    inv_sqrt_in = jax.lax.rsqrt(jnp.maximum(deg_in, 1.0))
    inv_sqrt_out = jax.lax.rsqrt(jnp.maximum(deg_out, 1.0))
    norm = inv_sqrt_out[src] * inv_sqrt_in[dst]
    h = x @ W
    msgs = h[src] * norm[:, None]
    agg = jnp.zeros_like(h).at[dst].add(msgs)
    out = jax.nn.relu(agg + b)
    return out

if __name__ == "__main__":
    import jax
    _d = setup_inputs()
    print(jax.jit(kernel)(*tuple(_d.values())))

</pallas_src>

<mosaic_0001>
#map = affine_map<(d0, d1) -> (0, 0)>
#map1 = affine_map<(d0, d1) -> (0, 0, 0)>
module attributes {stable_mosaic.version = 14 : i64} {
  func.func @_deg_body(%arg0: i32, %arg1: i32, %arg2: memref<2560x128xi32, #tpu.memory_space<hbm>>, %arg3: memref<2560x128xi32, #tpu.memory_space<hbm>>, %arg4: memref<128x16xf32, #tpu.memory_space<hbm>>, %arg5: memref<632x16xf32, #tpu.memory_space<hbm>>, %arg6: memref<2x10112x16xf32, #tpu.memory_space<hbm>>, %arg7: memref<2x10112x16xf32, #tpu.memory_space<hbm>>, %arg8: memref<80x128xi32, #tpu.memory_space<vmem>>, %arg9: memref<80x128xi32, #tpu.memory_space<vmem>>, %arg10: memref<128x16xf32, #tpu.memory_space<vmem>>, %arg11: memref<10112x16xf32, #tpu.memory_space<vmem_shared>>, %arg12: memref<10112x16xf32, #tpu.memory_space<vmem_shared>>) attributes {dimension_semantics = [#tpu.dimension_semantics<core_parallel>, #tpu.dimension_semantics<subcore_parallel>], iteration_bounds = array<i64: 2, 16>, scalar_prefetch = 0 : i64, scratch_operands = 5 : i64, tpu.core_type = #tpu.core_type<sc_vector_subcore>, window_params = [{transform_indices = #map}, {transform_indices = #map}, {transform_indices = #map}, {transform_indices = #map}, {transform_indices = #map1}, {transform_indices = #map1}]} {
    %mul3A = arith.constant 16 : i32
    %mul3A_0 = arith.muli %arg0, %mul3A : i32
    %add3A = arith.addi %mul3A_0, %arg1 : i32
    %mul3A_1 = arith.constant 80 : i32
    %mul3A_2 = arith.muli %add3A, %mul3A_1 : i32
    "tpu.region"() ({
      %run_scoped3A = tpu.sem_alloc : memref<!tpu.dma_semaphore, #tpu.memory_space<semaphore_mem>>
      %dma_start3A = arith.constant 0 : i32
      %dma_start3A_11 = tpu.memref_slice %arg2[%mul3A_2, %dma_start3A] : memref<2560x128xi32, #tpu.memory_space<hbm>> -> memref<80x128xi32, #tpu.memory_space<hbm>>
      %dma_start3A_12 = arith.constant 0 : i32
      %dma_start3A_13 = tpu.memref_slice %arg2[%mul3A_2, %dma_start3A_12] : memref<2560x128xi32, #tpu.memory_space<hbm>> -> memref<80x128xi32, #tpu.memory_space<hbm>>
      tpu.enqueue_dma source(%dma_start3A_13 : memref<80x128xi32, #tpu.memory_space<hbm>>) target(%arg8 : memref<80x128xi32, #tpu.memory_space<vmem>>) target_semaphore(%run_scoped3A : memref<!tpu.dma_semaphore, #tpu.memory_space<semaphore_mem>>)
      %dma_wait3A = arith.constant 0 : i32
      %dma_wait3A_14 = tpu.memref_slice %arg2[%mul3A_2, %dma_wait3A] : memref<2560x128xi32, #tpu.memory_space<hbm>> -> memref<80x128xi32, #tpu.memory_space<hbm>>
      %dma_wait3A_15 = arith.constant 0 : i32
      %dma_wait3A_16 = tpu.memref_slice %arg2[%mul3A_2, %dma_wait3A_15] : memref<2560x128xi32, #tpu.memory_space<hbm>> -> memref<80x128xi32, #tpu.memory_space<hbm>>
      tpu.wait_dma2 semaphore(%run_scoped3A : memref<!tpu.dma_semaphore, #tpu.memory_space<semaphore_mem>>) src(%dma_wait3A_16 : memref<80x128xi32, #tpu.memory_space<hbm>>) dst(%arg8 : memref<80x128xi32, #tpu.memory_space<vmem>>)
      tpu.yield
    }) : () -> ()
    "tpu.region"() ({
      %run_scoped3A = tpu.sem_alloc : memref<!tpu.dma_semaphore, #tpu.memory_space<semaphore_mem>>
      %dma_start3A = arith.constant 0 : i32
      %dma_start3A_11 = tpu.memref_slice %arg3[%mul3A_2, %dma_start3A] : memref<2560x128xi32, #tpu.memory_space<hbm>> -> memref<80x128xi32, #tpu.memory_space<hbm>>
      %dma_start3A_12 = arith.constant 0 : i32
      %dma_start3A_13 = tpu.memref_slice %arg3[%mul3A_2, %dma_start3A_12] : memref<2560x128xi32, #tpu.memory_space<hbm>> -> memref<80x128xi32, #tpu.memory_space<hbm>>
      tpu.enqueue_dma source(%dma_start3A_13 : memref<80x128xi32, #tpu.memory_space<hbm>>) target(%arg9 : memref<80x128xi32, #tpu.memory_space<vmem>>) target_semaphore(%run_scoped3A : memref<!tpu.dma_semaphore, #tpu.memory_space<semaphore_mem>>)
      %dma_wait3A = arith.constant 0 : i32
      %dma_wait3A_14 = tpu.memref_slice %arg3[%mul3A_2, %dma_wait3A] : memref<2560x128xi32, #tpu.memory_space<hbm>> -> memref<80x128xi32, #tpu.memory_space<hbm>>
      %dma_wait3A_15 = arith.constant 0 : i32
      %dma_wait3A_16 = tpu.memref_slice %arg3[%mul3A_2, %dma_wait3A_15] : memref<2560x128xi32, #tpu.memory_space<hbm>> -> memref<80x128xi32, #tpu.memory_space<hbm>>
      tpu.wait_dma2 semaphore(%run_scoped3A : memref<!tpu.dma_semaphore, #tpu.memory_space<semaphore_mem>>) src(%dma_wait3A_16 : memref<80x128xi32, #tpu.memory_space<hbm>>) dst(%arg9 : memref<80x128xi32, #tpu.memory_space<vmem>>)
      tpu.yield
    }) : () -> ()
    "tpu.region"() ({
      %run_scoped3A = tpu.sem_alloc : memref<!tpu.dma_semaphore, #tpu.memory_space<semaphore_mem>>
      tpu.enqueue_dma source(%arg4 : memref<128x16xf32, #tpu.memory_space<hbm>>) target(%arg10 : memref<128x16xf32, #tpu.memory_space<vmem>>) target_semaphore(%run_scoped3A : memref<!tpu.dma_semaphore, #tpu.memory_space<semaphore_mem>>)
      tpu.wait_dma2 semaphore(%run_scoped3A : memref<!tpu.dma_semaphore, #tpu.memory_space<semaphore_mem>>) src(%arg4 : memref<128x16xf32, #tpu.memory_space<hbm>>) dst(%arg10 : memref<128x16xf32, #tpu.memory_space<vmem>>)
      tpu.yield
    }) : () -> ()
    %mul3A_3 = arith.constant 632 : i32
    %mul3A_4 = arith.muli %arg1, %mul3A_3 : i32
    "tpu.region"() ({
      %run_scoped3A = tpu.sem_alloc : memref<!tpu.dma_semaphore, #tpu.memory_space<semaphore_mem>>
      %dma_start3A = arith.constant 0 : i32
      %dma_start3A_11 = tpu.memref_slice %arg11[%mul3A_4, %dma_start3A] : memref<10112x16xf32, #tpu.memory_space<vmem_shared>> -> memref<632x16xf32, #tpu.memory_space<vmem_shared>>
      tpu.enqueue_dma source(%arg5 : memref<632x16xf32, #tpu.memory_space<hbm>>) target(%dma_start3A_11 : memref<632x16xf32, #tpu.memory_space<vmem_shared>>) target_semaphore(%run_scoped3A : memref<!tpu.dma_semaphore, #tpu.memory_space<semaphore_mem>>)
      %dma_wait3A = arith.constant 0 : i32
      %dma_wait3A_12 = tpu.memref_slice %arg11[%mul3A_4, %dma_wait3A] : memref<10112x16xf32, #tpu.memory_space<vmem_shared>> -> memref<632x16xf32, #tpu.memory_space<vmem_shared>>
      tpu.wait_dma2 semaphore(%run_scoped3A : memref<!tpu.dma_semaphore, #tpu.memory_space<semaphore_mem>>) src(%arg5 : memref<632x16xf32, #tpu.memory_space<hbm>>) dst(%dma_wait3A_12 : memref<632x16xf32, #tpu.memory_space<vmem_shared>>)
      tpu.yield
    }) : () -> ()
    "tpu.region"() ({
      %run_scoped3A = tpu.sem_alloc : memref<!tpu.dma_semaphore, #tpu.memory_space<semaphore_mem>>
      %dma_start3A = arith.constant 0 : i32
      %dma_start3A_11 = tpu.memref_slice %arg12[%mul3A_4, %dma_start3A] : memref<10112x16xf32, #tpu.memory_space<vmem_shared>> -> memref<632x16xf32, #tpu.memory_space<vmem_shared>>
      tpu.enqueue_dma source(%arg5 : memref<632x16xf32, #tpu.memory_space<hbm>>) target(%dma_start3A_11 : memref<632x16xf32, #tpu.memory_space<vmem_shared>>) target_semaphore(%run_scoped3A : memref<!tpu.dma_semaphore, #tpu.memory_space<semaphore_mem>>)
      %dma_wait3A = arith.constant 0 : i32
      %dma_wait3A_12 = tpu.memref_slice %arg12[%mul3A_4, %dma_wait3A] : memref<10112x16xf32, #tpu.memory_space<vmem_shared>> -> memref<632x16xf32, #tpu.memory_space<vmem_shared>>
      tpu.wait_dma2 semaphore(%run_scoped3A : memref<!tpu.dma_semaphore, #tpu.memory_space<semaphore_mem>>) src(%arg5 : memref<632x16xf32, #tpu.memory_space<hbm>>) dst(%dma_wait3A_12 : memref<632x16xf32, #tpu.memory_space<vmem_shared>>)
      tpu.yield
    }) : () -> ()
    %barrier3A = arith.constant 0 : index
    tpu.barrier barrier_id(%barrier3A)
    %scan3A = arith.constant 0 : i32
    %scan3A_5 = arith.constant 0 : i32
    %scan3A_6 = arith.constant 80 : i32
    %scan3A_7 = arith.addi %scan3A_5, %scan3A_6 : i32
    %scan3A_8 = arith.constant 1 : i32
    scf.for %scan3A_11 = %scan3A_5 to %scan3A_7 step %scan3A_8  : i32 {
      "tpu.region"() ({
        %run_scoped3A = tpu.sem_alloc : memref<!tpu.dma_semaphore, #tpu.memory_space<semaphore_mem>>
        %dma_start3A = arith.constant 0 : i32
        %dma_start3A_12 = tpu.memref_slice %arg8[%scan3A_11, %dma_start3A] : memref<80x128xi32, #tpu.memory_space<vmem>> -> memref<1x128xi32, #tpu.memory_space<vmem>>
        %dma_start3A_13 = tpu.memref_squeeze %dma_start3A_12 : memref<1x128xi32, #tpu.memory_space<vmem>> -> memref<128xi32, #tpu.memory_space<vmem>>
        %dma_start3A_14 = arith.constant 0 : i32
        %dma_start3A_15 = arith.constant 0 : i32
        %dma_start3A_16 = tpu.memref_slice %arg11[%dma_start3A_14, %dma_start3A_15] : memref<10112x16xf32, #tpu.memory_space<vmem_shared>> -> memref<10112x16xf32, #tpu.memory_space<vmem_shared>>
        tpu.enqueue_indirect_dma source(%arg10 : memref<128x16xf32, #tpu.memory_space<vmem>>) target(%dma_start3A_16 : memref<10112x16xf32, #tpu.memory_space<vmem_shared>>) offsets(%dma_start3A_13 : memref<128xi32, #tpu.memory_space<vmem>>) semaphore(%run_scoped3A : memref<!tpu.dma_semaphore, #tpu.memory_space<semaphore_mem>>) {add = true}
        %dma_wait3A = arith.constant 0 : i32
        %dma_wait3A_17 = tpu.memref_slice %arg8[%scan3A_11, %dma_wait3A] : memref<80x128xi32, #tpu.memory_space<vmem>> -> memref<1x128xi32, #tpu.memory_space<vmem>>
        %dma_wait3A_18 = tpu.memref_squeeze %dma_wait3A_17 : memref<1x128xi32, #tpu.memory_space<vmem>> -> memref<128xi32, #tpu.memory_space<vmem>>
        %dma_wait3A_19 = arith.constant 0 : i32
        %dma_wait3A_20 = arith.constant 0 : i32
        %dma_wait3A_21 = tpu.memref_slice %arg11[%dma_wait3A_19, %dma_wait3A_20] : memref<10112x16xf32, #tpu.memory_space<vmem_shared>> -> memref<10112x16xf32, #tpu.memory_space<vmem_shared>>
        tpu.wait_indirect_dma semaphore(%run_scoped3A : memref<!tpu.dma_semaphore, #tpu.memory_space<semaphore_mem>>) src(%arg10 : memref<128x16xf32, #tpu.memory_space<vmem>>) dst(%dma_wait3A_21 : memref<10112x16xf32, #tpu.memory_space<vmem_shared>>)
        tpu.yield
      }) : () -> ()
      "tpu.region"() ({
        %run_scoped3A = tpu.sem_alloc : memref<!tpu.dma_semaphore, #tpu.memory_space<semaphore_mem>>
        %dma_start3A = arith.constant 0 : i32
        %dma_start3A_12 = tpu.memref_slice %arg9[%scan3A_11, %dma_start3A] : memref<80x128xi32, #tpu.memory_space<vmem>> -> memref<1x128xi32, #tpu.memory_space<vmem>>
        %dma_start3A_13 = tpu.memref_squeeze %dma_start3A_12 : memref<1x128xi32, #tpu.memory_space<vmem>> -> memref<128xi32, #tpu.memory_space<vmem>>
        %dma_start3A_14 = arith.constant 0 : i32
        %dma_start3A_15 = arith.constant 0 : i32
        %dma_start3A_16 = tpu.memref_slice %arg12[%dma_start3A_14, %dma_start3A_15] : memref<10112x16xf32, #tpu.memory_space<vmem_shared>> -> memref<10112x16xf32, #tpu.memory_space<vmem_shared>>
        tpu.enqueue_indirect_dma source(%arg10 : memref<128x16xf32, #tpu.memory_space<vmem>>) target(%dma_start3A_16 : memref<10112x16xf32, #tpu.memory_space<vmem_shared>>) offsets(%dma_start3A_13 : memref<128xi32, #tpu.memory_space<vmem>>) semaphore(%run_scoped3A : memref<!tpu.dma_semaphore, #tpu.memory_space<semaphore_mem>>) {add = true}
        %dma_wait3A = arith.constant 0 : i32
        %dma_wait3A_17 = tpu.memref_slice %arg9[%scan3A_11, %dma_wait3A] : memref<80x128xi32, #tpu.memory_space<vmem>> -> memref<1x128xi32, #tpu.memory_space<vmem>>
        %dma_wait3A_18 = tpu.memref_squeeze %dma_wait3A_17 : memref<1x128xi32, #tpu.memory_space<vmem>> -> memref<128xi32, #tpu.memory_space<vmem>>
        %dma_wait3A_19 = arith.constant 0 : i32
        %dma_wait3A_20 = arith.constant 0 : i32
        %dma_wait3A_21 = tpu.memref_slice %arg12[%dma_wait3A_19, %dma_wait3A_20] : memref<10112x16xf32, #tpu.memory_space<vmem_shared>> -> memref<10112x16xf32, #tpu.memory_space<vmem_shared>>
        tpu.wait_indirect_dma semaphore(%run_scoped3A : memref<!tpu.dma_semaphore, #tpu.memory_space<semaphore_mem>>) src(%arg10 : memref<128x16xf32, #tpu.memory_space<vmem>>) dst(%dma_wait3A_21 : memref<10112x16xf32, #tpu.memory_space<vmem_shared>>)
        tpu.yield
      }) : () -> ()
    }
    %scan3A_9 = arith.constant 80 : i32
    %barrier3A_10 = arith.constant 0 : index
    tpu.barrier barrier_id(%barrier3A_10)
    "tpu.region"() ({
      %run_scoped3A = tpu.sem_alloc : memref<!tpu.dma_semaphore, #tpu.memory_space<semaphore_mem>>
      %dma_start3A = arith.constant 0 : i32
      %dma_start3A_11 = arith.constant 0 : i32
      %dma_start3A_12 = tpu.memref_slice %arg6[%arg0, %dma_start3A, %dma_start3A_11] : memref<2x10112x16xf32, #tpu.memory_space<hbm>> -> memref<1x10112x16xf32, #tpu.memory_space<hbm>>
      %dma_start3A_13 = tpu.memref_squeeze %dma_start3A_12 : memref<1x10112x16xf32, #tpu.memory_space<hbm>> -> memref<10112x16xf32, #tpu.memory_space<hbm>>
      %dma_start3A_14 = arith.constant 0 : i32
      %dma_start3A_15 = tpu.memref_slice %dma_start3A_13[%mul3A_4, %dma_start3A_14] : memref<10112x16xf32, #tpu.memory_space<hbm>> -> memref<632x16xf32, #tpu.memory_space<hbm>>
      %dma_start3A_16 = arith.constant 0 : i32
      %dma_start3A_17 = tpu.memref_slice %arg11[%mul3A_4, %dma_start3A_16] : memref<10112x16xf32, #tpu.memory_space<vmem_shared>> -> memref<632x16xf32, #tpu.memory_space<vmem_shared>>
      tpu.enqueue_dma source(%dma_start3A_17 : memref<632x16xf32, #tpu.memory_space<vmem_shared>>) target(%dma_start3A_15 : memref<632x16xf32, #tpu.memory_space<hbm>>) target_semaphore(%run_scoped3A : memref<!tpu.dma_semaphore, #tpu.memory_space<semaphore_mem>>)
      %dma_wait3A = arith.constant 0 : i32
      %dma_wait3A_18 = arith.constant 0 : i32
      %dma_wait3A_19 = tpu.memref_slice %arg6[%arg0, %dma_wait3A, %dma_wait3A_18] : memref<2x10112x16xf32, #tpu.memory_space<hbm>> -> memref<1x10112x16xf32, #tpu.memory_space<hbm>>
      %dma_wait3A_20 = tpu.memref_squeeze %dma_wait3A_19 : memref<1x10112x16xf32, #tpu.memory_space<hbm>> -> memref<10112x16xf32, #tpu.memory_space<hbm>>
      %dma_wait3A_21 = arith.constant 0 : i32
      %dma_wait3A_22 = tpu.memref_slice %dma_wait3A_20[%mul3A_4, %dma_wait3A_21] : memref<10112x16xf32, #tpu.memory_space<hbm>> -> memref<632x16xf32, #tpu.memory_space<hbm>>
      %dma_wait3A_23 = arith.constant 0 : i32
      %dma_wait3A_24 = tpu.memref_slice %arg11[%mul3A_4, %dma_wait3A_23] : memref<10112x16xf32, #tpu.memory_space<vmem_shared>> -> memref<632x16xf32, #tpu.memory_space<vmem_shared>>
      tpu.wait_dma2 semaphore(%run_scoped3A : memref<!tpu.dma_semaphore, #tpu.memory_space<semaphore_mem>>) src(%dma_wait3A_24 : memref<632x16xf32, #tpu.memory_space<vmem_shared>>) dst(%dma_wait3A_22 : memref<632x16xf32, #tpu.memory_space<hbm>>)
      tpu.yield
    }) : () -> ()
    "tpu.region"() ({
      %run_scoped3A = tpu.sem_alloc : memref<!tpu.dma_semaphore, #tpu.memory_space<semaphore_mem>>
      %dma_start3A = arith.constant 0 : i32
      %dma_start3A_11 = arith.constant 0 : i32
      %dma_start3A_12 = tpu.memref_slice %arg7[%arg0, %dma_start3A, %dma_start3A_11] : memref<2x10112x16xf32, #tpu.memory_space<hbm>> -> memref<1x10112x16xf32, #tpu.memory_space<hbm>>
      %dma_start3A_13 = tpu.memref_squeeze %dma_start3A_12 : memref<1x10112x16xf32, #tpu.memory_space<hbm>> -> memref<10112x16xf32, #tpu.memory_space<hbm>>
      %dma_start3A_14 = arith.constant 0 : i32
      %dma_start3A_15 = tpu.memref_slice %dma_start3A_13[%mul3A_4, %dma_start3A_14] : memref<10112x16xf32, #tpu.memory_space<hbm>> -> memref<632x16xf32, #tpu.memory_space<hbm>>
      %dma_start3A_16 = arith.constant 0 : i32
      %dma_start3A_17 = tpu.memref_slice %arg12[%mul3A_4, %dma_start3A_16] : memref<10112x16xf32, #tpu.memory_space<vmem_shared>> -> memref<632x16xf32, #tpu.memory_space<vmem_shared>>
      tpu.enqueue_dma source(%dma_start3A_17 : memref<632x16xf32, #tpu.memory_space<vmem_shared>>) target(%dma_start3A_15 : memref<632x16xf32, #tpu.memory_space<hbm>>) target_semaphore(%run_scoped3A : memref<!tpu.dma_semaphore, #tpu.memory_space<semaphore_mem>>)
      %dma_wait3A = arith.constant 0 : i32
      %dma_wait3A_18 = arith.constant 0 : i32
      %dma_wait3A_19 = tpu.memref_slice %arg7[%arg0, %dma_wait3A, %dma_wait3A_18] : memref<2x10112x16xf32, #tpu.memory_space<hbm>> -> memref<1x10112x16xf32, #tpu.memory_space<hbm>>
      %dma_wait3A_20 = tpu.memref_squeeze %dma_wait3A_19 : memref<1x10112x16xf32, #tpu.memory_space<hbm>> -> memref<10112x16xf32, #tpu.memory_space<hbm>>
      %dma_wait3A_21 = arith.constant 0 : i32
      %dma_wait3A_22 = tpu.memref_slice %dma_wait3A_20[%mul3A_4, %dma_wait3A_21] : memref<10112x16xf32, #tpu.memory_space<hbm>> -> memref<632x16xf32, #tpu.memory_space<hbm>>
      %dma_wait3A_23 = arith.constant 0 : i32
      %dma_wait3A_24 = tpu.memref_slice %arg12[%mul3A_4, %dma_wait3A_23] : memref<10112x16xf32, #tpu.memory_space<vmem_shared>> -> memref<632x16xf32, #tpu.memory_space<vmem_shared>>
      tpu.wait_dma2 semaphore(%run_scoped3A : memref<!tpu.dma_semaphore, #tpu.memory_space<semaphore_mem>>) src(%dma_wait3A_24 : memref<632x16xf32, #tpu.memory_space<vmem_shared>>) dst(%dma_wait3A_22 : memref<632x16xf32, #tpu.memory_space<hbm>>)
      tpu.yield
    }) : () -> ()
    return
  }
}

#map = affine_map<(d0, d1) -> (0, 0, 0)>
#map1 = affine_map<(d0, d1) -> (0, 0)>
#map2 = affine_map<(d0, d1) -> (0, 0, 0, 0)>
module attributes {stable_mosaic.version = 14 : i64} {
  func.func @_agg_body(%arg0: i32, %arg1: i32, %arg2: memref<2x10112x64xf32, #tpu.memory_space<hbm>>, %arg3: memref<2560x128xi32, #tpu.memory_space<hbm>>, %arg4: memref<2560x128xi32, #tpu.memory_space<hbm>>, %arg5: memref<2x2x10112x64xf32, #tpu.memory_space<hbm>>, %arg6: memref<148x128xi32, #tpu.memory_space<vmem>>, %arg7: memref<148x128xi32, #tpu.memory_space<vmem>>, %arg8: memref<2x128x64xf32, #tpu.memory_space<vmem>>, %arg9: memref<79x64xf32, #tpu.memory_space<vmem>>, %arg10: memref<10112x64xf32, #tpu.memory_space<vmem_shared>>, %arg11: memref<!tpu.dma_semaphore, #tpu.memory_space<semaphore_mem>>, %arg12: memref<!tpu.dma_semaphore, #tpu.memory_space<semaphore_mem>>) attributes {dimension_semantics = [#tpu.dimension_semantics<core_parallel>, #tpu.dimension_semantics<subcore_parallel>], iteration_bounds = array<i64: 2, 16>, scalar_prefetch = 0 : i64, scratch_operands = 7 : i64, tpu.core_type = #tpu.core_type<sc_vector_subcore>, window_params = [{transform_indices = #map}, {transform_indices = #map1}, {transform_indices = #map1}, {transform_indices = #map2}]} {
    %mul3A = arith.constant 632 : i32
    %mul3A_0 = arith.muli %arg1, %mul3A : i32
    %broadcast_in_dim3A = arith.constant 0.000000e+00 : f32
    %broadcast_in_dim3A_1 = vector.broadcast %broadcast_in_dim3A : f32 to vector<16xf32>
    %scan3A = arith.constant 0 : i32
    %scan3A_2 = arith.constant 0 : i32
    %scan3A_3 = arith.constant 316 : i32
    %scan3A_4 = arith.addi %scan3A_2, %scan3A_3 : i32
    %scan3A_5 = arith.constant 1 : i32
    scf.for %scan3A_9 = %scan3A_2 to %scan3A_4 step %scan3A_5  : i32 {
      %jit3A = arith.constant 4 : i32
      %div3A = arith.divsi %scan3A_9, %jit3A : i32
      %sign3A = arith.constant 0 : i32
      %sign3A_10 = arith.cmpi sgt, %scan3A_9, %sign3A : i32
      %sign3A_11 = arith.extui %sign3A_10 : i1 to i32
      %sign3A_12 = arith.constant 0 : i32
      %sign3A_13 = arith.cmpi slt, %scan3A_9, %sign3A_12 : i32
      %sign3A_14 = arith.extui %sign3A_13 : i1 to i32
      %sign3A_15 = arith.subi %sign3A_11, %sign3A_14 : i32
      %sign3A_16 = arith.constant 0 : i32
      %sign3A_17 = arith.cmpi sgt, %jit3A, %sign3A_16 : i32
      %sign3A_18 = arith.extui %sign3A_17 : i1 to i32
      %sign3A_19 = arith.constant 0 : i32
      %sign3A_20 = arith.cmpi slt, %jit3A, %sign3A_19 : i32
      %sign3A_21 = arith.extui %sign3A_20 : i1 to i32
      %sign3A_22 = arith.subi %sign3A_18, %sign3A_21 : i32
      %ne3A = arith.cmpi ne, %sign3A_15, %sign3A_22 : i32
      %rem3A = arith.remsi %scan3A_9, %jit3A : i32
      %ne3A_23 = arith.constant 0 : i32
      %ne3A_24 = arith.cmpi ne, %rem3A, %ne3A_23 : i32
      %and3A = arith.andi %ne3A, %ne3A_24 : i1
      %sub3A = arith.constant 1 : i32
      %sub3A_25 = arith.subi %div3A, %sub3A : i32
      %select_n3A = arith.select %and3A, %sub3A_25, %div3A : i32
      %jit3A_26 = arith.constant 4 : i32
      %eq3A_27 = arith.constant 0 : i32
      %eq3A_28 = arith.cmpi eq, %jit3A_26, %eq3A_27 : i32
      %jit3A_29 = arith.constant 1 : i32
      %select_n3A_30 = arith.select %eq3A_28, %jit3A_29, %jit3A_26 : i32
      %rem3A_31 = arith.remsi %scan3A_9, %select_n3A_30 : i32
      %ne3A_32 = arith.constant 0 : i32
      %ne3A_33 = arith.cmpi ne, %rem3A_31, %ne3A_32 : i32
      %lt3A = arith.constant 0 : i32
      %lt3A_34 = arith.cmpi slt, %rem3A_31, %lt3A : i32
      %lt3A_35 = arith.constant 0 : i32
      %lt3A_36 = arith.cmpi slt, %select_n3A_30, %lt3A_35 : i32
      %ne3A_37 = arith.xori %lt3A_34, %lt3A_36 : i1
      %and3A_38 = arith.andi %ne3A_37, %ne3A_33 : i1
      %add3A = arith.addi %rem3A_31, %select_n3A_30 : i32
      %select_n3A_39 = arith.select %and3A_38, %add3A, %rem3A_31 : i32
      %mul3A_40 = arith.constant 16 : i32
      %mul3A_41 = arith.muli %select_n3A_39, %mul3A_40 : i32
      %swap3A = arith.index_cast %select_n3A : i32 to index
      %swap3A_42 = arith.index_cast %mul3A_41 : i32 to index
      %swap3A_43 = tpu.vector_load %arg9[%swap3A, %swap3A_42] {strides = array<i32>} : memref<79x64xf32, #tpu.memory_space<vmem>>, vector<1x16xf32>,
      %swap3A_44 = vector.shape_cast %swap3A_43 : vector<1x16xf32> to vector<16xf32>
      %swap3A_45 = vector.shape_cast %broadcast_in_dim3A_1 : vector<16xf32> to vector<1x16xf32>
      tpu.vector_store %arg9[%swap3A, %swap3A_42], %swap3A_45 {strides = array<i32>} : memref<79x64xf32, #tpu.memory_space<vmem>>, vector<1x16xf32>,
    }
    %scan3A_6 = arith.constant 316 : i32
    %eq3A = arith.constant 0 : i32
    %eq3A_7 = arith.cmpi eq, %arg0, %eq3A : i32
    %convert_element_type3A = arith.extui %eq3A_7 : i1 to i32
    %cond3A = arith.constant 0 : i32
    %cond3A_8 = arith.cmpi ne, %convert_element_type3A, %cond3A : i32
    scf.if %cond3A_8 {
      %mul3A_9 = arith.constant 148 : i32
      %mul3A_10 = arith.muli %arg1, %mul3A_9 : i32
      "tpu.region"() ({
        %run_scoped3A_204 = tpu.sem_alloc : memref<!tpu.dma_semaphore, #tpu.memory_space<semaphore_mem>>
        %dma_start3A_205 = arith.constant 0 : i32
        %dma_start3A_206 = arith.constant 0 : i32
        %dma_start3A_207 = tpu.memref_slice %arg6[%dma_start3A_205, %dma_start3A_206] : memref<148x128xi32, #tpu.memory_space<vmem>> -> memref<148x128xi32, #tpu.memory_space<vmem>>
        %dma_start3A_208 = arith.constant 0 : i32
        %dma_start3A_209 = tpu.memref_slice %arg3[%mul3A_10, %dma_start3A_208] : memref<2560x128xi32, #tpu.memory_space<hbm>> -> memref<148x128xi32, #tpu.memory_space<hbm>>
        %dma_start3A_210 = arith.constant 0 : i32
        %dma_start3A_211 = arith.constant 0 : i32
        %dma_start3A_212 = tpu.memref_slice %arg6[%dma_start3A_210, %dma_start3A_211] : memref<148x128xi32, #tpu.memory_space<vmem>> -> memref<148x128xi32, #tpu.memory_space<vmem>>
        %dma_start3A_213 = arith.constant 0 : i32
        %dma_start3A_214 = tpu.memref_slice %arg3[%mul3A_10, %dma_start3A_213] : memref<2560x128xi32, #tpu.memory_space<hbm>> -> memref<148x128xi32, #tpu.memory_space<hbm>>
        tpu.enqueue_dma source(%dma_start3A_214 : memref<148x128xi32, #tpu.memory_space<hbm>>) target(%dma_start3A_212 : memref<148x128xi32, #tpu.memory_space<vmem>>) target_semaphore(%run_scoped3A_204 : memref<!tpu.dma_semaphore, #tpu.memory_space<semaphore_mem>>)
        %dma_wait3A_215 = arith.constant 0 : i32
        %dma_wait3A_216 = arith.constant 0 : i32
        %dma_wait3A_217 = tpu.memref_slice %arg6[%dma_wait3A_215, %dma_wait3A_216] : memref<148x128xi32, #tpu.memory_space<vmem>> -> memref<148x128xi32, #tpu.memory_space<vmem>>
        %dma_wait3A_218 = arith.constant 0 : i32
        %dma_wait3A_219 = tpu.memref_slice %arg3[%mul3A_10, %dma_wait3A_218] : memref<2560x128xi32, #tpu.memory_space<hbm>> -> memref<148x128xi32, #tpu.memory_space<hbm>>
        %dma_wait3A_220 = arith.constant 0 : i32
        %dma_wait3A_221 = arith.constant 0 : i32
        %dma_wait3A_222 = tpu.memref_slice %arg6[%dma_wait3A_220, %dma_wait3A_221] : memref<148x128xi32, #tpu.memory_space<vmem>> -> memref<148x128xi32, #tpu.memory_space<vmem>>
        %dma_wait3A_223 = arith.constant 0 : i32
        %dma_wait3A_224 = tpu.memref_slice %arg3[%mul3A_10, %dma_wait3A_223] : memref<2560x128xi32, #tpu.memory_space<hbm>> -> memref<148x128xi32, #tpu.memory_space<hbm>>
        tpu.wait_dma2 semaphore(%run_scoped3A_204 : memref<!tpu.dma_semaphore, #tpu.memory_space<semaphore_mem>>) src(%dma_wait3A_224 : memref<148x128xi32, #tpu.memory_space<hbm>>) dst(%dma_wait3A_222 : memref<148x128xi32, #tpu.memory_space<vmem>>)
        tpu.yield
      }) : () -> ()
      "tpu.region"() ({
        %run_scoped3A_204 = tpu.sem_alloc : memref<!tpu.dma_semaphore, #tpu.memory_space<semaphore_mem>>
        %dma_start3A_205 = arith.constant 0 : i32
        %dma_start3A_206 = arith.constant 0 : i32
        %dma_start3A_207 = tpu.memref_slice %arg7[%dma_start3A_205, %dma_start3A_206] : memref<148x128xi32, #tpu.memory_space<vmem>> -> memref<148x128xi32, #tpu.memory_space<vmem>>
        %dma_start3A_208 = arith.constant 0 : i32
        %dma_start3A_209 = tpu.memref_slice %arg4[%mul3A_10, %dma_start3A_208] : memref<2560x128xi32, #tpu.memory_space<hbm>> -> memref<148x128xi32, #tpu.memory_space<hbm>>
        %dma_start3A_210 = arith.constant 0 : i32
        %dma_start3A_211 = arith.constant 0 : i32
        %dma_start3A_212 = tpu.memref_slice %arg7[%dma_start3A_210, %dma_start3A_211] : memref<148x128xi32, #tpu.memory_space<vmem>> -> memref<148x128xi32, #tpu.memory_space<vmem>>
        %dma_start3A_213 = arith.constant 0 : i32
        %dma_start3A_214 = tpu.memref_slice %arg4[%mul3A_10, %dma_start3A_213] : memref<2560x128xi32, #tpu.memory_space<hbm>> -> memref<148x128xi32, #tpu.memory_space<hbm>>
        tpu.enqueue_dma source(%dma_start3A_214 : memref<148x128xi32, #tpu.memory_space<hbm>>) target(%dma_start3A_212 : memref<148x128xi32, #tpu.memory_space<vmem>>) target_semaphore(%run_scoped3A_204 : memref<!tpu.dma_semaphore, #tpu.memory_space<semaphore_mem>>)
        %dma_wait3A_215 = arith.constant 0 : i32
        %dma_wait3A_216 = arith.constant 0 : i32
        %dma_wait3A_217 = tpu.memref_slice %arg7[%dma_wait3A_215, %dma_wait3A_216] : memref<148x128xi32, #tpu.memory_space<vmem>> -> memref<148x128xi32, #tpu.memory_space<vmem>>
        %dma_wait3A_218 = arith.constant 0 : i32
        %dma_wait3A_219 = tpu.memref_slice %arg4[%mul3A_10, %dma_wait3A_218] : memref<2560x128xi32, #tpu.memory_space<hbm>> -> memref<148x128xi32, #tpu.memory_space<hbm>>
        %dma_wait3A_220 = arith.constant 0 : i32
        %dma_wait3A_221 = arith.constant 0 : i32
        %dma_wait3A_222 = tpu.memref_slice %arg7[%dma_wait3A_220, %dma_wait3A_221] : memref<148x128xi32, #tpu.memory_space<vmem>> -> memref<148x128xi32, #tpu.memory_space<vmem>>
        %dma_wait3A_223 = arith.constant 0 : i32
        %dma_wait3A_224 = tpu.memref_slice %arg4[%mul3A_10, %dma_wait3A_223] : memref<2560x128xi32, #tpu.memory_space<hbm>> -> memref<148x128xi32, #tpu.memory_space<hbm>>
        tpu.wait_dma2 semaphore(%run_scoped3A_204 : memref<!tpu.dma_semaphore, #tpu.memory_space<semaphore_mem>>) src(%dma_wait3A_224 : memref<148x128xi32, #tpu.memory_space<hbm>>) dst(%dma_wait3A_222 : memref<148x128xi32, #tpu.memory_space<vmem>>)
        tpu.yield
      }) : () -> ()
      %add3A = arith.constant 0 : i32
      %add3A_11 = arith.addi %mul3A_0, %add3A : i32
      "tpu.region"() ({
        %run_scoped3A_204 = tpu.sem_alloc : memref<!tpu.dma_semaphore, #tpu.memory_space<semaphore_mem>>
        %dma_start3A_205 = arith.constant 0 : i32
        %dma_start3A_206 = tpu.memref_slice %arg10[%add3A_11, %dma_start3A_205] : memref<10112x64xf32, #tpu.memory_space<vmem_shared>> -> memref<79x64xf32, #tpu.memory_space<vmem_shared>>
        %dma_start3A_207 = arith.constant 0 : i32
        %dma_start3A_208 = tpu.memref_slice %arg10[%add3A_11, %dma_start3A_207] : memref<10112x64xf32, #tpu.memory_space<vmem_shared>> -> memref<79x64xf32, #tpu.memory_space<vmem_shared>>
        tpu.enqueue_dma source(%arg9 : memref<79x64xf32, #tpu.memory_space<vmem>>) target(%dma_start3A_208 : memref<79x64xf32, #tpu.memory_space<vmem_shared>>) target_semaphore(%run_scoped3A_204 : memref<!tpu.dma_semaphore, #tpu.memory_space<semaphore_mem>>)
        %dma_wait3A_209 = arith.constant 0 : i32
        %dma_wait3A_210 = tpu.memref_slice %arg10[%add3A_11, %dma_wait3A_209] : memref<10112x64xf32, #tpu.memory_space<vmem_shared>> -> memref<79x64xf32, #tpu.memory_space<vmem_shared>>
        %dma_wait3A_211 = arith.constant 0 : i32
        %dma_wait3A_212 = tpu.memref_slice %arg10[%add3A_11, %dma_wait3A_211] : memref<10112x64xf32, #tpu.memory_space<vmem_shared>> -> memref<79x64xf32, #tpu.memory_space<vmem_shared>>
        tpu.wait_dma2 semaphore(%run_scoped3A_204 : memref<!tpu.dma_semaphore, #tpu.memory_space<semaphore_mem>>) src(%arg9 : memref<79x64xf32, #tpu.memory_space<vmem>>) dst(%dma_wait3A_212 : memref<79x64xf32, #tpu.memory_space<vmem_shared>>)
        tpu.yield
      }) : () -> ()
      %add3A_12 = arith.constant 79 : i32
      %add3A_13 = arith.addi %mul3A_0, %add3A_12 : i32
      "tpu.region"() ({
        %run_scoped3A_204 = tpu.sem_alloc : memref<!tpu.dma_semaphore, #tpu.memory_space<semaphore_mem>>
        %dma_start3A_205 = arith.constant 0 : i32
        %dma_start3A_206 = tpu.memref_slice %arg10[%add3A_13, %dma_start3A_205] : memref<10112x64xf32, #tpu.memory_space<vmem_shared>> -> memref<79x64xf32, #tpu.memory_space<vmem_shared>>
        %dma_start3A_207 = arith.constant 0 : i32
        %dma_start3A_208 = tpu.memref_slice %arg10[%add3A_13, %dma_start3A_207] : memref<10112x64xf32, #tpu.memory_space<vmem_shared>> -> memref<79x64xf32, #tpu.memory_space<vmem_shared>>
        tpu.enqueue_dma source(%arg9 : memref<79x64xf32, #tpu.memory_space<vmem>>) target(%dma_start3A_208 : memref<79x64xf32, #tpu.memory_space<vmem_shared>>) target_semaphore(%run_scoped3A_204 : memref<!tpu.dma_semaphore, #tpu.memory_space<semaphore_mem>>)
        %dma_wait3A_209 = arith.constant 0 : i32
        %dma_wait3A_210 = tpu.memref_slice %arg10[%add3A_13, %dma_wait3A_209] : memref<10112x64xf32, #tpu.memory_space<vmem_shared>> -> memref<79x64xf32, #tpu.memory_space<vmem_shared>>
        %dma_wait3A_211 = arith.constant 0 : i32
        %dma_wait3A_212 = tpu.memref_slice %arg10[%add3A_13, %dma_wait3A_211] : memref<10112x64xf32, #tpu.memory_space<vmem_shared>> -> memref<79x64xf32, #tpu.memory_space<vmem_shared>>
        tpu.wait_dma2 semaphore(%run_scoped3A_204 : memref<!tpu.dma_semaphore, #tpu.memory_space<semaphore_mem>>) src(%arg9 : memref<79x64xf32, #tpu.memory_space<vmem>>) dst(%dma_wait3A_212 : memref<79x64xf32, #tpu.memory_space<vmem_shared>>)
        tpu.yield
      }) : () -> ()
      %add3A_14 = arith.constant 158 : i32
      %add3A_15 = arith.addi %mul3A_0, %add3A_14 : i32
      "tpu.region"() ({
        %run_scoped3A_204 = tpu.sem_alloc : memref<!tpu.dma_semaphore, #tpu.memory_space<semaphore_mem>>
        %dma_start3A_205 = arith.constant 0 : i32
        %dma_start3A_206 = tpu.memref_slice %arg10[%add3A_15, %dma_start3A_205] : memref<10112x64xf32, #tpu.memory_space<vmem_shared>> -> memref<79x64xf32, #tpu.memory_space<vmem_shared>>
        %dma_start3A_207 = arith.constant 0 : i32
        %dma_start3A_208 = tpu.memref_slice %arg10[%add3A_15, %dma_start3A_207] : memref<10112x64xf32, #tpu.memory_space<vmem_shared>> -> memref<79x64xf32, #tpu.memory_space<vmem_shared>>
        tpu.enqueue_dma source(%arg9 : memref<79x64xf32, #tpu.memory_space<vmem>>) target(%dma_start3A_208 : memref<79x64xf32, #tpu.memory_space<vmem_shared>>) target_semaphore(%run_scoped3A_204 : memref<!tpu.dma_semaphore, #tpu.memory_space<semaphore_mem>>)
        %dma_wait3A_209 = arith.constant 0 : i32
        %dma_wait3A_210 = tpu.memref_slice %arg10[%add3A_15, %dma_wait3A_209] : memref<10112x64xf32, #tpu.memory_space<vmem_shared>> -> memref<79x64xf32, #tpu.memory_space<vmem_shared>>
        %dma_wait3A_211 = arith.constant 0 : i32
        %dma_wait3A_212 = tpu.memref_slice %arg10[%add3A_15, %dma_wait3A_211] : memref<10112x64xf32, #tpu.memory_space<vmem_shared>> -> memref<79x64xf32, #tpu.memory_space<vmem_shared>>
        tpu.wait_dma2 semaphore(%run_scoped3A_204 : memref<!tpu.dma_semaphore, #tpu.memory_space<semaphore_mem>>) src(%arg9 : memref<79x64xf32, #tpu.memory_space<vmem>>) dst(%dma_wait3A_212 : memref<79x64xf32, #tpu.memory_space<vmem_shared>>)
        tpu.yield
      }) : () -> ()
      %add3A_16 = arith.constant 237 : i32
      %add3A_17 = arith.addi %mul3A_0, %add3A_16 : i32
      "tpu.region"() ({
        %run_scoped3A_204 = tpu.sem_alloc : memref<!tpu.dma_semaphore, #tpu.memory_space<semaphore_mem>>
        %dma_start3A_205 = arith.constant 0 : i32
        %dma_start3A_206 = tpu.memref_slice %arg10[%add3A_17, %dma_start3A_205] : memref<10112x64xf32, #tpu.memory_space<vmem_shared>> -> memref<79x64xf32, #tpu.memory_space<vmem_shared>>
        %dma_start3A_207 = arith.constant 0 : i32
        %dma_start3A_208 = tpu.memref_slice %arg10[%add3A_17, %dma_start3A_207] : memref<10112x64xf32, #tpu.memory_space<vmem_shared>> -> memref<79x64xf32, #tpu.memory_space<vmem_shared>>
        tpu.enqueue_dma source(%arg9 : memref<79x64xf32, #tpu.memory_space<vmem>>) target(%dma_start3A_208 : memref<79x64xf32, #tpu.memory_space<vmem_shared>>) target_semaphore(%run_scoped3A_204 : memref<!tpu.dma_semaphore, #tpu.memory_space<semaphore_mem>>)
        %dma_wait3A_209 = arith.constant 0 : i32
        %dma_wait3A_210 = tpu.memref_slice %arg10[%add3A_17, %dma_wait3A_209] : memref<10112x64xf32, #tpu.memory_space<vmem_shared>> -> memref<79x64xf32, #tpu.memory_space<vmem_shared>>
        %dma_wait3A_211 = arith.constant 0 : i32
        %dma_wait3A_212 = tpu.memref_slice %arg10[%add3A_17, %dma_wait3A_211] : memref<10112x64xf32, #tpu.memory_space<vmem_shared>> -> memref<79x64xf32, #tpu.memory_space<vmem_shared>>
        tpu.wait_dma2 semaphore(%run_scoped3A_204 : memref<!tpu.dma_semaphore, #tpu.memory_space<semaphore_mem>>) src(%arg9 : memref<79x64xf32, #tpu.memory_space<vmem>>) dst(%dma_wait3A_212 : memref<79x64xf32, #tpu.memory_space<vmem_shared>>)
        tpu.yield
      }) : () -> ()
      %add3A_18 = arith.constant 316 : i32
      %add3A_19 = arith.addi %mul3A_0, %add3A_18 : i32
      "tpu.region"() ({
        %run_scoped3A_204 = tpu.sem_alloc : memref<!tpu.dma_semaphore, #tpu.memory_space<semaphore_mem>>
        %dma_start3A_205 = arith.constant 0 : i32
        %dma_start3A_206 = tpu.memref_slice %arg10[%add3A_19, %dma_start3A_205] : memref<10112x64xf32, #tpu.memory_space<vmem_shared>> -> memref<79x64xf32, #tpu.memory_space<vmem_shared>>
        %dma_start3A_207 = arith.constant 0 : i32
        %dma_start3A_208 = tpu.memref_slice %arg10[%add3A_19, %dma_start3A_207] : memref<10112x64xf32, #tpu.memory_space<vmem_shared>> -> memref<79x64xf32, #tpu.memory_space<vmem_shared>>
        tpu.enqueue_dma source(%arg9 : memref<79x64xf32, #tpu.memory_space<vmem>>) target(%dma_start3A_208 : memref<79x64xf32, #tpu.memory_space<vmem_shared>>) target_semaphore(%run_scoped3A_204 : memref<!tpu.dma_semaphore, #tpu.memory_space<semaphore_mem>>)
        %dma_wait3A_209 = arith.constant 0 : i32
        %dma_wait3A_210 = tpu.memref_slice %arg10[%add3A_19, %dma_wait3A_209] : memref<10112x64xf32, #tpu.memory_space<vmem_shared>> -> memref<79x64xf32, #tpu.memory_space<vmem_shared>>
        %dma_wait3A_211 = arith.constant 0 : i32
        %dma_wait3A_212 = tpu.memref_slice %arg10[%add3A_19, %dma_wait3A_211] : memref<10112x64xf32, #tpu.memory_space<vmem_shared>> -> memref<79x64xf32, #tpu.memory_space<vmem_shared>>
        tpu.wait_dma2 semaphore(%run_scoped3A_204 : memref<!tpu.dma_semaphore, #tpu.memory_space<semaphore_mem>>) src(%arg9 : memref<79x64xf32, #tpu.memory_space<vmem>>) dst(%dma_wait3A_212 : memref<79x64xf32, #tpu.memory_space<vmem_shared>>)
        tpu.yield
      }) : () -> ()
      %add3A_20 = arith.constant 395 : i32
      %add3A_21 = arith.addi %mul3A_0, %add3A_20 : i32
      "tpu.region"() ({
        %run_scoped3A_204 = tpu.sem_alloc : memref<!tpu.dma_semaphore, #tpu.memory_space<semaphore_mem>>
        %dma_start3A_205 = arith.constant 0 : i32
        %dma_start3A_206 = tpu.memref_slice %arg10[%add3A_21, %dma_start3A_205] : memref<10112x64xf32, #tpu.memory_space<vmem_shared>> -> memref<79x64xf32, #tpu.memory_space<vmem_shared>>
        %dma_start3A_207 = arith.constant 0 : i32
        %dma_start3A_208 = tpu.memref_slice %arg10[%add3A_21, %dma_start3A_207] : memref<10112x64xf32, #tpu.memory_space<vmem_shared>> -> memref<79x64xf32, #tpu.memory_space<vmem_shared>>
        tpu.enqueue_dma source(%arg9 : memref<79x64xf32, #tpu.memory_space<vmem>>) target(%dma_start3A_208 : memref<79x64xf32, #tpu.memory_space<vmem_shared>>) target_semaphore(%run_scoped3A_204 : memref<!tpu.dma_semaphore, #tpu.memory_space<semaphore_mem>>)
        %dma_wait3A_209 = arith.constant 0 : i32
        %dma_wait3A_210 = tpu.memref_slice %arg10[%add3A_21, %dma_wait3A_209] : memref<10112x64xf32, #tpu.memory_space<vmem_shared>> -> memref<79x64xf32, #tpu.memory_space<vmem_shared>>
        %dma_wait3A_211 = arith.constant 0 : i32
        %dma_wait3A_212 = tpu.memref_slice %arg10[%add3A_21, %dma_wait3A_211] : memref<10112x64xf32, #tpu.memory_space<vmem_shared>> -> memref<79x64xf32, #tpu.memory_space<vmem_shared>>
        tpu.wait_dma2 semaphore(%run_scoped3A_204 : memref<!tpu.dma_semaphore, #tpu.memory_space<semaphore_mem>>) src(%arg9 : memref<79x64xf32, #tpu.memory_space<vmem>>) dst(%dma_wait3A_212 : memref<79x64xf32, #tpu.memory_space<vmem_shared>>)
        tpu.yield
      }) : () -> ()
      %add3A_22 = arith.constant 474 : i32
      %add3A_23 = arith.addi %mul3A_0, %add3A_22 : i32
      "tpu.region"() ({
        %run_scoped3A_204 = tpu.sem_alloc : memref<!tpu.dma_semaphore, #tpu.memory_space<semaphore_mem>>
        %dma_start3A_205 = arith.constant 0 : i32
        %dma_start3A_206 = tpu.memref_slice %arg10[%add3A_23, %dma_start3A_205] : memref<10112x64xf32, #tpu.memory_space<vmem_shared>> -> memref<79x64xf32, #tpu.memory_space<vmem_shared>>
        %dma_start3A_207 = arith.constant 0 : i32
        %dma_start3A_208 = tpu.memref_slice %arg10[%add3A_23, %dma_start3A_207] : memref<10112x64xf32, #tpu.memory_space<vmem_shared>> -> memref<79x64xf32, #tpu.memory_space<vmem_shared>>
        tpu.enqueue_dma source(%arg9 : memref<79x64xf32, #tpu.memory_space<vmem>>) target(%dma_start3A_208 : memref<79x64xf32, #tpu.memory_space<vmem_shared>>) target_semaphore(%run_scoped3A_204 : memref<!tpu.dma_semaphore, #tpu.memory_space<semaphore_mem>>)
        %dma_wait3A_209 = arith.constant 0 : i32
        %dma_wait3A_210 = tpu.memref_slice %arg10[%add3A_23, %dma_wait3A_209] : memref<10112x64xf32, #tpu.memory_space<vmem_shared>> -> memref<79x64xf32, #tpu.memory_space<vmem_shared>>
        %dma_wait3A_211 = arith.constant 0 : i32
        %dma_wait3A_212 = tpu.memref_slice %arg10[%add3A_23, %dma_wait3A_211] : memref<10112x64xf32, #tpu.memory_space<vmem_shared>> -> memref<79x64xf32, #tpu.memory_space<vmem_shared>>
        tpu.wait_dma2 semaphore(%run_scoped3A_204 : memref<!tpu.dma_semaphore, #tpu.memory_space<semaphore_mem>>) src(%arg9 : memref<79x64xf32, #tpu.memory_space<vmem>>) dst(%dma_wait3A_212 : memref<79x64xf32, #tpu.memory_space<vmem_shared>>)
        tpu.yield
      }) : () -> ()
      %add3A_24 = arith.constant 553 : i32
      %add3A_25 = arith.addi %mul3A_0, %add3A_24 : i32
      "tpu.region"() ({
        %run_scoped3A_204 = tpu.sem_alloc : memref<!tpu.dma_semaphore, #tpu.memory_space<semaphore_mem>>
        %dma_start3A_205 = arith.constant 0 : i32
        %dma_start3A_206 = tpu.memref_slice %arg10[%add3A_25, %dma_start3A_205] : memref<10112x64xf32, #tpu.memory_space<vmem_shared>> -> memref<79x64xf32, #tpu.memory_space<vmem_shared>>
        %dma_start3A_207 = arith.constant 0 : i32
        %dma_start3A_208 = tpu.memref_slice %arg10[%add3A_25, %dma_start3A_207] : memref<10112x64xf32, #tpu.memory_space<vmem_shared>> -> memref<79x64xf32, #tpu.memory_space<vmem_shared>>
        tpu.enqueue_dma source(%arg9 : memref<79x64xf32, #tpu.memory_space<vmem>>) target(%dma_start3A_208 : memref<79x64xf32, #tpu.memory_space<vmem_shared>>) target_semaphore(%run_scoped3A_204 : memref<!tpu.dma_semaphore, #tpu.memory_space<semaphore_mem>>)
        %dma_wait3A_209 = arith.constant 0 : i32
        %dma_wait3A_210 = tpu.memref_slice %arg10[%add3A_25, %dma_wait3A_209] : memref<10112x64xf32, #tpu.memory_space<vmem_shared>> -> memref<79x64xf32, #tpu.memory_space<vmem_shared>>
        %dma_wait3A_211 = arith.constant 0 : i32
        %dma_wait3A_212 = tpu.memref_slice %arg10[%add3A_25, %dma_wait3A_211] : memref<10112x64xf32, #tpu.memory_space<vmem_shared>> -> memref<79x64xf32, #tpu.memory_space<vmem_shared>>
        tpu.wait_dma2 semaphore(%run_scoped3A_204 : memref<!tpu.dma_semaphore, #tpu.memory_space<semaphore_mem>>) src(%arg9 : memref<79x64xf32, #tpu.memory_space<vmem>>) dst(%dma_wait3A_212 : memref<79x64xf32, #tpu.memory_space<vmem_shared>>)
        tpu.yield
      }) : () -> ()
      %barrier3A = arith.constant 0 : index
      tpu.barrier barrier_id(%barrier3A)
      %dma_start3A = arith.constant 0 : i32
      %dma_start3A_26 = arith.constant 0 : i32
      %dma_start3A_27 = arith.constant 0 : i32
      %dma_start3A_28 = arith.constant 0 : i32
      %dma_start3A_29 = arith.constant 0 : i32
      %dma_start3A_30 = tpu.memref_slice %arg8[%dma_start3A_27, %dma_start3A_28, %dma_start3A_29] : memref<2x128x64xf32, #tpu.memory_space<vmem>> -> memref<1x128x64xf32, #tpu.memory_space<vmem>>
      %dma_start3A_31 = tpu.memref_squeeze %dma_start3A_30 : memref<1x128x64xf32, #tpu.memory_space<vmem>> -> memref<128x64xf32, #tpu.memory_space<vmem>>
      %dma_start3A_32 = arith.constant 0 : i32
      %dma_start3A_33 = tpu.memref_slice %arg6[%dma_start3A_26, %dma_start3A_32] : memref<148x128xi32, #tpu.memory_space<vmem>> -> memref<1x128xi32, #tpu.memory_space<vmem>>
      %dma_start3A_34 = tpu.memref_squeeze %dma_start3A_33 : memref<1x128xi32, #tpu.memory_space<vmem>> -> memref<128xi32, #tpu.memory_space<vmem>>
      %dma_start3A_35 = arith.constant 0 : i32
      %dma_start3A_36 = arith.constant 0 : i32
      %dma_start3A_37 = tpu.memref_slice %arg2[%dma_start3A, %dma_start3A_35, %dma_start3A_36] : memref<2x10112x64xf32, #tpu.memory_space<hbm>> -> memref<1x10112x64xf32, #tpu.memory_space<hbm>>
      %dma_start3A_38 = tpu.memref_squeeze %dma_start3A_37 : memref<1x10112x64xf32, #tpu.memory_space<hbm>> -> memref<10112x64xf32, #tpu.memory_space<hbm>>
      %dma_start3A_39 = arith.constant 0 : i32
      %dma_start3A_40 = arith.constant 0 : i32
      %dma_start3A_41 = tpu.memref_slice %dma_start3A_38[%dma_start3A_39, %dma_start3A_40] : memref<10112x64xf32, #tpu.memory_space<hbm>> -> memref<10112x64xf32, #tpu.memory_space<hbm>>
      tpu.enqueue_indirect_dma source(%dma_start3A_41 : memref<10112x64xf32, #tpu.memory_space<hbm>>) target(%dma_start3A_31 : memref<128x64xf32, #tpu.memory_space<vmem>>) offsets(%dma_start3A_34 : memref<128xi32, #tpu.memory_space<vmem>>) semaphore(%arg11 : memref<!tpu.dma_semaphore, #tpu.memory_space<semaphore_mem>>)
      %dma_start3A_42 = arith.constant 0 : i32
      %dma_start3A_43 = arith.constant 1 : i32
      %dma_start3A_44 = arith.constant 1 : i32
      %dma_start3A_45 = arith.constant 0 : i32
      %dma_start3A_46 = arith.constant 0 : i32
      %dma_start3A_47 = tpu.memref_slice %arg8[%dma_start3A_44, %dma_start3A_45, %dma_start3A_46] : memref<2x128x64xf32, #tpu.memory_space<vmem>> -> memref<1x128x64xf32, #tpu.memory_space<vmem>>
      %dma_start3A_48 = tpu.memref_squeeze %dma_start3A_47 : memref<1x128x64xf32, #tpu.memory_space<vmem>> -> memref<128x64xf32, #tpu.memory_space<vmem>>
      %dma_start3A_49 = arith.constant 0 : i32
      %dma_start3A_50 = tpu.memref_slice %arg6[%dma_start3A_43, %dma_start3A_49] : memref<148x128xi32, #tpu.memory_space<vmem>> -> memref<1x128xi32, #tpu.memory_space<vmem>>
      %dma_start3A_51 = tpu.memref_squeeze %dma_start3A_50 : memref<1x128xi32, #tpu.memory_space<vmem>> -> memref<128xi32, #tpu.memory_space<vmem>>
      %dma_start3A_52 = arith.constant 0 : i32
      %dma_start3A_53 = arith.constant 0 : i32
      %dma_start3A_54 = tpu.memref_slice %arg2[%dma_start3A_42, %dma_start3A_52, %dma_start3A_53] : memref<2x10112x64xf32, #tpu.memory_space<hbm>> -> memref<1x10112x64xf32, #tpu.memory_space<hbm>>
      %dma_start3A_55 = tpu.memref_squeeze %dma_start3A_54 : memref<1x10112x64xf32, #tpu.memory_space<hbm>> -> memref<10112x64xf32, #tpu.memory_space<hbm>>
      %dma_start3A_56 = arith.constant 0 : i32
      %dma_start3A_57 = arith.constant 0 : i32
      %dma_start3A_58 = tpu.memref_slice %dma_start3A_55[%dma_start3A_56, %dma_start3A_57] : memref<10112x64xf32, #tpu.memory_space<hbm>> -> memref<10112x64xf32, #tpu.memory_space<hbm>>
      tpu.enqueue_indirect_dma source(%dma_start3A_58 : memref<10112x64xf32, #tpu.memory_space<hbm>>) target(%dma_start3A_48 : memref<128x64xf32, #tpu.memory_space<vmem>>) offsets(%dma_start3A_51 : memref<128xi32, #tpu.memory_space<vmem>>) semaphore(%arg12 : memref<!tpu.dma_semaphore, #tpu.memory_space<semaphore_mem>>)
      %scan3A_59 = arith.constant 0 : i32
      %scan3A_60 = arith.constant 0 : i32
      %scan3A_61 = arith.constant 0 : i32
      %scan3A_62 = arith.constant 73 : i32
      %scan3A_63 = arith.addi %scan3A_61, %scan3A_62 : i32
      %scan3A_64 = arith.constant 1 : i32
      scf.for %scan3A_204 = %scan3A_61 to %scan3A_63 step %scan3A_64  : i32 {
        %mul3A_205 = arith.constant 2 : i32
        %mul3A_206 = arith.muli %mul3A_205, %scan3A_204 : i32
        %add3A_207 = arith.constant 0 : i32
        %add3A_208 = arith.addi %mul3A_206, %add3A_207 : i32
        %dma_wait3A_209 = arith.constant 0 : i32
        %dma_wait3A_210 = arith.constant 0 : i32
        %dma_wait3A_211 = arith.constant 0 : i32
        %dma_wait3A_212 = tpu.memref_slice %arg8[%dma_wait3A_209, %dma_wait3A_210, %dma_wait3A_211] : memref<2x128x64xf32, #tpu.memory_space<vmem>> -> memref<1x128x64xf32, #tpu.memory_space<vmem>>
        %dma_wait3A_213 = tpu.memref_squeeze %dma_wait3A_212 : memref<1x128x64xf32, #tpu.memory_space<vmem>> -> memref<128x64xf32, #tpu.memory_space<vmem>>
        %dma_wait3A_214 = arith.constant 0 : i32
        %dma_wait3A_215 = tpu.memref_slice %arg6[%add3A_208, %dma_wait3A_214] : memref<148x128xi32, #tpu.memory_space<vmem>> -> memref<1x128xi32, #tpu.memory_space<vmem>>
        %dma_wait3A_216 = tpu.memref_squeeze %dma_wait3A_215 : memref<1x128xi32, #tpu.memory_space<vmem>> -> memref<128xi32, #tpu.memory_space<vmem>>
        %dma_wait3A_217 = arith.constant 0 : i32
        %dma_wait3A_218 = arith.constant 0 : i32
        %dma_wait3A_219 = tpu.memref_slice %arg2[%scan3A_60, %dma_wait3A_217, %dma_wait3A_218] : memref<2x10112x64xf32, #tpu.memory_space<hbm>> -> memref<1x10112x64xf32, #tpu.memory_space<hbm>>
        %dma_wait3A_220 = tpu.memref_squeeze %dma_wait3A_219 : memref<1x10112x64xf32, #tpu.memory_space<hbm>> -> memref<10112x64xf32, #tpu.memory_space<hbm>>
        %dma_wait3A_221 = arith.constant 0 : i32
        %dma_wait3A_222 = arith.constant 0 : i32
        %dma_wait3A_223 = tpu.memref_slice %dma_wait3A_220[%dma_wait3A_221, %dma_wait3A_222] : memref<10112x64xf32, #tpu.memory_space<hbm>> -> memref<10112x64xf32, #tpu.memory_space<hbm>>
        tpu.wait_indirect_dma semaphore(%arg11 : memref<!tpu.dma_semaphore, #tpu.memory_space<semaphore_mem>>) src(%dma_wait3A_223 : memref<10112x64xf32, #tpu.memory_space<hbm>>) dst(%dma_wait3A_213 : memref<128x64xf32, #tpu.memory_space<vmem>>)
        %run_scoped3A_224 = arith.constant 0 : i32
        "tpu.region"() ({
          %run_scoped3A_277 = tpu.sem_alloc : memref<!tpu.dma_semaphore, #tpu.memory_space<semaphore_mem>>
          %dma_start3A_278 = arith.constant 0 : i32
          %dma_start3A_279 = arith.constant 0 : i32
          %dma_start3A_280 = tpu.memref_slice %arg8[%run_scoped3A_224, %dma_start3A_278, %dma_start3A_279] : memref<2x128x64xf32, #tpu.memory_space<vmem>> -> memref<1x128x64xf32, #tpu.memory_space<vmem>>
          %dma_start3A_281 = tpu.memref_squeeze %dma_start3A_280 : memref<1x128x64xf32, #tpu.memory_space<vmem>> -> memref<128x64xf32, #tpu.memory_space<vmem>>
          %dma_start3A_282 = arith.constant 0 : i32
          %dma_start3A_283 = tpu.memref_slice %arg7[%add3A_208, %dma_start3A_282] : memref<148x128xi32, #tpu.memory_space<vmem>> -> memref<1x128xi32, #tpu.memory_space<vmem>>
          %dma_start3A_284 = tpu.memref_squeeze %dma_start3A_283 : memref<1x128xi32, #tpu.memory_space<vmem>> -> memref<128xi32, #tpu.memory_space<vmem>>
          %dma_start3A_285 = arith.constant 0 : i32
          %dma_start3A_286 = arith.constant 0 : i32
          %dma_start3A_287 = tpu.memref_slice %arg10[%dma_start3A_285, %dma_start3A_286] : memref<10112x64xf32, #tpu.memory_space<vmem_shared>> -> memref<10112x64xf32, #tpu.memory_space<vmem_shared>>
          tpu.enqueue_indirect_dma source(%dma_start3A_281 : memref<128x64xf32, #tpu.memory_space<vmem>>) target(%dma_start3A_287 : memref<10112x64xf32, #tpu.memory_space<vmem_shared>>) offsets(%dma_start3A_284 : memref<128xi32, #tpu.memory_space<vmem>>) semaphore(%run_scoped3A_277 : memref<!tpu.dma_semaphore, #tpu.memory_space<semaphore_mem>>) {add = true}
          %dma_wait3A_288 = arith.constant 0 : i32
          %dma_wait3A_289 = arith.constant 0 : i32
          %dma_wait3A_290 = tpu.memref_slice %arg8[%run_scoped3A_224, %dma_wait3A_288, %dma_wait3A_289] : memref<2x128x64xf32, #tpu.memory_space<vmem>> -> memref<1x128x64xf32, #tpu.memory_space<vmem>>
          %dma_wait3A_291 = tpu.memref_squeeze %dma_wait3A_290 : memref<1x128x64xf32, #tpu.memory_space<vmem>> -> memref<128x64xf32, #tpu.memory_space<vmem>>
          %dma_wait3A_292 = arith.constant 0 : i32
          %dma_wait3A_293 = tpu.memref_slice %arg7[%add3A_208, %dma_wait3A_292] : memref<148x128xi32, #tpu.memory_space<vmem>> -> memref<1x128xi32, #tpu.memory_space<vmem>>
          %dma_wait3A_294 = tpu.memref_squeeze %dma_wait3A_293 : memref<1x128xi32, #tpu.memory_space<vmem>> -> memref<128xi32, #tpu.memory_space<vmem>>
          %dma_wait3A_295 = arith.constant 0 : i32
          %dma_wait3A_296 = arith.constant 0 : i32
          %dma_wait3A_297 = tpu.memref_slice %arg10[%dma_wait3A_295, %dma_wait3A_296] : memref<10112x64xf32, #tpu.memory_space<vmem_shared>> -> memref<10112x64xf32, #tpu.memory_space<vmem_shared>>
          tpu.wait_indirect_dma semaphore(%run_scoped3A_277 : memref<!tpu.dma_semaphore, #tpu.memory_space<semaphore_mem>>) src(%dma_wait3A_291 : memref<128x64xf32, #tpu.memory_space<vmem>>) dst(%dma_wait3A_297 : memref<10112x64xf32, #tpu.memory_space<vmem_shared>>)
          tpu.yield
        }) : () -> ()
        %add3A_225 = arith.constant 2 : i32
        %add3A_226 = arith.addi %add3A_208, %add3A_225 : i32
        %dma_start3A_227 = arith.constant 0 : i32
        %dma_start3A_228 = arith.constant 0 : i32
        %dma_start3A_229 = arith.constant 0 : i32
        %dma_start3A_230 = tpu.memref_slice %arg8[%dma_start3A_227, %dma_start3A_228, %dma_start3A_229] : memref<2x128x64xf32, #tpu.memory_space<vmem>> -> memref<1x128x64xf32, #tpu.memory_space<vmem>>
        %dma_start3A_231 = tpu.memref_squeeze %dma_start3A_230 : memref<1x128x64xf32, #tpu.memory_space<vmem>> -> memref<128x64xf32, #tpu.memory_space<vmem>>
        %dma_start3A_232 = arith.constant 0 : i32
        %dma_start3A_233 = tpu.memref_slice %arg6[%add3A_226, %dma_start3A_232] : memref<148x128xi32, #tpu.memory_space<vmem>> -> memref<1x128xi32, #tpu.memory_space<vmem>>
        %dma_start3A_234 = tpu.memref_squeeze %dma_start3A_233 : memref<1x128xi32, #tpu.memory_space<vmem>> -> memref<128xi32, #tpu.memory_space<vmem>>
        %dma_start3A_235 = arith.constant 0 : i32
        %dma_start3A_236 = arith.constant 0 : i32
        %dma_start3A_237 = tpu.memref_slice %arg2[%scan3A_60, %dma_start3A_235, %dma_start3A_236] : memref<2x10112x64xf32, #tpu.memory_space<hbm>> -> memref<1x10112x64xf32, #tpu.memory_space<hbm>>
        %dma_start3A_238 = tpu.memref_squeeze %dma_start3A_237 : memref<1x10112x64xf32, #tpu.memory_space<hbm>> -> memref<10112x64xf32, #tpu.memory_space<hbm>>
        %dma_start3A_239 = arith.constant 0 : i32
        %dma_start3A_240 = arith.constant 0 : i32
        %dma_start3A_241 = tpu.memref_slice %dma_start3A_238[%dma_start3A_239, %dma_start3A_240] : memref<10112x64xf32, #tpu.memory_space<hbm>> -> memref<10112x64xf32, #tpu.memory_space<hbm>>
        tpu.enqueue_indirect_dma source(%dma_start3A_241 : memref<10112x64xf32, #tpu.memory_space<hbm>>) target(%dma_start3A_231 : memref<128x64xf32, #tpu.memory_space<vmem>>) offsets(%dma_start3A_234 : memref<128xi32, #tpu.memory_space<vmem>>) semaphore(%arg11 : memref<!tpu.dma_semaphore, #tpu.memory_space<semaphore_mem>>)
        %add3A_242 = arith.constant 1 : i32
        %add3A_243 = arith.addi %mul3A_206, %add3A_242 : i32
        %dma_wait3A_244 = arith.constant 1 : i32
        %dma_wait3A_245 = arith.constant 0 : i32
        %dma_wait3A_246 = arith.constant 0 : i32
        %dma_wait3A_247 = tpu.memref_slice %arg8[%dma_wait3A_244, %dma_wait3A_245, %dma_wait3A_246] : memref<2x128x64xf32, #tpu.memory_space<vmem>> -> memref<1x128x64xf32, #tpu.memory_space<vmem>>
        %dma_wait3A_248 = tpu.memref_squeeze %dma_wait3A_247 : memref<1x128x64xf32, #tpu.memory_space<vmem>> -> memref<128x64xf32, #tpu.memory_space<vmem>>
        %dma_wait3A_249 = arith.constant 0 : i32
        %dma_wait3A_250 = tpu.memref_slice %arg6[%add3A_243, %dma_wait3A_249] : memref<148x128xi32, #tpu.memory_space<vmem>> -> memref<1x128xi32, #tpu.memory_space<vmem>>
        %dma_wait3A_251 = tpu.memref_squeeze %dma_wait3A_250 : memref<1x128xi32, #tpu.memory_space<vmem>> -> memref<128xi32, #tpu.memory_space<vmem>>
        %dma_wait3A_252 = arith.constant 0 : i32
        %dma_wait3A_253 = arith.constant 0 : i32
        %dma_wait3A_254 = tpu.memref_slice %arg2[%scan3A_60, %dma_wait3A_252, %dma_wait3A_253] : memref<2x10112x64xf32, #tpu.memory_space<hbm>> -> memref<1x10112x64xf32, #tpu.memory_space<hbm>>
        %dma_wait3A_255 = tpu.memref_squeeze %dma_wait3A_254 : memref<1x10112x64xf32, #tpu.memory_space<hbm>> -> memref<10112x64xf32, #tpu.memory_space<hbm>>
        %dma_wait3A_256 = arith.constant 0 : i32
        %dma_wait3A_257 = arith.constant 0 : i32
        %dma_wait3A_258 = tpu.memref_slice %dma_wait3A_255[%dma_wait3A_256, %dma_wait3A_257] : memref<10112x64xf32, #tpu.memory_space<hbm>> -> memref<10112x64xf32, #tpu.memory_space<hbm>>
        tpu.wait_indirect_dma semaphore(%arg12 : memref<!tpu.dma_semaphore, #tpu.memory_space<semaphore_mem>>) src(%dma_wait3A_258 : memref<10112x64xf32, #tpu.memory_space<hbm>>) dst(%dma_wait3A_248 : memref<128x64xf32, #tpu.memory_space<vmem>>)
        %run_scoped3A_259 = arith.constant 1 : i32
        "tpu.region"() ({
          %run_scoped3A_277 = tpu.sem_alloc : memref<!tpu.dma_semaphore, #tpu.memory_space<semaphore_mem>>
          %dma_start3A_278 = arith.constant 0 : i32
          %dma_start3A_279 = arith.constant 0 : i32
          %dma_start3A_280 = tpu.memref_slice %arg8[%run_scoped3A_259, %dma_start3A_278, %dma_start3A_279] : memref<2x128x64xf32, #tpu.memory_space<vmem>> -> memref<1x128x64xf32, #tpu.memory_space<vmem>>
          %dma_start3A_281 = tpu.memref_squeeze %dma_start3A_280 : memref<1x128x64xf32, #tpu.memory_space<vmem>> -> memref<128x64xf32, #tpu.memory_space<vmem>>
          %dma_start3A_282 = arith.constant 0 : i32
          %dma_start3A_283 = tpu.memref_slice %arg7[%add3A_243, %dma_start3A_282] : memref<148x128xi32, #tpu.memory_space<vmem>> -> memref<1x128xi32, #tpu.memory_space<vmem>>
          %dma_start3A_284 = tpu.memref_squeeze %dma_start3A_283 : memref<1x128xi32, #tpu.memory_space<vmem>> -> memref<128xi32, #tpu.memory_space<vmem>>
          %dma_start3A_285 = arith.constant 0 : i32
          %dma_start3A_286 = arith.constant 0 : i32
          %dma_start3A_287 = tpu.memref_slice %arg10[%dma_start3A_285, %dma_start3A_286] : memref<10112x64xf32, #tpu.memory_space<vmem_shared>> -> memref<10112x64xf32, #tpu.memory_space<vmem_shared>>
          tpu.enqueue_indirect_dma source(%dma_start3A_281 : memref<128x64xf32, #tpu.memory_space<vmem>>) target(%dma_start3A_287 : memref<10112x64xf32, #tpu.memory_space<vmem_shared>>) offsets(%dma_start3A_284 : memref<128xi32, #tpu.memory_space<vmem>>) semaphore(%run_scoped3A_277 : memref<!tpu.dma_semaphore, #tpu.memory_space<semaphore_mem>>) {add = true}
          %dma_wait3A_288 = arith.constant 0 : i32
          %dma_wait3A_289 = arith.constant 0 : i32
          %dma_wait3A_290 = tpu.memref_slice %arg8[%run_scoped3A_259, %dma_wait3A_288, %dma_wait3A_289] : memref<2x128x64xf32, #tpu.memory_space<vmem>> -> memref<1x128x64xf32, #tpu.memory_space<vmem>>
          %dma_wait3A_291 = tpu.memref_squeeze %dma_wait3A_290 : memref<1x128x64xf32, #tpu.memory_space<vmem>> -> memref<128x64xf32, #tpu.memory_space<vmem>>
          %dma_wait3A_292 = arith.constant 0 : i32
          %dma_wait3A_293 = tpu.memref_slice %arg7[%add3A_243, %dma_wait3A_292] : memref<148x128xi32, #tpu.memory_space<vmem>> -> memref<1x128xi32, #tpu.memory_space<vmem>>
          %dma_wait3A_294 = tpu.memref_squeeze %dma_wait3A_293 : memref<1x128xi32, #tpu.memory_space<vmem>> -> memref<128xi32, #tpu.memory_space<vmem>>
          %dma_wait3A_295 = arith.constant 0 : i32
          %dma_wait3A_296 = arith.constant 0 : i32
          %dma_wait3A_297 = tpu.memref_slice %arg10[%dma_wait3A_295, %dma_wait3A_296] : memref<10112x64xf32, #tpu.memory_space<vmem_shared>> -> memref<10112x64xf32, #tpu.memory_space<vmem_shared>>
          tpu.wait_indirect_dma semaphore(%run_scoped3A_277 : memref<!tpu.dma_semaphore, #tpu.memory_space<semaphore_mem>>) src(%dma_wait3A_291 : memref<128x64xf32, #tpu.memory_space<vmem>>) dst(%dma_wait3A_297 : memref<10112x64xf32, #tpu.memory_space<vmem_shared>>)
          tpu.yield
        }) : () -> ()
        %add3A_260 = arith.constant 2 : i32
        %add3A_261 = arith.addi %add3A_243, %add3A_260 : i32
        %dma_start3A_262 = arith.constant 1 : i32
        %dma_start3A_263 = arith.constant 0 : i32
        %dma_start3A_264 = arith.constant 0 : i32
        %dma_start3A_265 = tpu.memref_slice %arg8[%dma_start3A_262, %dma_start3A_263, %dma_start3A_264] : memref<2x128x64xf32, #tpu.memory_space<vmem>> -> memref<1x128x64xf32, #tpu.memory_space<vmem>>
        %dma_start3A_266 = tpu.memref_squeeze %dma_start3A_265 : memref<1x128x64xf32, #tpu.memory_space<vmem>> -> memref<128x64xf32, #tpu.memory_space<vmem>>
        %dma_start3A_267 = arith.constant 0 : i32
        %dma_start3A_268 = tpu.memref_slice %arg6[%add3A_261, %dma_start3A_267] : memref<148x128xi32, #tpu.memory_space<vmem>> -> memref<1x128xi32, #tpu.memory_space<vmem>>
        %dma_start3A_269 = tpu.memref_squeeze %dma_start3A_268 : memref<1x128xi32, #tpu.memory_space<vmem>> -> memref<128xi32, #tpu.memory_space<vmem>>
        %dma_start3A_270 = arith.constant 0 : i32
        %dma_start3A_271 = arith.constant 0 : i32
        %dma_start3A_272 = tpu.memref_slice %arg2[%scan3A_60, %dma_start3A_270, %dma_start3A_271] : memref<2x10112x64xf32, #tpu.memory_space<hbm>> -> memref<1x10112x64xf32, #tpu.memory_space<hbm>>
        %dma_start3A_273 = tpu.memref_squeeze %dma_start3A_272 : memref<1x10112x64xf32, #tpu.memory_space<hbm>> -> memref<10112x64xf32, #tpu.memory_space<hbm>>
        %dma_start3A_274 = arith.constant 0 : i32
        %dma_start3A_275 = arith.constant 0 : i32
        %dma_start3A_276 = tpu.memref_slice %dma_start3A_273[%dma_start3A_274, %dma_start3A_275] : memref<10112x64xf32, #tpu.memory_space<hbm>> -> memref<10112x64xf32, #tpu.memory_space<hbm>>
        tpu.enqueue_indirect_dma source(%dma_start3A_276 : memref<10112x64xf32, #tpu.memory_space<hbm>>) target(%dma_start3A_266 : memref<128x64xf32, #tpu.memory_space<vmem>>) offsets(%dma_start3A_269 : memref<128xi32, #tpu.memory_space<vmem>>) semaphore(%arg12 : memref<!tpu.dma_semaphore, #tpu.memory_space<semaphore_mem>>)
      }
      %scan3A_65 = arith.constant 73 : i32
      %dma_wait3A = arith.constant 0 : i32
      %dma_wait3A_66 = arith.constant 146 : i32
      %dma_wait3A_67 = arith.constant 0 : i32
      %dma_wait3A_68 = arith.constant 0 : i32
      %dma_wait3A_69 = arith.constant 0 : i32
      %dma_wait3A_70 = tpu.memref_slice %arg8[%dma_wait3A_67, %dma_wait3A_68, %dma_wait3A_69] : memref<2x128x64xf32, #tpu.memory_space<vmem>> -> memref<1x128x64xf32, #tpu.memory_space<vmem>>
      %dma_wait3A_71 = tpu.memref_squeeze %dma_wait3A_70 : memref<1x128x64xf32, #tpu.memory_space<vmem>> -> memref<128x64xf32, #tpu.memory_space<vmem>>
      %dma_wait3A_72 = arith.constant 0 : i32
      %dma_wait3A_73 = tpu.memref_slice %arg6[%dma_wait3A_66, %dma_wait3A_72] : memref<148x128xi32, #tpu.memory_space<vmem>> -> memref<1x128xi32, #tpu.memory_space<vmem>>
      %dma_wait3A_74 = tpu.memref_squeeze %dma_wait3A_73 : memref<1x128xi32, #tpu.memory_space<vmem>> -> memref<128xi32, #tpu.memory_space<vmem>>
      %dma_wait3A_75 = arith.constant 0 : i32
      %dma_wait3A_76 = arith.constant 0 : i32
      %dma_wait3A_77 = tpu.memref_slice %arg2[%dma_wait3A, %dma_wait3A_75, %dma_wait3A_76] : memref<2x10112x64xf32, #tpu.memory_space<hbm>> -> memref<1x10112x64xf32, #tpu.memory_space<hbm>>
      %dma_wait3A_78 = tpu.memref_squeeze %dma_wait3A_77 : memref<1x10112x64xf32, #tpu.memory_space<hbm>> -> memref<10112x64xf32, #tpu.memory_space<hbm>>
      %dma_wait3A_79 = arith.constant 0 : i32
      %dma_wait3A_80 = arith.constant 0 : i32
      %dma_wait3A_81 = tpu.memref_slice %dma_wait3A_78[%dma_wait3A_79, %dma_wait3A_80] : memref<10112x64xf32, #tpu.memory_space<hbm>> -> memref<10112x64xf32, #tpu.memory_space<hbm>>
      tpu.wait_indirect_dma semaphore(%arg11 : memref<!tpu.dma_semaphore, #tpu.memory_space<semaphore_mem>>) src(%dma_wait3A_81 : memref<10112x64xf32, #tpu.memory_space<hbm>>) dst(%dma_wait3A_71 : memref<128x64xf32, #tpu.memory_space<vmem>>)
      %run_scoped3A = arith.constant 0 : i32
      %run_scoped3A_82 = arith.constant 146 : i32
      "tpu.region"() ({
        %run_scoped3A_204 = tpu.sem_alloc : memref<!tpu.dma_semaphore, #tpu.memory_space<semaphore_mem>>
        %dma_start3A_205 = arith.constant 0 : i32
        %dma_start3A_206 = arith.constant 0 : i32
        %dma_start3A_207 = tpu.memref_slice %arg8[%run_scoped3A, %dma_start3A_205, %dma_start3A_206] : memref<2x128x64xf32, #tpu.memory_space<vmem>> -> memref<1x128x64xf32, #tpu.memory_space<vmem>>
        %dma_start3A_208 = tpu.memref_squeeze %dma_start3A_207 : memref<1x128x64xf32, #tpu.memory_space<vmem>> -> memref<128x64xf32, #tpu.memory_space<vmem>>
        %dma_start3A_209 = arith.constant 0 : i32
        %dma_start3A_210 = tpu.memref_slice %arg7[%run_scoped3A_82, %dma_start3A_209] : memref<148x128xi32, #tpu.memory_space<vmem>> -> memref<1x128xi32, #tpu.memory_space<vmem>>
        %dma_start3A_211 = tpu.memref_squeeze %dma_start3A_210 : memref<1x128xi32, #tpu.memory_space<vmem>> -> memref<128xi32, #tpu.memory_space<vmem>>
        %dma_start3A_212 = arith.constant 0 : i32
        %dma_start3A_213 = arith.constant 0 : i32
        %dma_start3A_214 = tpu.memref_slice %arg10[%dma_start3A_212, %dma_start3A_213] : memref<10112x64xf32, #tpu.memory_space<vmem_shared>> -> memref<10112x64xf32, #tpu.memory_space<vmem_shared>>
        tpu.enqueue_indirect_dma source(%dma_start3A_208 : memref<128x64xf32, #tpu.memory_space<vmem>>) target(%dma_start3A_214 : memref<10112x64xf32, #tpu.memory_space<vmem_shared>>) offsets(%dma_start3A_211 : memref<128xi32, #tpu.memory_space<vmem>>) semaphore(%run_scoped3A_204 : memref<!tpu.dma_semaphore, #tpu.memory_space<semaphore_mem>>) {add = true}
        %dma_wait3A_215 = arith.constant 0 : i32
        %dma_wait3A_216 = arith.constant 0 : i32
        %dma_wait3A_217 = tpu.memref_slice %arg8[%run_scoped3A, %dma_wait3A_215, %dma_wait3A_216] : memref<2x128x64xf32, #tpu.memory_space<vmem>> -> memref<1x128x64xf32, #tpu.memory_space<vmem>>
        %dma_wait3A_218 = tpu.memref_squeeze %dma_wait3A_217 : memref<1x128x64xf32, #tpu.memory_space<vmem>> -> memref<128x64xf32, #tpu.memory_space<vmem>>
        %dma_wait3A_219 = arith.constant 0 : i32
        %dma_wait3A_220 = tpu.memref_slice %arg7[%run_scoped3A_82, %dma_wait3A_219] : memref<148x128xi32, #tpu.memory_space<vmem>> -> memref<1x128xi32, #tpu.memory_space<vmem>>
        %dma_wait3A_221 = tpu.memref_squeeze %dma_wait3A_220 : memref<1x128xi32, #tpu.memory_space<vmem>> -> memref<128xi32, #tpu.memory_space<vmem>>
        %dma_wait3A_222 = arith.constant 0 : i32
        %dma_wait3A_223 = arith.constant 0 : i32
        %dma_wait3A_224 = tpu.memref_slice %arg10[%dma_wait3A_222, %dma_wait3A_223] : memref<10112x64xf32, #tpu.memory_space<vmem_shared>> -> memref<10112x64xf32, #tpu.memory_space<vmem_shared>>
        tpu.wait_indirect_dma semaphore(%run_scoped3A_204 : memref<!tpu.dma_semaphore, #tpu.memory_space<semaphore_mem>>) src(%dma_wait3A_218 : memref<128x64xf32, #tpu.memory_space<vmem>>) dst(%dma_wait3A_224 : memref<10112x64xf32, #tpu.memory_space<vmem_shared>>)
        tpu.yield
      }) : () -> ()
      %dma_wait3A_83 = arith.constant 0 : i32
      %dma_wait3A_84 = arith.constant 147 : i32
      %dma_wait3A_85 = arith.constant 1 : i32
      %dma_wait3A_86 = arith.constant 0 : i32
      %dma_wait3A_87 = arith.constant 0 : i32
      %dma_wait3A_88 = tpu.memref_slice %arg8[%dma_wait3A_85, %dma_wait3A_86, %dma_wait3A_87] : memref<2x128x64xf32, #tpu.memory_space<vmem>> -> memref<1x128x64xf32, #tpu.memory_space<vmem>>
      %dma_wait3A_89 = tpu.memref_squeeze %dma_wait3A_88 : memref<1x128x64xf32, #tpu.memory_space<vmem>> -> memref<128x64xf32, #tpu.memory_space<vmem>>
      %dma_wait3A_90 = arith.constant 0 : i32
      %dma_wait3A_91 = tpu.memref_slice %arg6[%dma_wait3A_84, %dma_wait3A_90] : memref<148x128xi32, #tpu.memory_space<vmem>> -> memref<1x128xi32, #tpu.memory_space<vmem>>
      %dma_wait3A_92 = tpu.memref_squeeze %dma_wait3A_91 : memref<1x128xi32, #tpu.memory_space<vmem>> -> memref<128xi32, #tpu.memory_space<vmem>>
      %dma_wait3A_93 = arith.constant 0 : i32
      %dma_wait3A_94 = arith.constant 0 : i32
      %dma_wait3A_95 = tpu.memref_slice %arg2[%dma_wait3A_83, %dma_wait3A_93, %dma_wait3A_94] : memref<2x10112x64xf32, #tpu.memory_space<hbm>> -> memref<1x10112x64xf32, #tpu.memory_space<hbm>>
      %dma_wait3A_96 = tpu.memref_squeeze %dma_wait3A_95 : memref<1x10112x64xf32, #tpu.memory_space<hbm>> -> memref<10112x64xf32, #tpu.memory_space<hbm>>
      %dma_wait3A_97 = arith.constant 0 : i32
      %dma_wait3A_98 = arith.constant 0 : i32
      %dma_wait3A_99 = tpu.memref_slice %dma_wait3A_96[%dma_wait3A_97, %dma_wait3A_98] : memref<10112x64xf32, #tpu.memory_space<hbm>> -> memref<10112x64xf32, #tpu.memory_space<hbm>>
      tpu.wait_indirect_dma semaphore(%arg12 : memref<!tpu.dma_semaphore, #tpu.memory_space<semaphore_mem>>) src(%dma_wait3A_99 : memref<10112x64xf32, #tpu.memory_space<hbm>>) dst(%dma_wait3A_89 : memref<128x64xf32, #tpu.memory_space<vmem>>)
      %run_scoped3A_100 = arith.constant 1 : i32
      %run_scoped3A_101 = arith.constant 147 : i32
      "tpu.region"() ({
        %run_scoped3A_204 = tpu.sem_alloc : memref<!tpu.dma_semaphore, #tpu.memory_space<semaphore_mem>>
        %dma_start3A_205 = arith.constant 0 : i32
        %dma_start3A_206 = arith.constant 0 : i32
        %dma_start3A_207 = tpu.memref_slice %arg8[%run_scoped3A_100, %dma_start3A_205, %dma_start3A_206] : memref<2x128x64xf32, #tpu.memory_space<vmem>> -> memref<1x128x64xf32, #tpu.memory_space<vmem>>
        %dma_start3A_208 = tpu.memref_squeeze %dma_start3A_207 : memref<1x128x64xf32, #tpu.memory_space<vmem>> -> memref<128x64xf32, #tpu.memory_space<vmem>>
        %dma_start3A_209 = arith.constant 0 : i32
        %dma_start3A_210 = tpu.memref_slice %arg7[%run_scoped3A_101, %dma_start3A_209] : memref<148x128xi32, #tpu.memory_space<vmem>> -> memref<1x128xi32, #tpu.memory_space<vmem>>
        %dma_start3A_211 = tpu.memref_squeeze %dma_start3A_210 : memref<1x128xi32, #tpu.memory_space<vmem>> -> memref<128xi32, #tpu.memory_space<vmem>>
        %dma_start3A_212 = arith.constant 0 : i32
        %dma_start3A_213 = arith.constant 0 : i32
        %dma_start3A_214 = tpu.memref_slice %arg10[%dma_start3A_212, %dma_start3A_213] : memref<10112x64xf32, #tpu.memory_space<vmem_shared>> -> memref<10112x64xf32, #tpu.memory_space<vmem_shared>>
        tpu.enqueue_indirect_dma source(%dma_start3A_208 : memref<128x64xf32, #tpu.memory_space<vmem>>) target(%dma_start3A_214 : memref<10112x64xf32, #tpu.memory_space<vmem_shared>>) offsets(%dma_start3A_211 : memref<128xi32, #tpu.memory_space<vmem>>) semaphore(%run_scoped3A_204 : memref<!tpu.dma_semaphore, #tpu.memory_space<semaphore_mem>>) {add = true}
        %dma_wait3A_215 = arith.constant 0 : i32
        %dma_wait3A_216 = arith.constant 0 : i32
        %dma_wait3A_217 = tpu.memref_slice %arg8[%run_scoped3A_100, %dma_wait3A_215, %dma_wait3A_216] : memref<2x128x64xf32, #tpu.memory_space<vmem>> -> memref<1x128x64xf32, #tpu.memory_space<vmem>>
        %dma_wait3A_218 = tpu.memref_squeeze %dma_wait3A_217 : memref<1x128x64xf32, #tpu.memory_space<vmem>> -> memref<128x64xf32, #tpu.memory_space<vmem>>
        %dma_wait3A_219 = arith.constant 0 : i32
        %dma_wait3A_220 = tpu.memref_slice %arg7[%run_scoped3A_101, %dma_wait3A_219] : memref<148x128xi32, #tpu.memory_space<vmem>> -> memref<1x128xi32, #tpu.memory_space<vmem>>
        %dma_wait3A_221 = tpu.memref_squeeze %dma_wait3A_220 : memref<1x128xi32, #tpu.memory_space<vmem>> -> memref<128xi32, #tpu.memory_space<vmem>>
        %dma_wait3A_222 = arith.constant 0 : i32
        %dma_wait3A_223 = arith.constant 0 : i32
        %dma_wait3A_224 = tpu.memref_slice %arg10[%dma_wait3A_222, %dma_wait3A_223] : memref<10112x64xf32, #tpu.memory_space<vmem_shared>> -> memref<10112x64xf32, #tpu.memory_space<vmem_shared>>
        tpu.wait_indirect_dma semaphore(%run_scoped3A_204 : memref<!tpu.dma_semaphore, #tpu.memory_space<semaphore_mem>>) src(%dma_wait3A_218 : memref<128x64xf32, #tpu.memory_space<vmem>>) dst(%dma_wait3A_224 : memref<10112x64xf32, #tpu.memory_space<vmem_shared>>)
        tpu.yield
      }) : () -> ()
      %barrier3A_102 = arith.constant 0 : index
      tpu.barrier barrier_id(%barrier3A_102)
      %run_scoped3A_103 = arith.constant 0 : i32
      "tpu.region"() ({
        %run_scoped3A_204 = tpu.sem_alloc : memref<!tpu.dma_semaphore, #tpu.memory_space<semaphore_mem>>
        %dma_start3A_205 = arith.constant 0 : i32
        %dma_start3A_206 = arith.constant 0 : i32
        %dma_start3A_207 = arith.constant 0 : i32
        %dma_start3A_208 = tpu.memref_slice %arg5[%run_scoped3A_103, %dma_start3A_205, %dma_start3A_206, %dma_start3A_207] : memref<2x2x10112x64xf32, #tpu.memory_space<hbm>> -> memref<1x2x10112x64xf32, #tpu.memory_space<hbm>>
        %dma_start3A_209 = tpu.memref_squeeze %dma_start3A_208 : memref<1x2x10112x64xf32, #tpu.memory_space<hbm>> -> memref<2x10112x64xf32, #tpu.memory_space<hbm>>
        %dma_start3A_210 = arith.constant 0 : i32
        %dma_start3A_211 = arith.constant 0 : i32
        %dma_start3A_212 = tpu.memref_slice %dma_start3A_209[%arg0, %dma_start3A_210, %dma_start3A_211] : memref<2x10112x64xf32, #tpu.memory_space<hbm>> -> memref<1x10112x64xf32, #tpu.memory_space<hbm>>
        %dma_start3A_213 = tpu.memref_squeeze %dma_start3A_212 : memref<1x10112x64xf32, #tpu.memory_space<hbm>> -> memref<10112x64xf32, #tpu.memory_space<hbm>>
        %dma_start3A_214 = arith.constant 0 : i32
        %dma_start3A_215 = tpu.memref_slice %dma_start3A_213[%mul3A_0, %dma_start3A_214] : memref<10112x64xf32, #tpu.memory_space<hbm>> -> memref<632x64xf32, #tpu.memory_space<hbm>>
        %dma_start3A_216 = arith.constant 0 : i32
        %dma_start3A_217 = tpu.memref_slice %arg10[%mul3A_0, %dma_start3A_216] : memref<10112x64xf32, #tpu.memory_space<vmem_shared>> -> memref<632x64xf32, #tpu.memory_space<vmem_shared>>
        tpu.enqueue_dma source(%dma_start3A_217 : memref<632x64xf32, #tpu.memory_space<vmem_shared>>) target(%dma_start3A_215 : memref<632x64xf32, #tpu.memory_space<hbm>>) target_semaphore(%run_scoped3A_204 : memref<!tpu.dma_semaphore, #tpu.memory_space<semaphore_mem>>)
        %dma_wait3A_218 = arith.constant 0 : i32
        %dma_wait3A_219 = arith.constant 0 : i32
        %dma_wait3A_220 = arith.constant 0 : i32
        %dma_wait3A_221 = tpu.memref_slice %arg5[%run_scoped3A_103, %dma_wait3A_218, %dma_wait3A_219, %dma_wait3A_220] : memref<2x2x10112x64xf32, #tpu.memory_space<hbm>> -> memref<1x2x10112x64xf32, #tpu.memory_space<hbm>>
        %dma_wait3A_222 = tpu.memref_squeeze %dma_wait3A_221 : memref<1x2x10112x64xf32, #tpu.memory_space<hbm>> -> memref<2x10112x64xf32, #tpu.memory_space<hbm>>
        %dma_wait3A_223 = arith.constant 0 : i32
        %dma_wait3A_224 = arith.constant 0 : i32
        %dma_wait3A_225 = tpu.memref_slice %dma_wait3A_222[%arg0, %dma_wait3A_223, %dma_wait3A_224] : memref<2x10112x64xf32, #tpu.memory_space<hbm>> -> memref<1x10112x64xf32, #tpu.memory_space<hbm>>
        %dma_wait3A_226 = tpu.memref_squeeze %dma_wait3A_225 : memref<1x10112x64xf32, #tpu.memory_space<hbm>> -> memref<10112x64xf32, #tpu.memory_space<hbm>>
        %dma_wait3A_227 = arith.constant 0 : i32
        %dma_wait3A_228 = tpu.memref_slice %dma_wait3A_226[%mul3A_0, %dma_wait3A_227] : memref<10112x64xf32, #tpu.memory_space<hbm>> -> memref<632x64xf32, #tpu.memory_space<hbm>>
        %dma_wait3A_229 = arith.constant 0 : i32
        %dma_wait3A_230 = tpu.memref_slice %arg10[%mul3A_0, %dma_wait3A_229] : memref<10112x64xf32, #tpu.memory_space<vmem_shared>> -> memref<632x64xf32, #tpu.memory_space<vmem_shared>>
        tpu.wait_dma2 semaphore(%run_scoped3A_204 : memref<!tpu.dma_semaphore, #tpu.memory_space<semaphore_mem>>) src(%dma_wait3A_230 : memref<632x64xf32, #tpu.memory_space<vmem_shared>>) dst(%dma_wait3A_228 : memref<632x64xf32, #tpu.memory_space<hbm>>)
        tpu.yield
      }) : () -> ()
      %barrier3A_104 = arith.constant 0 : index
      tpu.barrier barrier_id(%barrier3A_104)
      %add3A_105 = arith.constant 0 : i32
      %add3A_106 = arith.addi %mul3A_0, %add3A_105 : i32
      "tpu.region"() ({
        %run_scoped3A_204 = tpu.sem_alloc : memref<!tpu.dma_semaphore, #tpu.memory_space<semaphore_mem>>
        %dma_start3A_205 = arith.constant 0 : i32
        %dma_start3A_206 = tpu.memref_slice %arg10[%add3A_106, %dma_start3A_205] : memref<10112x64xf32, #tpu.memory_space<vmem_shared>> -> memref<79x64xf32, #tpu.memory_space<vmem_shared>>
        %dma_start3A_207 = arith.constant 0 : i32
        %dma_start3A_208 = tpu.memref_slice %arg10[%add3A_106, %dma_start3A_207] : memref<10112x64xf32, #tpu.memory_space<vmem_shared>> -> memref<79x64xf32, #tpu.memory_space<vmem_shared>>
        tpu.enqueue_dma source(%arg9 : memref<79x64xf32, #tpu.memory_space<vmem>>) target(%dma_start3A_208 : memref<79x64xf32, #tpu.memory_space<vmem_shared>>) target_semaphore(%run_scoped3A_204 : memref<!tpu.dma_semaphore, #tpu.memory_space<semaphore_mem>>)
        %dma_wait3A_209 = arith.constant 0 : i32
        %dma_wait3A_210 = tpu.memref_slice %arg10[%add3A_106, %dma_wait3A_209] : memref<10112x64xf32, #tpu.memory_space<vmem_shared>> -> memref<79x64xf32, #tpu.memory_space<vmem_shared>>
        %dma_wait3A_211 = arith.constant 0 : i32
        %dma_wait3A_212 = tpu.memref_slice %arg10[%add3A_106, %dma_wait3A_211] : memref<10112x64xf32, #tpu.memory_space<vmem_shared>> -> memref<79x64xf32, #tpu.memory_space<vmem_shared>>
        tpu.wait_dma2 semaphore(%run_scoped3A_204 : memref<!tpu.dma_semaphore, #tpu.memory_space<semaphore_mem>>) src(%arg9 : memref<79x64xf32, #tpu.memory_space<vmem>>) dst(%dma_wait3A_212 : memref<79x64xf32, #tpu.memory_space<vmem_shared>>)
        tpu.yield
      }) : () -> ()
      %add3A_107 = arith.constant 79 : i32
      %add3A_108 = arith.addi %mul3A_0, %add3A_107 : i32
      "tpu.region"() ({
        %run_scoped3A_204 = tpu.sem_alloc : memref<!tpu.dma_semaphore, #tpu.memory_space<semaphore_mem>>
        %dma_start3A_205 = arith.constant 0 : i32
        %dma_start3A_206 = tpu.memref_slice %arg10[%add3A_108, %dma_start3A_205] : memref<10112x64xf32, #tpu.memory_space<vmem_shared>> -> memref<79x64xf32, #tpu.memory_space<vmem_shared>>
        %dma_start3A_207 = arith.constant 0 : i32
        %dma_start3A_208 = tpu.memref_slice %arg10[%add3A_108, %dma_start3A_207] : memref<10112x64xf32, #tpu.memory_space<vmem_shared>> -> memref<79x64xf32, #tpu.memory_space<vmem_shared>>
        tpu.enqueue_dma source(%arg9 : memref<79x64xf32, #tpu.memory_space<vmem>>) target(%dma_start3A_208 : memref<79x64xf32, #tpu.memory_space<vmem_shared>>) target_semaphore(%run_scoped3A_204 : memref<!tpu.dma_semaphore, #tpu.memory_space<semaphore_mem>>)
        %dma_wait3A_209 = arith.constant 0 : i32
        %dma_wait3A_210 = tpu.memref_slice %arg10[%add3A_108, %dma_wait3A_209] : memref<10112x64xf32, #tpu.memory_space<vmem_shared>> -> memref<79x64xf32, #tpu.memory_space<vmem_shared>>
        %dma_wait3A_211 = arith.constant 0 : i32
        %dma_wait3A_212 = tpu.memref_slice %arg10[%add3A_108, %dma_wait3A_211] : memref<10112x64xf32, #tpu.memory_space<vmem_shared>> -> memref<79x64xf32, #tpu.memory_space<vmem_shared>>
        tpu.wait_dma2 semaphore(%run_scoped3A_204 : memref<!tpu.dma_semaphore, #tpu.memory_space<semaphore_mem>>) src(%arg9 : memref<79x64xf32, #tpu.memory_space<vmem>>) dst(%dma_wait3A_212 : memref<79x64xf32, #tpu.memory_space<vmem_shared>>)
        tpu.yield
      }) : () -> ()
      %add3A_109 = arith.constant 158 : i32
      %add3A_110 = arith.addi %mul3A_0, %add3A_109 : i32
      "tpu.region"() ({
        %run_scoped3A_204 = tpu.sem_alloc : memref<!tpu.dma_semaphore, #tpu.memory_space<semaphore_mem>>
        %dma_start3A_205 = arith.constant 0 : i32
        %dma_start3A_206 = tpu.memref_slice %arg10[%add3A_110, %dma_start3A_205] : memref<10112x64xf32, #tpu.memory_space<vmem_shared>> -> memref<79x64xf32, #tpu.memory_space<vmem_shared>>
        %dma_start3A_207 = arith.constant 0 : i32
        %dma_start3A_208 = tpu.memref_slice %arg10[%add3A_110, %dma_start3A_207] : memref<10112x64xf32, #tpu.memory_space<vmem_shared>> -> memref<79x64xf32, #tpu.memory_space<vmem_shared>>
        tpu.enqueue_dma source(%arg9 : memref<79x64xf32, #tpu.memory_space<vmem>>) target(%dma_start3A_208 : memref<79x64xf32, #tpu.memory_space<vmem_shared>>) target_semaphore(%run_scoped3A_204 : memref<!tpu.dma_semaphore, #tpu.memory_space<semaphore_mem>>)
        %dma_wait3A_209 = arith.constant 0 : i32
        %dma_wait3A_210 = tpu.memref_slice %arg10[%add3A_110, %dma_wait3A_209] : memref<10112x64xf32, #tpu.memory_space<vmem_shared>> -> memref<79x64xf32, #tpu.memory_space<vmem_shared>>
        %dma_wait3A_211 = arith.constant 0 : i32
        %dma_wait3A_212 = tpu.memref_slice %arg10[%add3A_110, %dma_wait3A_211] : memref<10112x64xf32, #tpu.memory_space<vmem_shared>> -> memref<79x64xf32, #tpu.memory_space<vmem_shared>>
        tpu.wait_dma2 semaphore(%run_scoped3A_204 : memref<!tpu.dma_semaphore, #tpu.memory_space<semaphore_mem>>) src(%arg9 : memref<79x64xf32, #tpu.memory_space<vmem>>) dst(%dma_wait3A_212 : memref<79x64xf32, #tpu.memory_space<vmem_shared>>)
        tpu.yield
      }) : () -> ()
      %add3A_111 = arith.constant 237 : i32
      %add3A_112 = arith.addi %mul3A_0, %add3A_111 : i32
      "tpu.region"() ({
        %run_scoped3A_204 = tpu.sem_alloc : memref<!tpu.dma_semaphore, #tpu.memory_space<semaphore_mem>>
        %dma_start3A_205 = arith.constant 0 : i32
        %dma_start3A_206 = tpu.memref_slice %arg10[%add3A_112, %dma_start3A_205] : memref<10112x64xf32, #tpu.memory_space<vmem_shared>> -> memref<79x64xf32, #tpu.memory_space<vmem_shared>>
        %dma_start3A_207 = arith.constant 0 : i32
        %dma_start3A_208 = tpu.memref_slice %arg10[%add3A_112, %dma_start3A_207] : memref<10112x64xf32, #tpu.memory_space<vmem_shared>> -> memref<79x64xf32, #tpu.memory_space<vmem_shared>>
        tpu.enqueue_dma source(%arg9 : memref<79x64xf32, #tpu.memory_space<vmem>>) target(%dma_start3A_208 : memref<79x64xf32, #tpu.memory_space<vmem_shared>>) target_semaphore(%run_scoped3A_204 : memref<!tpu.dma_semaphore, #tpu.memory_space<semaphore_mem>>)
        %dma_wait3A_209 = arith.constant 0 : i32
        %dma_wait3A_210 = tpu.memref_slice %arg10[%add3A_112, %dma_wait3A_209] : memref<10112x64xf32, #tpu.memory_space<vmem_shared>> -> memref<79x64xf32, #tpu.memory_space<vmem_shared>>
        %dma_wait3A_211 = arith.constant 0 : i32
        %dma_wait3A_212 = tpu.memref_slice %arg10[%add3A_112, %dma_wait3A_211] : memref<10112x64xf32, #tpu.memory_space<vmem_shared>> -> memref<79x64xf32, #tpu.memory_space<vmem_shared>>
        tpu.wait_dma2 semaphore(%run_scoped3A_204 : memref<!tpu.dma_semaphore, #tpu.memory_space<semaphore_mem>>) src(%arg9 : memref<79x64xf32, #tpu.memory_space<vmem>>) dst(%dma_wait3A_212 : memref<79x64xf32, #tpu.memory_space<vmem_shared>>)
        tpu.yield
      }) : () -> ()
      %add3A_113 = arith.constant 316 : i32
      %add3A_114 = arith.addi %mul3A_0, %add3A_113 : i32
      "tpu.region"() ({
        %run_scoped3A_204 = tpu.sem_alloc : memref<!tpu.dma_semaphore, #tpu.memory_space<semaphore_mem>>
        %dma_start3A_205 = arith.constant 0 : i32
        %dma_start3A_206 = tpu.memref_slice %arg10[%add3A_114, %dma_start3A_205] : memref<10112x64xf32, #tpu.memory_space<vmem_shared>> -> memref<79x64xf32, #tpu.memory_space<vmem_shared>>
        %dma_start3A_207 = arith.constant 0 : i32
        %dma_start3A_208 = tpu.memref_slice %arg10[%add3A_114, %dma_start3A_207] : memref<10112x64xf32, #tpu.memory_space<vmem_shared>> -> memref<79x64xf32, #tpu.memory_space<vmem_shared>>
        tpu.enqueue_dma source(%arg9 : memref<79x64xf32, #tpu.memory_space<vmem>>) target(%dma_start3A_208 : memref<79x64xf32, #tpu.memory_space<vmem_shared>>) target_semaphore(%run_scoped3A_204 : memref<!tpu.dma_semaphore, #tpu.memory_space<semaphore_mem>>)
        %dma_wait3A_209 = arith.constant 0 : i32
        %dma_wait3A_210 = tpu.memref_slice %arg10[%add3A_114, %dma_wait3A_209] : memref<10112x64xf32, #tpu.memory_space<vmem_shared>> -> memref<79x64xf32, #tpu.memory_space<vmem_shared>>
        %dma_wait3A_211 = arith.constant 0 : i32
        %dma_wait3A_212 = tpu.memref_slice %arg10[%add3A_114, %dma_wait3A_211] : memref<10112x64xf32, #tpu.memory_space<vmem_shared>> -> memref<79x64xf32, #tpu.memory_space<vmem_shared>>
        tpu.wait_dma2 semaphore(%run_scoped3A_204 : memref<!tpu.dma_semaphore, #tpu.memory_space<semaphore_mem>>) src(%arg9 : memref<79x64xf32, #tpu.memory_space<vmem>>) dst(%dma_wait3A_212 : memref<79x64xf32, #tpu.memory_space<vmem_shared>>)
        tpu.yield
      }) : () -> ()
      %add3A_115 = arith.constant 395 : i32
      %add3A_116 = arith.addi %mul3A_0, %add3A_115 : i32
      "tpu.region"() ({
        %run_scoped3A_204 = tpu.sem_alloc : memref<!tpu.dma_semaphore, #tpu.memory_space<semaphore_mem>>
        %dma_start3A_205 = arith.constant 0 : i32
        %dma_start3A_206 = tpu.memref_slice %arg10[%add3A_116, %dma_start3A_205] : memref<10112x64xf32, #tpu.memory_space<vmem_shared>> -> memref<79x64xf32, #tpu.memory_space<vmem_shared>>
        %dma_start3A_207 = arith.constant 0 : i32
        %dma_start3A_208 = tpu.memref_slice %arg10[%add3A_116, %dma_start3A_207] : memref<10112x64xf32, #tpu.memory_space<vmem_shared>> -> memref<79x64xf32, #tpu.memory_space<vmem_shared>>
        tpu.enqueue_dma source(%arg9 : memref<79x64xf32, #tpu.memory_space<vmem>>) target(%dma_start3A_208 : memref<79x64xf32, #tpu.memory_space<vmem_shared>>) target_semaphore(%run_scoped3A_204 : memref<!tpu.dma_semaphore, #tpu.memory_space<semaphore_mem>>)
        %dma_wait3A_209 = arith.constant 0 : i32
        %dma_wait3A_210 = tpu.memref_slice %arg10[%add3A_116, %dma_wait3A_209] : memref<10112x64xf32, #tpu.memory_space<vmem_shared>> -> memref<79x64xf32, #tpu.memory_space<vmem_shared>>
        %dma_wait3A_211 = arith.constant 0 : i32
        %dma_wait3A_212 = tpu.memref_slice %arg10[%add3A_116, %dma_wait3A_211] : memref<10112x64xf32, #tpu.memory_space<vmem_shared>> -> memref<79x64xf32, #tpu.memory_space<vmem_shared>>
        tpu.wait_dma2 semaphore(%run_scoped3A_204 : memref<!tpu.dma_semaphore, #tpu.memory_space<semaphore_mem>>) src(%arg9 : memref<79x64xf32, #tpu.memory_space<vmem>>) dst(%dma_wait3A_212 : memref<79x64xf32, #tpu.memory_space<vmem_shared>>)
        tpu.yield
      }) : () -> ()
      %add3A_117 = arith.constant 474 : i32
      %add3A_118 = arith.addi %mul3A_0, %add3A_117 : i32
      "tpu.region"() ({
        %run_scoped3A_204 = tpu.sem_alloc : memref<!tpu.dma_semaphore, #tpu.memory_space<semaphore_mem>>
        %dma_start3A_205 = arith.constant 0 : i32
        %dma_start3A_206 = tpu.memref_slice %arg10[%add3A_118, %dma_start3A_205] : memref<10112x64xf32, #tpu.memory_space<vmem_shared>> -> memref<79x64xf32, #tpu.memory_space<vmem_shared>>
        %dma_start3A_207 = arith.constant 0 : i32
        %dma_start3A_208 = tpu.memref_slice %arg10[%add3A_118, %dma_start3A_207] : memref<10112x64xf32, #tpu.memory_space<vmem_shared>> -> memref<79x64xf32, #tpu.memory_space<vmem_shared>>
        tpu.enqueue_dma source(%arg9 : memref<79x64xf32, #tpu.memory_space<vmem>>) target(%dma_start3A_208 : memref<79x64xf32, #tpu.memory_space<vmem_shared>>) target_semaphore(%run_scoped3A_204 : memref<!tpu.dma_semaphore, #tpu.memory_space<semaphore_mem>>)
        %dma_wait3A_209 = arith.constant 0 : i32
        %dma_wait3A_210 = tpu.memref_slice %arg10[%add3A_118, %dma_wait3A_209] : memref<10112x64xf32, #tpu.memory_space<vmem_shared>> -> memref<79x64xf32, #tpu.memory_space<vmem_shared>>
        %dma_wait3A_211 = arith.constant 0 : i32
        %dma_wait3A_212 = tpu.memref_slice %arg10[%add3A_118, %dma_wait3A_211] : memref<10112x64xf32, #tpu.memory_space<vmem_shared>> -> memref<79x64xf32, #tpu.memory_space<vmem_shared>>
        tpu.wait_dma2 semaphore(%run_scoped3A_204 : memref<!tpu.dma_semaphore, #tpu.memory_space<semaphore_mem>>) src(%arg9 : memref<79x64xf32, #tpu.memory_space<vmem>>) dst(%dma_wait3A_212 : memref<79x64xf32, #tpu.memory_space<vmem_shared>>)
        tpu.yield
      }) : () -> ()
      %add3A_119 = arith.constant 553 : i32
      %add3A_120 = arith.addi %mul3A_0, %add3A_119 : i32
      "tpu.region"() ({
        %run_scoped3A_204 = tpu.sem_alloc : memref<!tpu.dma_semaphore, #tpu.memory_space<semaphore_mem>>
        %dma_start3A_205 = arith.constant 0 : i32
        %dma_start3A_206 = tpu.memref_slice %arg10[%add3A_120, %dma_start3A_205] : memref<10112x64xf32, #tpu.memory_space<vmem_shared>> -> memref<79x64xf32, #tpu.memory_space<vmem_shared>>
        %dma_start3A_207 = arith.constant 0 : i32
        %dma_start3A_208 = tpu.memref_slice %arg10[%add3A_120, %dma_start3A_207] : memref<10112x64xf32, #tpu.memory_space<vmem_shared>> -> memref<79x64xf32, #tpu.memory_space<vmem_shared>>
        tpu.enqueue_dma source(%arg9 : memref<79x64xf32, #tpu.memory_space<vmem>>) target(%dma_start3A_208 : memref<79x64xf32, #tpu.memory_space<vmem_shared>>) target_semaphore(%run_scoped3A_204 : memref<!tpu.dma_semaphore, #tpu.memory_space<semaphore_mem>>)
        %dma_wait3A_209 = arith.constant 0 : i32
        %dma_wait3A_210 = tpu.memref_slice %arg10[%add3A_120, %dma_wait3A_209] : memref<10112x64xf32, #tpu.memory_space<vmem_shared>> -> memref<79x64xf32, #tpu.memory_space<vmem_shared>>
        %dma_wait3A_211 = arith.constant 0 : i32
        %dma_wait3A_212 = tpu.memref_slice %arg10[%add3A_120, %dma_wait3A_211] : memref<10112x64xf32, #tpu.memory_space<vmem_shared>> -> memref<79x64xf32, #tpu.memory_space<vmem_shared>>
        tpu.wait_dma2 semaphore(%run_scoped3A_204 : memref<!tpu.dma_semaphore, #tpu.memory_space<semaphore_mem>>) src(%arg9 : memref<79x64xf32, #tpu.memory_space<vmem>>) dst(%dma_wait3A_212 : memref<79x64xf32, #tpu.memory_space<vmem_shared>>)
        tpu.yield
      }) : () -> ()
      %barrier3A_121 = arith.constant 0 : index
      tpu.barrier barrier_id(%barrier3A_121)
      %dma_start3A_122 = arith.constant 1 : i32
      %dma_start3A_123 = arith.constant 0 : i32
      %dma_start3A_124 = arith.constant 0 : i32
      %dma_start3A_125 = arith.constant 0 : i32
      %dma_start3A_126 = arith.constant 0 : i32
      %dma_start3A_127 = tpu.memref_slice %arg8[%dma_start3A_124, %dma_start3A_125, %dma_start3A_126] : memref<2x128x64xf32, #tpu.memory_space<vmem>> -> memref<1x128x64xf32, #tpu.memory_space<vmem>>
      %dma_start3A_128 = tpu.memref_squeeze %dma_start3A_127 : memref<1x128x64xf32, #tpu.memory_space<vmem>> -> memref<128x64xf32, #tpu.memory_space<vmem>>
      %dma_start3A_129 = arith.constant 0 : i32
      %dma_start3A_130 = tpu.memref_slice %arg6[%dma_start3A_123, %dma_start3A_129] : memref<148x128xi32, #tpu.memory_space<vmem>> -> memref<1x128xi32, #tpu.memory_space<vmem>>
      %dma_start3A_131 = tpu.memref_squeeze %dma_start3A_130 : memref<1x128xi32, #tpu.memory_space<vmem>> -> memref<128xi32, #tpu.memory_space<vmem>>
      %dma_start3A_132 = arith.constant 0 : i32
      %dma_start3A_133 = arith.constant 0 : i32
      %dma_start3A_134 = tpu.memref_slice %arg2[%dma_start3A_122, %dma_start3A_132, %dma_start3A_133] : memref<2x10112x64xf32, #tpu.memory_space<hbm>> -> memref<1x10112x64xf32, #tpu.memory_space<hbm>>
      %dma_start3A_135 = tpu.memref_squeeze %dma_start3A_134 : memref<1x10112x64xf32, #tpu.memory_space<hbm>> -> memref<10112x64xf32, #tpu.memory_space<hbm>>
      %dma_start3A_136 = arith.constant 0 : i32
      %dma_start3A_137 = arith.constant 0 : i32
      %dma_start3A_138 = tpu.memref_slice %dma_start3A_135[%dma_start3A_136, %dma_start3A_137] : memref<10112x64xf32, #tpu.memory_space<hbm>> -> memref<10112x64xf32, #tpu.memory_space<hbm>>
      tpu.enqueue_indirect_dma source(%dma_start3A_138 : memref<10112x64xf32, #tpu.memory_space<hbm>>) target(%dma_start3A_128 : memref<128x64xf32, #tpu.memory_space<vmem>>) offsets(%dma_start3A_131 : memref<128xi32, #tpu.memory_space<vmem>>) semaphore(%arg11 : memref<!tpu.dma_semaphore, #tpu.memory_space<semaphore_mem>>)
      %dma_start3A_139 = arith.constant 1 : i32
      %dma_start3A_140 = arith.constant 1 : i32
      %dma_start3A_141 = arith.constant 1 : i32
      %dma_start3A_142 = arith.constant 0 : i32
      %dma_start3A_143 = arith.constant 0 : i32
      %dma_start3A_144 = tpu.memref_slice %arg8[%dma_start3A_141, %dma_start3A_142, %dma_start3A_143] : memref<2x128x64xf32, #tpu.memory_space<vmem>> -> memref<1x128x64xf32, #tpu.memory_space<vmem>>
      %dma_start3A_145 = tpu.memref_squeeze %dma_start3A_144 : memref<1x128x64xf32, #tpu.memory_space<vmem>> -> memref<128x64xf32, #tpu.memory_space<vmem>>
      %dma_start3A_146 = arith.constant 0 : i32
      %dma_start3A_147 = tpu.memref_slice %arg6[%dma_start3A_140, %dma_start3A_146] : memref<148x128xi32, #tpu.memory_space<vmem>> -> memref<1x128xi32, #tpu.memory_space<vmem>>
      %dma_start3A_148 = tpu.memref_squeeze %dma_start3A_147 : memref<1x128xi32, #tpu.memory_space<vmem>> -> memref<128xi32, #tpu.memory_space<vmem>>
      %dma_start3A_149 = arith.constant 0 : i32
      %dma_start3A_150 = arith.constant 0 : i32
      %dma_start3A_151 = tpu.memref_slice %arg2[%dma_start3A_139, %dma_start3A_149, %dma_start3A_150] : memref<2x10112x64xf32, #tpu.memory_space<hbm>> -> memref<1x10112x64xf32, #tpu.memory_space<hbm>>
      %dma_start3A_152 = tpu.memref_squeeze %dma_start3A_151 : memref<1x10112x64xf32, #tpu.memory_space<hbm>> -> memref<10112x64xf32, #tpu.memory_space<hbm>>
      %dma_start3A_153 = arith.constant 0 : i32
      %dma_start3A_154 = arith.constant 0 : i32
      %dma_start3A_155 = tpu.memref_slice %dma_start3A_152[%dma_start3A_153, %dma_start3A_154] : memref<10112x64xf32, #tpu.memory_space<hbm>> -> memref<10112x64xf32, #tpu.memory_space<hbm>>
      tpu.enqueue_indirect_dma source(%dma_start3A_155 : memref<10112x64xf32, #tpu.memory_space<hbm>>) target(%dma_start3A_145 : memref<128x64xf32, #tpu.memory_space<vmem>>) offsets(%dma_start3A_148 : memref<128xi32, #tpu.memory_space<vmem>>) semaphore(%arg12 : memref<!tpu.dma_semaphore, #tpu.memory_space<semaphore_mem>>)
      %scan3A_156 = arith.constant 0 : i32
      %scan3A_157 = arith.constant 1 : i32
      %scan3A_158 = arith.constant 0 : i32
      %scan3A_159 = arith.constant 73 : i32
      %scan3A_160 = arith.addi %scan3A_158, %scan3A_159 : i32
      %scan3A_161 = arith.constant 1 : i32
      scf.for %scan3A_204 = %scan3A_158 to %scan3A_160 step %scan3A_161  : i32 {
        %mul3A_205 = arith.constant 2 : i32
        %mul3A_206 = arith.muli %mul3A_205, %scan3A_204 : i32
        %add3A_207 = arith.constant 0 : i32
        %add3A_208 = arith.addi %mul3A_206, %add3A_207 : i32
        %dma_wait3A_209 = arith.constant 0 : i32
        %dma_wait3A_210 = arith.constant 0 : i32
        %dma_wait3A_211 = arith.constant 0 : i32
        %dma_wait3A_212 = tpu.memref_slice %arg8[%dma_wait3A_209, %dma_wait3A_210, %dma_wait3A_211] : memref<2x128x64xf32, #tpu.memory_space<vmem>> -> memref<1x128x64xf32, #tpu.memory_space<vmem>>
        %dma_wait3A_213 = tpu.memref_squeeze %dma_wait3A_212 : memref<1x128x64xf32, #tpu.memory_space<vmem>> -> memref<128x64xf32, #tpu.memory_space<vmem>>
        %dma_wait3A_214 = arith.constant 0 : i32
        %dma_wait3A_215 = tpu.memref_slice %arg6[%add3A_208, %dma_wait3A_214] : memref<148x128xi32, #tpu.memory_space<vmem>> -> memref<1x128xi32, #tpu.memory_space<vmem>>
        %dma_wait3A_216 = tpu.memref_squeeze %dma_wait3A_215 : memref<1x128xi32, #tpu.memory_space<vmem>> -> memref<128xi32, #tpu.memory_space<vmem>>
        %dma_wait3A_217 = arith.constant 0 : i32
        %dma_wait3A_218 = arith.constant 0 : i32
        %dma_wait3A_219 = tpu.memref_slice %arg2[%scan3A_157, %dma_wait3A_217, %dma_wait3A_218] : memref<2x10112x64xf32, #tpu.memory_space<hbm>> -> memref<1x10112x64xf32, #tpu.memory_space<hbm>>
        %dma_wait3A_220 = tpu.memref_squeeze %dma_wait3A_219 : memref<1x10112x64xf32, #tpu.memory_space<hbm>> -> memref<10112x64xf32, #tpu.memory_space<hbm>>
        %dma_wait3A_221 = arith.constant 0 : i32
        %dma_wait3A_222 = arith.constant 0 : i32
        %dma_wait3A_223 = tpu.memref_slice %dma_wait3A_220[%dma_wait3A_221, %dma_wait3A_222] : memref<10112x64xf32, #tpu.memory_space<hbm>> -> memref<10112x64xf32, #tpu.memory_space<hbm>>
        tpu.wait_indirect_dma semaphore(%arg11 : memref<!tpu.dma_semaphore, #tpu.memory_space<semaphore_mem>>) src(%dma_wait3A_223 : memref<10112x64xf32, #tpu.memory_space<hbm>>) dst(%dma_wait3A_213 : memref<128x64xf32, #tpu.memory_space<vmem>>)
        %run_scoped3A_224 = arith.constant 0 : i32
        "tpu.region"() ({
          %run_scoped3A_277 = tpu.sem_alloc : memref<!tpu.dma_semaphore, #tpu.memory_space<semaphore_mem>>
          %dma_start3A_278 = arith.constant 0 : i32
          %dma_start3A_279 = arith.constant 0 : i32
          %dma_start3A_280 = tpu.memref_slice %arg8[%run_scoped3A_224, %dma_start3A_278, %dma_start3A_279] : memref<2x128x64xf32, #tpu.memory_space<vmem>> -> memref<1x128x64xf32, #tpu.memory_space<vmem>>
          %dma_start3A_281 = tpu.memref_squeeze %dma_start3A_280 : memref<1x128x64xf32, #tpu.memory_space<vmem>> -> memref<128x64xf32, #tpu.memory_space<vmem>>
          %dma_start3A_282 = arith.constant 0 : i32
          %dma_start3A_283 = tpu.memref_slice %arg7[%add3A_208, %dma_start3A_282] : memref<148x128xi32, #tpu.memory_space<vmem>> -> memref<1x128xi32, #tpu.memory_space<vmem>>
          %dma_start3A_284 = tpu.memref_squeeze %dma_start3A_283 : memref<1x128xi32, #tpu.memory_space<vmem>> -> memref<128xi32, #tpu.memory_space<vmem>>
          %dma_start3A_285 = arith.constant 0 : i32
          %dma_start3A_286 = arith.constant 0 : i32
          %dma_start3A_287 = tpu.memref_slice %arg10[%dma_start3A_285, %dma_start3A_286] : memref<10112x64xf32, #tpu.memory_space<vmem_shared>> -> memref<10112x64xf32, #tpu.memory_space<vmem_shared>>
          tpu.enqueue_indirect_dma source(%dma_start3A_281 : memref<128x64xf32, #tpu.memory_space<vmem>>) target(%dma_start3A_287 : memref<10112x64xf32, #tpu.memory_space<vmem_shared>>) offsets(%dma_start3A_284 : memref<128xi32, #tpu.memory_space<vmem>>) semaphore(%run_scoped3A_277 : memref<!tpu.dma_semaphore, #tpu.memory_space<semaphore_mem>>) {add = true}
          %dma_wait3A_288 = arith.constant 0 : i32
          %dma_wait3A_289 = arith.constant 0 : i32
          %dma_wait3A_290 = tpu.memref_slice %arg8[%run_scoped3A_224, %dma_wait3A_288, %dma_wait3A_289] : memref<2x128x64xf32, #tpu.memory_space<vmem>> -> memref<1x128x64xf32, #tpu.memory_space<vmem>>
          %dma_wait3A_291 = tpu.memref_squeeze %dma_wait3A_290 : memref<1x128x64xf32, #tpu.memory_space<vmem>> -> memref<128x64xf32, #tpu.memory_space<vmem>>
          %dma_wait3A_292 = arith.constant 0 : i32
          %dma_wait3A_293 = tpu.memref_slice %arg7[%add3A_208, %dma_wait3A_292] : memref<148x128xi32, #tpu.memory_space<vmem>> -> memref<1x128xi32, #tpu.memory_space<vmem>>
          %dma_wait3A_294 = tpu.memref_squeeze %dma_wait3A_293 : memref<1x128xi32, #tpu.memory_space<vmem>> -> memref<128xi32, #tpu.memory_space<vmem>>
          %dma_wait3A_295 = arith.constant 0 : i32
          %dma_wait3A_296 = arith.constant 0 : i32
          %dma_wait3A_297 = tpu.memref_slice %arg10[%dma_wait3A_295, %dma_wait3A_296] : memref<10112x64xf32, #tpu.memory_space<vmem_shared>> -> memref<10112x64xf32, #tpu.memory_space<vmem_shared>>
          tpu.wait_indirect_dma semaphore(%run_scoped3A_277 : memref<!tpu.dma_semaphore, #tpu.memory_space<semaphore_mem>>) src(%dma_wait3A_291 : memref<128x64xf32, #tpu.memory_space<vmem>>) dst(%dma_wait3A_297 : memref<10112x64xf32, #tpu.memory_space<vmem_shared>>)
          tpu.yield
        }) : () -> ()
        %add3A_225 = arith.constant 2 : i32
        %add3A_226 = arith.addi %add3A_208, %add3A_225 : i32
        %dma_start3A_227 = arith.constant 0 : i32
        %dma_start3A_228 = arith.constant 0 : i32
        %dma_start3A_229 = arith.constant 0 : i32
        %dma_start3A_230 = tpu.memref_slice %arg8[%dma_start3A_227, %dma_start3A_228, %dma_start3A_229] : memref<2x128x64xf32, #tpu.memory_space<vmem>> -> memref<1x128x64xf32, #tpu.memory_space<vmem>>
        %dma_start3A_231 = tpu.memref_squeeze %dma_start3A_230 : memref<1x128x64xf32, #tpu.memory_space<vmem>> -> memref<128x64xf32, #tpu.memory_space<vmem>>
        %dma_start3A_232 = arith.constant 0 : i32
        %dma_start3A_233 = tpu.memref_slice %arg6[%add3A_226, %dma_start3A_232] : memref<148x128xi32, #tpu.memory_space<vmem>> -> memref<1x128xi32, #tpu.memory_space<vmem>>
        %dma_start3A_234 = tpu.memref_squeeze %dma_start3A_233 : memref<1x128xi32, #tpu.memory_space<vmem>> -> memref<128xi32, #tpu.memory_space<vmem>>
        %dma_start3A_235 = arith.constant 0 : i32
        %dma_start3A_236 = arith.constant 0 : i32
        %dma_start3A_237 = tpu.memref_slice %arg2[%scan3A_157, %dma_start3A_235, %dma_start3A_236] : memref<2x10112x64xf32, #tpu.memory_space<hbm>> -> memref<1x10112x64xf32, #tpu.memory_space<hbm>>
        %dma_start3A_238 = tpu.memref_squeeze %dma_start3A_237 : memref<1x10112x64xf32, #tpu.memory_space<hbm>> -> memref<10112x64xf32, #tpu.memory_space<hbm>>
        %dma_start3A_239 = arith.constant 0 : i32
        %dma_start3A_240 = arith.constant 0 : i32
        %dma_start3A_241 = tpu.memref_slice %dma_start3A_238[%dma_start3A_239, %dma_start3A_240] : memref<10112x64xf32, #tpu.memory_space<hbm>> -> memref<10112x64xf32, #tpu.memory_space<hbm>>
        tpu.enqueue_indirect_dma source(%dma_start3A_241 : memref<10112x64xf32, #tpu.memory_space<hbm>>) target(%dma_start3A_231 : memref<128x64xf32, #tpu.memory_space<vmem>>) offsets(%dma_start3A_234 : memref<128xi32, #tpu.memory_space<vmem>>) semaphore(%arg11 : memref<!tpu.dma_semaphore, #tpu.memory_space<semaphore_mem>>)
        %add3A_242 = arith.constant 1 : i32
        %add3A_243 = arith.addi %mul3A_206, %add3A_242 : i32
        %dma_wait3A_244 = arith.constant 1 : i32
        %dma_wait3A_245 = arith.constant 0 : i32
        %dma_wait3A_246 = arith.constant 0 : i32
        %dma_wait3A_247 = tpu.memref_slice %arg8[%dma_wait3A_244, %dma_wait3A_245, %dma_wait3A_246] : memref<2x128x64xf32, #tpu.memory_space<vmem>> -> memref<1x128x64xf32, #tpu.memory_space<vmem>>
        %dma_wait3A_248 = tpu.memref_squeeze %dma_wait3A_247 : memref<1x128x64xf32, #tpu.memory_space<vmem>> -> memref<128x64xf32, #tpu.memory_space<vmem>>
        %dma_wait3A_249 = arith.constant 0 : i32
        %dma_wait3A_250 = tpu.memref_slice %arg6[%add3A_243, %dma_wait3A_249] : memref<148x128xi32, #tpu.memory_space<vmem>> -> memref<1x128xi32, #tpu.memory_space<vmem>>
        %dma_wait3A_251 = tpu.memref_squeeze %dma_wait3A_250 : memref<1x128xi32, #tpu.memory_space<vmem>> -> memref<128xi32, #tpu.memory_space<vmem>>
        %dma_wait3A_252 = arith.constant 0 : i32
        %dma_wait3A_253 = arith.constant 0 : i32
        %dma_wait3A_254 = tpu.memref_slice %arg2[%scan3A_157, %dma_wait3A_252, %dma_wait3A_253] : memref<2x10112x64xf32, #tpu.memory_space<hbm>> -> memref<1x10112x64xf32, #tpu.memory_space<hbm>>
        %dma_wait3A_255 = tpu.memref_squeeze %dma_wait3A_254 : memref<1x10112x64xf32, #tpu.memory_space<hbm>> -> memref<10112x64xf32, #tpu.memory_space<hbm>>
        %dma_wait3A_256 = arith.constant 0 : i32
        %dma_wait3A_257 = arith.constant 0 : i32
        %dma_wait3A_258 = tpu.memref_slice %dma_wait3A_255[%dma_wait3A_256, %dma_wait3A_257] : memref<10112x64xf32, #tpu.memory_space<hbm>> -> memref<10112x64xf32, #tpu.memory_space<hbm>>
        tpu.wait_indirect_dma semaphore(%arg12 : memref<!tpu.dma_semaphore, #tpu.memory_space<semaphore_mem>>) src(%dma_wait3A_258 : memref<10112x64xf32, #tpu.memory_space<hbm>>) dst(%dma_wait3A_248 : memref<128x64xf32, #tpu.memory_space<vmem>>)
        %run_scoped3A_259 = arith.constant 1 : i32
        "tpu.region"() ({
          %run_scoped3A_277 = tpu.sem_alloc : memref<!tpu.dma_semaphore, #tpu.memory_space<semaphore_mem>>
          %dma_start3A_278 = arith.constant 0 : i32
          %dma_start3A_279 = arith.constant 0 : i32
          %dma_start3A_280 = tpu.memref_slice %arg8[%run_scoped3A_259, %dma_start3A_278, %dma_start3A_279] : memref<2x128x64xf32, #tpu.memory_space<vmem>> -> memref<1x128x64xf32, #tpu.memory_space<vmem>>
          %dma_start3A_281 = tpu.memref_squeeze %dma_start3A_280 : memref<1x128x64xf32, #tpu.memory_space<vmem>> -> memref<128x64xf32, #tpu.memory_space<vmem>>
          %dma_start3A_282 = arith.constant 0 : i32
          %dma_start3A_283 = tpu.memref_slice %arg7[%add3A_243, %dma_start3A_282] : memref<148x128xi32, #tpu.memory_space<vmem>> -> memref<1x128xi32, #tpu.memory_space<vmem>>
          %dma_start3A_284 = tpu.memref_squeeze %dma_start3A_283 : memref<1x128xi32, #tpu.memory_space<vmem>> -> memref<128xi32, #tpu.memory_space<vmem>>
          %dma_start3A_285 = arith.constant 0 : i32
          %dma_start3A_286 = arith.constant 0 : i32
          %dma_start3A_287 = tpu.memref_slice %arg10[%dma_start3A_285, %dma_start3A_286] : memref<10112x64xf32, #tpu.memory_space<vmem_shared>> -> memref<10112x64xf32, #tpu.memory_space<vmem_shared>>
          tpu.enqueue_indirect_dma source(%dma_start3A_281 : memref<128x64xf32, #tpu.memory_space<vmem>>) target(%dma_start3A_287 : memref<10112x64xf32, #tpu.memory_space<vmem_shared>>) offsets(%dma_start3A_284 : memref<128xi32, #tpu.memory_space<vmem>>) semaphore(%run_scoped3A_277 : memref<!tpu.dma_semaphore, #tpu.memory_space<semaphore_mem>>) {add = true}
          %dma_wait3A_288 = arith.constant 0 : i32
          %dma_wait3A_289 = arith.constant 0 : i32
          %dma_wait3A_290 = tpu.memref_slice %arg8[%run_scoped3A_259, %dma_wait3A_288, %dma_wait3A_289] : memref<2x128x64xf32, #tpu.memory_space<vmem>> -> memref<1x128x64xf32, #tpu.memory_space<vmem>>
          %dma_wait3A_291 = tpu.memref_squeeze %dma_wait3A_290 : memref<1x128x64xf32, #tpu.memory_space<vmem>> -> memref<128x64xf32, #tpu.memory_space<vmem>>
          %dma_wait3A_292 = arith.constant 0 : i32
          %dma_wait3A_293 = tpu.memref_slice %arg7[%add3A_243, %dma_wait3A_292] : memref<148x128xi32, #tpu.memory_space<vmem>> -> memref<1x128xi32, #tpu.memory_space<vmem>>
          %dma_wait3A_294 = tpu.memref_squeeze %dma_wait3A_293 : memref<1x128xi32, #tpu.memory_space<vmem>> -> memref<128xi32, #tpu.memory_space<vmem>>
          %dma_wait3A_295 = arith.constant 0 : i32
          %dma_wait3A_296 = arith.constant 0 : i32
          %dma_wait3A_297 = tpu.memref_slice %arg10[%dma_wait3A_295, %dma_wait3A_296] : memref<10112x64xf32, #tpu.memory_space<vmem_shared>> -> memref<10112x64xf32, #tpu.memory_space<vmem_shared>>
          tpu.wait_indirect_dma semaphore(%run_scoped3A_277 : memref<!tpu.dma_semaphore, #tpu.memory_space<semaphore_mem>>) src(%dma_wait3A_291 : memref<128x64xf32, #tpu.memory_space<vmem>>) dst(%dma_wait3A_297 : memref<10112x64xf32, #tpu.memory_space<vmem_shared>>)
          tpu.yield
        }) : () -> ()
        %add3A_260 = arith.constant 2 : i32
        %add3A_261 = arith.addi %add3A_243, %add3A_260 : i32
        %dma_start3A_262 = arith.constant 1 : i32
        %dma_start3A_263 = arith.constant 0 : i32
        %dma_start3A_264 = arith.constant 0 : i32
        %dma_start3A_265 = tpu.memref_slice %arg8[%dma_start3A_262, %dma_start3A_263, %dma_start3A_264] : memref<2x128x64xf32, #tpu.memory_space<vmem>> -> memref<1x128x64xf32, #tpu.memory_space<vmem>>
        %dma_start3A_266 = tpu.memref_squeeze %dma_start3A_265 : memref<1x128x64xf32, #tpu.memory_space<vmem>> -> memref<128x64xf32, #tpu.memory_space<vmem>>
        %dma_start3A_267 = arith.constant 0 : i32
        %dma_start3A_268 = tpu.memref_slice %arg6[%add3A_261, %dma_start3A_267] : memref<148x128xi32, #tpu.memory_space<vmem>> -> memref<1x128xi32, #tpu.memory_space<vmem>>
        %dma_start3A_269 = tpu.memref_squeeze %dma_start3A_268 : memref<1x128xi32, #tpu.memory_space<vmem>> -> memref<128xi32, #tpu.memory_space<vmem>>
        %dma_start3A_270 = arith.constant 0 : i32
        %dma_start3A_271 = arith.constant 0 : i32
        %dma_start3A_272 = tpu.memref_slice %arg2[%scan3A_157, %dma_start3A_270, %dma_start3A_271] : memref<2x10112x64xf32, #tpu.memory_space<hbm>> -> memref<1x10112x64xf32, #tpu.memory_space<hbm>>
        %dma_start3A_273 = tpu.memref_squeeze %dma_start3A_272 : memref<1x10112x64xf32, #tpu.memory_space<hbm>> -> memref<10112x64xf32, #tpu.memory_space<hbm>>
        %dma_start3A_274 = arith.constant 0 : i32
        %dma_start3A_275 = arith.constant 0 : i32
        %dma_start3A_276 = tpu.memref_slice %dma_start3A_273[%dma_start3A_274, %dma_start3A_275] : memref<10112x64xf32, #tpu.memory_space<hbm>> -> memref<10112x64xf32, #tpu.memory_space<hbm>>
        tpu.enqueue_indirect_dma source(%dma_start3A_276 : memref<10112x64xf32, #tpu.memory_space<hbm>>) target(%dma_start3A_266 : memref<128x64xf32, #tpu.memory_space<vmem>>) offsets(%dma_start3A_269 : memref<128xi32, #tpu.memory_space<vmem>>) semaphore(%arg12 : memref<!tpu.dma_semaphore, #tpu.memory_space<semaphore_mem>>)
      }
      %scan3A_162 = arith.constant 73 : i32
      %dma_wait3A_163 = arith.constant 1 : i32
      %dma_wait3A_164 = arith.constant 146 : i32
      %dma_wait3A_165 = arith.constant 0 : i32
      %dma_wait3A_166 = arith.constant 0 : i32
      %dma_wait3A_167 = arith.constant 0 : i32
      %dma_wait3A_168 = tpu.memref_slice %arg8[%dma_wait3A_165, %dma_wait3A_166, %dma_wait3A_167] : memref<2x128x64xf32, #tpu.memory_space<vmem>> -> memref<1x128x64xf32, #tpu.memory_space<vmem>>
      %dma_wait3A_169 = tpu.memref_squeeze %dma_wait3A_168 : memref<1x128x64xf32, #tpu.memory_space<vmem>> -> memref<128x64xf32, #tpu.memory_space<vmem>>
      %dma_wait3A_170 = arith.constant 0 : i32
      %dma_wait3A_171 = tpu.memref_slice %arg6[%dma_wait3A_164, %dma_wait3A_170] : memref<148x128xi32, #tpu.memory_space<vmem>> -> memref<1x128xi32, #tpu.memory_space<vmem>>
      %dma_wait3A_172 = tpu.memref_squeeze %dma_wait3A_171 : memref<1x128xi32, #tpu.memory_space<vmem>> -> memref<128xi32, #tpu.memory_space<vmem>>
      %dma_wait3A_173 = arith.constant 0 : i32
      %dma_wait3A_174 = arith.constant 0 : i32
      %dma_wait3A_175 = tpu.memref_slice %arg2[%dma_wait3A_163, %dma_wait3A_173, %dma_wait3A_174] : memref<2x10112x64xf32, #tpu.memory_space<hbm>> -> memref<1x10112x64xf32, #tpu.memory_space<hbm>>
      %dma_wait3A_176 = tpu.memref_squeeze %dma_wait3A_175 : memref<1x10112x64xf32, #tpu.memory_space<hbm>> -> memref<10112x64xf32, #tpu.memory_space<hbm>>
      %dma_wait3A_177 = arith.constant 0 : i32
      %dma_wait3A_178 = arith.constant 0 : i32
      %dma_wait3A_179 = tpu.memref_slice %dma_wait3A_176[%dma_wait3A_177, %dma_wait3A_178] : memref<10112x64xf32, #tpu.memory_space<hbm>> -> memref<10112x64xf32, #tpu.memory_space<hbm>>
      tpu.wait_indirect_dma semaphore(%arg11 : memref<!tpu.dma_semaphore, #tpu.memory_space<semaphore_mem>>) src(%dma_wait3A_179 : memref<10112x64xf32, #tpu.memory_space<hbm>>) dst(%dma_wait3A_169 : memref<128x64xf32, #tpu.memory_space<vmem>>)
      %run_scoped3A_180 = arith.constant 0 : i32
      %run_scoped3A_181 = arith.constant 146 : i32
      "tpu.region"() ({
        %run_scoped3A_204 = tpu.sem_alloc : memref<!tpu.dma_semaphore, #tpu.memory_space<semaphore_mem>>
        %dma_start3A_205 = arith.constant 0 : i32
        %dma_start3A_206 = arith.constant 0 : i32
        %dma_start3A_207 = tpu.memref_slice %arg8[%run_scoped3A_180, %dma_start3A_205, %dma_start3A_206] : memref<2x128x64xf32, #tpu.memory_space<vmem>> -> memref<1x128x64xf32, #tpu.memory_space<vmem>>
        %dma_start3A_208 = tpu.memref_squeeze %dma_start3A_207 : memref<1x128x64xf32, #tpu.memory_space<vmem>> -> memref<128x64xf32, #tpu.memory_space<vmem>>
        %dma_start3A_209 = arith.constant 0 : i32
        %dma_start3A_210 = tpu.memref_slice %arg7[%run_scoped3A_181, %dma_start3A_209] : memref<148x128xi32, #tpu.memory_space<vmem>> -> memref<1x128xi32, #tpu.memory_space<vmem>>
        %dma_start3A_211 = tpu.memref_squeeze %dma_start3A_210 : memref<1x128xi32, #tpu.memory_space<vmem>> -> memref<128xi32, #tpu.memory_space<vmem>>
        %dma_start3A_212 = arith.constant 0 : i32
        %dma_start3A_213 = arith.constant 0 : i32
        %dma_start3A_214 = tpu.memref_slice %arg10[%dma_start3A_212, %dma_start3A_213] : memref<10112x64xf32, #tpu.memory_space<vmem_shared>> -> memref<10112x64xf32, #tpu.memory_space<vmem_shared>>
        tpu.enqueue_indirect_dma source(%dma_start3A_208 : memref<128x64xf32, #tpu.memory_space<vmem>>) target(%dma_start3A_214 : memref<10112x64xf32, #tpu.memory_space<vmem_shared>>) offsets(%dma_start3A_211 : memref<128xi32, #tpu.memory_space<vmem>>) semaphore(%run_scoped3A_204 : memref<!tpu.dma_semaphore, #tpu.memory_space<semaphore_mem>>) {add = true}
        %dma_wait3A_215 = arith.constant 0 : i32
        %dma_wait3A_216 = arith.constant 0 : i32
        %dma_wait3A_217 = tpu.memref_slice %arg8[%run_scoped3A_180, %dma_wait3A_215, %dma_wait3A_216] : memref<2x128x64xf32, #tpu.memory_space<vmem>> -> memref<1x128x64xf32, #tpu.memory_space<vmem>>
        %dma_wait3A_218 = tpu.memref_squeeze %dma_wait3A_217 : memref<1x128x64xf32, #tpu.memory_space<vmem>> -> memref<128x64xf32, #tpu.memory_space<vmem>>
        %dma_wait3A_219 = arith.constant 0 : i32
        %dma_wait3A_220 = tpu.memref_slice %arg7[%run_scoped3A_181, %dma_wait3A_219] : memref<148x128xi32, #tpu.memory_space<vmem>> -> memref<1x128xi32, #tpu.memory_space<vmem>>
        %dma_wait3A_221 = tpu.memref_squeeze %dma_wait3A_220 : memref<1x128xi32, #tpu.memory_space<vmem>> -> memref<128xi32, #tpu.memory_space<vmem>>
        %dma_wait3A_222 = arith.constant 0 : i32
        %dma_wait3A_223 = arith.constant 0 : i32
        %dma_wait3A_224 = tpu.memref_slice %arg10[%dma_wait3A_222, %dma_wait3A_223] : memref<10112x64xf32, #tpu.memory_space<vmem_shared>> -> memref<10112x64xf32, #tpu.memory_space<vmem_shared>>
        tpu.wait_indirect_dma semaphore(%run_scoped3A_204 : memref<!tpu.dma_semaphore, #tpu.memory_space<semaphore_mem>>) src(%dma_wait3A_218 : memref<128x64xf32, #tpu.memory_space<vmem>>) dst(%dma_wait3A_224 : memref<10112x64xf32, #tpu.memory_space<vmem_shared>>)
        tpu.yield
      }) : () -> ()
      %dma_wait3A_182 = arith.constant 1 : i32
      %dma_wait3A_183 = arith.constant 147 : i32
      %dma_wait3A_184 = arith.constant 1 : i32
      %dma_wait3A_185 = arith.constant 0 : i32
      %dma_wait3A_186 = arith.constant 0 : i32
      %dma_wait3A_187 = tpu.memref_slice %arg8[%dma_wait3A_184, %dma_wait3A_185, %dma_wait3A_186] : memref<2x128x64xf32, #tpu.memory_space<vmem>> -> memref<1x128x64xf32, #tpu.memory_space<vmem>>
      %dma_wait3A_188 = tpu.memref_squeeze %dma_wait3A_187 : memref<1x128x64xf32, #tpu.memory_space<vmem>> -> memref<128x64xf32, #tpu.memory_space<vmem>>
      %dma_wait3A_189 = arith.constant 0 : i32
      %dma_wait3A_190 = tpu.memref_slice %arg6[%dma_wait3A_183, %dma_wait3A_189] : memref<148x128xi32, #tpu.memory_space<vmem>> -> memref<1x128xi32, #tpu.memory_space<vmem>>
      %dma_wait3A_191 = tpu.memref_squeeze %dma_wait3A_190 : memref<1x128xi32, #tpu.memory_space<vmem>> -> memref<128xi32, #tpu.memory_space<vmem>>
      %dma_wait3A_192 = arith.constant 0 : i32
      %dma_wait3A_193 = arith.constant 0 : i32
      %dma_wait3A_194 = tpu.memref_slice %arg2[%dma_wait3A_182, %dma_wait3A_192, %dma_wait3A_193] : memref<2x10112x64xf32, #tpu.memory_space<hbm>> -> memref<1x10112x64xf32, #tpu.memory_space<hbm>>
      %dma_wait3A_195 = tpu.memref_squeeze %dma_wait3A_194 : memref<1x10112x64xf32, #tpu.memory_space<hbm>> -> memref<10112x64xf32, #tpu.memory_space<hbm>>
      %dma_wait3A_196 = arith.constant 0 : i32
      %dma_wait3A_197 = arith.constant 0 : i32
      %dma_wait3A_198 = tpu.memref_slice %dma_wait3A_195[%dma_wait3A_196, %dma_wait3A_197] : memref<10112x64xf32, #tpu.memory_space<hbm>> -> memref<10112x64xf32, #tpu.memory_space<hbm>>
      tpu.wait_indirect_dma semaphore(%arg12 : memref<!tpu.dma_semaphore, #tpu.memory_space<semaphore_mem>>) src(%dma_wait3A_198 : memref<10112x64xf32, #tpu.memory_space<hbm>>) dst(%dma_wait3A_188 : memref<128x64xf32, #tpu.memory_space<vmem>>)
      %run_scoped3A_199 = arith.constant 1 : i32
      %run_scoped3A_200 = arith.constant 147 : i32
      "tpu.region"() ({
        %run_scoped3A_204 = tpu.sem_alloc : memref<!tpu.dma_semaphore, #tpu.memory_space<semaphore_mem>>
        %dma_start3A_205 = arith.constant 0 : i32
        %dma_start3A_206 = arith.constant 0 : i32
        %dma_start3A_207 = tpu.memref_slice %arg8[%run_scoped3A_199, %dma_start3A_205, %dma_start3A_206] : memref<2x128x64xf32, #tpu.memory_space<vmem>> -> memref<1x128x64xf32, #tpu.memory_space<vmem>>
        %dma_start3A_208 = tpu.memref_squeeze %dma_start3A_207 : memref<1x128x64xf32, #tpu.memory_space<vmem>> -> memref<128x64xf32, #tpu.memory_space<vmem>>
        %dma_start3A_209 = arith.constant 0 : i32
        %dma_start3A_210 = tpu.memref_slice %arg7[%run_scoped3A_200, %dma_start3A_209] : memref<148x128xi32, #tpu.memory_space<vmem>> -> memref<1x128xi32, #tpu.memory_space<vmem>>
        %dma_start3A_211 = tpu.memref_squeeze %dma_start3A_210 : memref<1x128xi32, #tpu.memory_space<vmem>> -> memref<128xi32, #tpu.memory_space<vmem>>
        %dma_start3A_212 = arith.constant 0 : i32
        %dma_start3A_213 = arith.constant 0 : i32
        %dma_start3A_214 = tpu.memref_slice %arg10[%dma_start3A_212, %dma_start3A_213] : memref<10112x64xf32, #tpu.memory_space<vmem_shared>> -> memref<10112x64xf32, #tpu.memory_space<vmem_shared>>
        tpu.enqueue_indirect_dma source(%dma_start3A_208 : memref<128x64xf32, #tpu.memory_space<vmem>>) target(%dma_start3A_214 : memref<10112x64xf32, #tpu.memory_space<vmem_shared>>) offsets(%dma_start3A_211 : memref<128xi32, #tpu.memory_space<vmem>>) semaphore(%run_scoped3A_204 : memref<!tpu.dma_semaphore, #tpu.memory_space<semaphore_mem>>) {add = true}
        %dma_wait3A_215 = arith.constant 0 : i32
        %dma_wait3A_216 = arith.constant 0 : i32
        %dma_wait3A_217 = tpu.memref_slice %arg8[%run_scoped3A_199, %dma_wait3A_215, %dma_wait3A_216] : memref<2x128x64xf32, #tpu.memory_space<vmem>> -> memref<1x128x64xf32, #tpu.memory_space<vmem>>
        %dma_wait3A_218 = tpu.memref_squeeze %dma_wait3A_217 : memref<1x128x64xf32, #tpu.memory_space<vmem>> -> memref<128x64xf32, #tpu.memory_space<vmem>>
        %dma_wait3A_219 = arith.constant 0 : i32
        %dma_wait3A_220 = tpu.memref_slice %arg7[%run_scoped3A_200, %dma_wait3A_219] : memref<148x128xi32, #tpu.memory_space<vmem>> -> memref<1x128xi32, #tpu.memory_space<vmem>>
        %dma_wait3A_221 = tpu.memref_squeeze %dma_wait3A_220 : memref<1x128xi32, #tpu.memory_space<vmem>> -> memref<128xi32, #tpu.memory_space<vmem>>
        %dma_wait3A_222 = arith.constant 0 : i32
        %dma_wait3A_223 = arith.constant 0 : i32
        %dma_wait3A_224 = tpu.memref_slice %arg10[%dma_wait3A_222, %dma_wait3A_223] : memref<10112x64xf32, #tpu.memory_space<vmem_shared>> -> memref<10112x64xf32, #tpu.memory_space<vmem_shared>>
        tpu.wait_indirect_dma semaphore(%run_scoped3A_204 : memref<!tpu.dma_semaphore, #tpu.memory_space<semaphore_mem>>) src(%dma_wait3A_218 : memref<128x64xf32, #tpu.memory_space<vmem>>) dst(%dma_wait3A_224 : memref<10112x64xf32, #tpu.memory_space<vmem_shared>>)
        tpu.yield
      }) : () -> ()
      %barrier3A_201 = arith.constant 0 : index
      tpu.barrier barrier_id(%barrier3A_201)
      %run_scoped3A_202 = arith.constant 1 : i32
      "tpu.region"() ({
        %run_scoped3A_204 = tpu.sem_alloc : memref<!tpu.dma_semaphore, #tpu.memory_space<semaphore_mem>>
        %dma_start3A_205 = arith.constant 0 : i32
        %dma_start3A_206 = arith.constant 0 : i32
        %dma_start3A_207 = arith.constant 0 : i32
        %dma_start3A_208 = tpu.memref_slice %arg5[%run_scoped3A_202, %dma_start3A_205, %dma_start3A_206, %dma_start3A_207] : memref<2x2x10112x64xf32, #tpu.memory_space<hbm>> -> memref<1x2x10112x64xf32, #tpu.memory_space<hbm>>
        %dma_start3A_209 = tpu.memref_squeeze %dma_start3A_208 : memref<1x2x10112x64xf32, #tpu.memory_space<hbm>> -> memref<2x10112x64xf32, #tpu.memory_space<hbm>>
        %dma_start3A_210 = arith.constant 0 : i32
        %dma_start3A_211 = arith.constant 0 : i32
        %dma_start3A_212 = tpu.memref_slice %dma_start3A_209[%arg0, %dma_start3A_210, %dma_start3A_211] : memref<2x10112x64xf32, #tpu.memory_space<hbm>> -> memref<1x10112x64xf32, #tpu.memory_space<hbm>>
        %dma_start3A_213 = tpu.memref_squeeze %dma_start3A_212 : memref<1x10112x64xf32, #tpu.memory_space<hbm>> -> memref<10112x64xf32, #tpu.memory_space<hbm>>
        %dma_start3A_214 = arith.constant 0 : i32
        %dma_start3A_215 = tpu.memref_slice %dma_start3A_213[%mul3A_0, %dma_start3A_214] : memref<10112x64xf32, #tpu.memory_space<hbm>> -> memref<632x64xf32, #tpu.memory_space<hbm>>
        %dma_start3A_216 = arith.constant 0 : i32
        %dma_start3A_217 = tpu.memref_slice %arg10[%mul3A_0, %dma_start3A_216] : memref<10112x64xf32, #tpu.memory_space<vmem_shared>> -> memref<632x64xf32, #tpu.memory_space<vmem_shared>>
        tpu.enqueue_dma source(%dma_start3A_217 : memref<632x64xf32, #tpu.memory_space<vmem_shared>>) target(%dma_start3A_215 : memref<632x64xf32, #tpu.memory_space<hbm>>) target_semaphore(%run_scoped3A_204 : memref<!tpu.dma_semaphore, #tpu.memory_space<semaphore_mem>>)
        %dma_wait3A_218 = arith.constant 0 : i32
        %dma_wait3A_219 = arith.constant 0 : i32
        %dma_wait3A_220 = arith.constant 0 : i32
        %dma_wait3A_221 = tpu.memref_slice %arg5[%run_scoped3A_202, %dma_wait3A_218, %dma_wait3A_219, %dma_wait3A_220] : memref<2x2x10112x64xf32, #tpu.memory_space<hbm>> -> memref<1x2x10112x64xf32, #tpu.memory_space<hbm>>
        %dma_wait3A_222 = tpu.memref_squeeze %dma_wait3A_221 : memref<1x2x10112x64xf32, #tpu.memory_space<hbm>> -> memref<2x10112x64xf32, #tpu.memory_space<hbm>>
        %dma_wait3A_223 = arith.constant 0 : i32
        %dma_wait3A_224 = arith.constant 0 : i32
        %dma_wait3A_225 = tpu.memref_slice %dma_wait3A_222[%arg0, %dma_wait3A_223, %dma_wait3A_224] : memref<2x10112x64xf32, #tpu.memory_space<hbm>> -> memref<1x10112x64xf32, #tpu.memory_space<hbm>>
        %dma_wait3A_226 = tpu.memref_squeeze %dma_wait3A_225 : memref<1x10112x64xf32, #tpu.memory_space<hbm>> -> memref<10112x64xf32, #tpu.memory_space<hbm>>
        %dma_wait3A_227 = arith.constant 0 : i32
        %dma_wait3A_228 = tpu.memref_slice %dma_wait3A_226[%mul3A_0, %dma_wait3A_227] : memref<10112x64xf32, #tpu.memory_space<hbm>> -> memref<632x64xf32, #tpu.memory_space<hbm>>
        %dma_wait3A_229 = arith.constant 0 : i32
        %dma_wait3A_230 = tpu.memref_slice %arg10[%mul3A_0, %dma_wait3A_229] : memref<10112x64xf32, #tpu.memory_space<vmem_shared>> -> memref<632x64xf32, #tpu.memory_space<vmem_shared>>
        tpu.wait_dma2 semaphore(%run_scoped3A_204 : memref<!tpu.dma_semaphore, #tpu.memory_space<semaphore_mem>>) src(%dma_wait3A_230 : memref<632x64xf32, #tpu.memory_space<vmem_shared>>) dst(%dma_wait3A_228 : memref<632x64xf32, #tpu.memory_space<hbm>>)
        tpu.yield
      }) : () -> ()
      %barrier3A_203 = arith.constant 0 : index
      tpu.barrier barrier_id(%barrier3A_203)
    } else {
      %mul3A_9 = arith.constant 12 : i32
      %mul3A_10 = arith.muli %arg1, %mul3A_9 : i32
      %add3A = arith.constant 2368 : i32
      %add3A_11 = arith.addi %add3A, %mul3A_10 : i32
      "tpu.region"() ({
        %run_scoped3A_206 = tpu.sem_alloc : memref<!tpu.dma_semaphore, #tpu.memory_space<semaphore_mem>>
        %dma_start3A_207 = arith.constant 0 : i32
        %dma_start3A_208 = arith.constant 0 : i32
        %dma_start3A_209 = tpu.memref_slice %arg6[%dma_start3A_207, %dma_start3A_208] : memref<148x128xi32, #tpu.memory_space<vmem>> -> memref<12x128xi32, #tpu.memory_space<vmem>>
        %dma_start3A_210 = arith.constant 0 : i32
        %dma_start3A_211 = tpu.memref_slice %arg3[%add3A_11, %dma_start3A_210] : memref<2560x128xi32, #tpu.memory_space<hbm>> -> memref<12x128xi32, #tpu.memory_space<hbm>>
        %dma_start3A_212 = arith.constant 0 : i32
        %dma_start3A_213 = arith.constant 0 : i32
        %dma_start3A_214 = tpu.memref_slice %arg6[%dma_start3A_212, %dma_start3A_213] : memref<148x128xi32, #tpu.memory_space<vmem>> -> memref<12x128xi32, #tpu.memory_space<vmem>>
        %dma_start3A_215 = arith.constant 0 : i32
        %dma_start3A_216 = tpu.memref_slice %arg3[%add3A_11, %dma_start3A_215] : memref<2560x128xi32, #tpu.memory_space<hbm>> -> memref<12x128xi32, #tpu.memory_space<hbm>>
        tpu.enqueue_dma source(%dma_start3A_216 : memref<12x128xi32, #tpu.memory_space<hbm>>) target(%dma_start3A_214 : memref<12x128xi32, #tpu.memory_space<vmem>>) target_semaphore(%run_scoped3A_206 : memref<!tpu.dma_semaphore, #tpu.memory_space<semaphore_mem>>)
        %dma_wait3A_217 = arith.constant 0 : i32
        %dma_wait3A_218 = arith.constant 0 : i32
        %dma_wait3A_219 = tpu.memref_slice %arg6[%dma_wait3A_217, %dma_wait3A_218] : memref<148x128xi32, #tpu.memory_space<vmem>> -> memref<12x128xi32, #tpu.memory_space<vmem>>
        %dma_wait3A_220 = arith.constant 0 : i32
        %dma_wait3A_221 = tpu.memref_slice %arg3[%add3A_11, %dma_wait3A_220] : memref<2560x128xi32, #tpu.memory_space<hbm>> -> memref<12x128xi32, #tpu.memory_space<hbm>>
        %dma_wait3A_222 = arith.constant 0 : i32
        %dma_wait3A_223 = arith.constant 0 : i32
        %dma_wait3A_224 = tpu.memref_slice %arg6[%dma_wait3A_222, %dma_wait3A_223] : memref<148x128xi32, #tpu.memory_space<vmem>> -> memref<12x128xi32, #tpu.memory_space<vmem>>
        %dma_wait3A_225 = arith.constant 0 : i32
        %dma_wait3A_226 = tpu.memref_slice %arg3[%add3A_11, %dma_wait3A_225] : memref<2560x128xi32, #tpu.memory_space<hbm>> -> memref<12x128xi32, #tpu.memory_space<hbm>>
        tpu.wait_dma2 semaphore(%run_scoped3A_206 : memref<!tpu.dma_semaphore, #tpu.memory_space<semaphore_mem>>) src(%dma_wait3A_226 : memref<12x128xi32, #tpu.memory_space<hbm>>) dst(%dma_wait3A_224 : memref<12x128xi32, #tpu.memory_space<vmem>>)
        tpu.yield
      }) : () -> ()
      "tpu.region"() ({
        %run_scoped3A_206 = tpu.sem_alloc : memref<!tpu.dma_semaphore, #tpu.memory_space<semaphore_mem>>
        %dma_start3A_207 = arith.constant 0 : i32
        %dma_start3A_208 = arith.constant 0 : i32
        %dma_start3A_209 = tpu.memref_slice %arg7[%dma_start3A_207, %dma_start3A_208] : memref<148x128xi32, #tpu.memory_space<vmem>> -> memref<12x128xi32, #tpu.memory_space<vmem>>
        %dma_start3A_210 = arith.constant 0 : i32
        %dma_start3A_211 = tpu.memref_slice %arg4[%add3A_11, %dma_start3A_210] : memref<2560x128xi32, #tpu.memory_space<hbm>> -> memref<12x128xi32, #tpu.memory_space<hbm>>
        %dma_start3A_212 = arith.constant 0 : i32
        %dma_start3A_213 = arith.constant 0 : i32
        %dma_start3A_214 = tpu.memref_slice %arg7[%dma_start3A_212, %dma_start3A_213] : memref<148x128xi32, #tpu.memory_space<vmem>> -> memref<12x128xi32, #tpu.memory_space<vmem>>
        %dma_start3A_215 = arith.constant 0 : i32
        %dma_start3A_216 = tpu.memref_slice %arg4[%add3A_11, %dma_start3A_215] : memref<2560x128xi32, #tpu.memory_space<hbm>> -> memref<12x128xi32, #tpu.memory_space<hbm>>
        tpu.enqueue_dma source(%dma_start3A_216 : memref<12x128xi32, #tpu.memory_space<hbm>>) target(%dma_start3A_214 : memref<12x128xi32, #tpu.memory_space<vmem>>) target_semaphore(%run_scoped3A_206 : memref<!tpu.dma_semaphore, #tpu.memory_space<semaphore_mem>>)
        %dma_wait3A_217 = arith.constant 0 : i32
        %dma_wait3A_218 = arith.constant 0 : i32
        %dma_wait3A_219 = tpu.memref_slice %arg7[%dma_wait3A_217, %dma_wait3A_218] : memref<148x128xi32, #tpu.memory_space<vmem>> -> memref<12x128xi32, #tpu.memory_space<vmem>>
        %dma_wait3A_220 = arith.constant 0 : i32
        %dma_wait3A_221 = tpu.memref_slice %arg4[%add3A_11, %dma_wait3A_220] : memref<2560x128xi32, #tpu.memory_space<hbm>> -> memref<12x128xi32, #tpu.memory_space<hbm>>
        %dma_wait3A_222 = arith.constant 0 : i32
        %dma_wait3A_223 = arith.constant 0 : i32
        %dma_wait3A_224 = tpu.memref_slice %arg7[%dma_wait3A_222, %dma_wait3A_223] : memref<148x128xi32, #tpu.memory_space<vmem>> -> memref<12x128xi32, #tpu.memory_space<vmem>>
        %dma_wait3A_225 = arith.constant 0 : i32
        %dma_wait3A_226 = tpu.memref_slice %arg4[%add3A_11, %dma_wait3A_225] : memref<2560x128xi32, #tpu.memory_space<hbm>> -> memref<12x128xi32, #tpu.memory_space<hbm>>
        tpu.wait_dma2 semaphore(%run_scoped3A_206 : memref<!tpu.dma_semaphore, #tpu.memory_space<semaphore_mem>>) src(%dma_wait3A_226 : memref<12x128xi32, #tpu.memory_space<hbm>>) dst(%dma_wait3A_224 : memref<12x128xi32, #tpu.memory_space<vmem>>)
        tpu.yield
      }) : () -> ()
      %add3A_12 = arith.constant 0 : i32
      %add3A_13 = arith.addi %mul3A_0, %add3A_12 : i32
      "tpu.region"() ({
        %run_scoped3A_206 = tpu.sem_alloc : memref<!tpu.dma_semaphore, #tpu.memory_space<semaphore_mem>>
        %dma_start3A_207 = arith.constant 0 : i32
        %dma_start3A_208 = tpu.memref_slice %arg10[%add3A_13, %dma_start3A_207] : memref<10112x64xf32, #tpu.memory_space<vmem_shared>> -> memref<79x64xf32, #tpu.memory_space<vmem_shared>>
        %dma_start3A_209 = arith.constant 0 : i32
        %dma_start3A_210 = tpu.memref_slice %arg10[%add3A_13, %dma_start3A_209] : memref<10112x64xf32, #tpu.memory_space<vmem_shared>> -> memref<79x64xf32, #tpu.memory_space<vmem_shared>>
        tpu.enqueue_dma source(%arg9 : memref<79x64xf32, #tpu.memory_space<vmem>>) target(%dma_start3A_210 : memref<79x64xf32, #tpu.memory_space<vmem_shared>>) target_semaphore(%run_scoped3A_206 : memref<!tpu.dma_semaphore, #tpu.memory_space<semaphore_mem>>)
        %dma_wait3A_211 = arith.constant 0 : i32
        %dma_wait3A_212 = tpu.memref_slice %arg10[%add3A_13, %dma_wait3A_211] : memref<10112x64xf32, #tpu.memory_space<vmem_shared>> -> memref<79x64xf32, #tpu.memory_space<vmem_shared>>
        %dma_wait3A_213 = arith.constant 0 : i32
        %dma_wait3A_214 = tpu.memref_slice %arg10[%add3A_13, %dma_wait3A_213] : memref<10112x64xf32, #tpu.memory_space<vmem_shared>> -> memref<79x64xf32, #tpu.memory_space<vmem_shared>>
        tpu.wait_dma2 semaphore(%run_scoped3A_206 : memref<!tpu.dma_semaphore, #tpu.memory_space<semaphore_mem>>) src(%arg9 : memref<79x64xf32, #tpu.memory_space<vmem>>) dst(%dma_wait3A_214 : memref<79x64xf32, #tpu.memory_space<vmem_shared>>)
        tpu.yield
      }) : () -> ()
      %add3A_14 = arith.constant 79 : i32
      %add3A_15 = arith.addi %mul3A_0, %add3A_14 : i32
      "tpu.region"() ({
        %run_scoped3A_206 = tpu.sem_alloc : memref<!tpu.dma_semaphore, #tpu.memory_space<semaphore_mem>>
        %dma_start3A_207 = arith.constant 0 : i32
        %dma_start3A_208 = tpu.memref_slice %arg10[%add3A_15, %dma_start3A_207] : memref<10112x64xf32, #tpu.memory_space<vmem_shared>> -> memref<79x64xf32, #tpu.memory_space<vmem_shared>>
        %dma_start3A_209 = arith.constant 0 : i32
        %dma_start3A_210 = tpu.memref_slice %arg10[%add3A_15, %dma_start3A_209] : memref<10112x64xf32, #tpu.memory_space<vmem_shared>> -> memref<79x64xf32, #tpu.memory_space<vmem_shared>>
        tpu.enqueue_dma source(%arg9 : memref<79x64xf32, #tpu.memory_space<vmem>>) target(%dma_start3A_210 : memref<79x64xf32, #tpu.memory_space<vmem_shared>>) target_semaphore(%run_scoped3A_206 : memref<!tpu.dma_semaphore, #tpu.memory_space<semaphore_mem>>)
        %dma_wait3A_211 = arith.constant 0 : i32
        %dma_wait3A_212 = tpu.memref_slice %arg10[%add3A_15, %dma_wait3A_211] : memref<10112x64xf32, #tpu.memory_space<vmem_shared>> -> memref<79x64xf32, #tpu.memory_space<vmem_shared>>
        %dma_wait3A_213 = arith.constant 0 : i32
        %dma_wait3A_214 = tpu.memref_slice %arg10[%add3A_15, %dma_wait3A_213] : memref<10112x64xf32, #tpu.memory_space<vmem_shared>> -> memref<79x64xf32, #tpu.memory_space<vmem_shared>>
        tpu.wait_dma2 semaphore(%run_scoped3A_206 : memref<!tpu.dma_semaphore, #tpu.memory_space<semaphore_mem>>) src(%arg9 : memref<79x64xf32, #tpu.memory_space<vmem>>) dst(%dma_wait3A_214 : memref<79x64xf32, #tpu.memory_space<vmem_shared>>)
        tpu.yield
      }) : () -> ()
      %add3A_16 = arith.constant 158 : i32
      %add3A_17 = arith.addi %mul3A_0, %add3A_16 : i32
      "tpu.region"() ({
        %run_scoped3A_206 = tpu.sem_alloc : memref<!tpu.dma_semaphore, #tpu.memory_space<semaphore_mem>>
        %dma_start3A_207 = arith.constant 0 : i32
        %dma_start3A_208 = tpu.memref_slice %arg10[%add3A_17, %dma_start3A_207] : memref<10112x64xf32, #tpu.memory_space<vmem_shared>> -> memref<79x64xf32, #tpu.memory_space<vmem_shared>>
        %dma_start3A_209 = arith.constant 0 : i32
        %dma_start3A_210 = tpu.memref_slice %arg10[%add3A_17, %dma_start3A_209] : memref<10112x64xf32, #tpu.memory_space<vmem_shared>> -> memref<79x64xf32, #tpu.memory_space<vmem_shared>>
        tpu.enqueue_dma source(%arg9 : memref<79x64xf32, #tpu.memory_space<vmem>>) target(%dma_start3A_210 : memref<79x64xf32, #tpu.memory_space<vmem_shared>>) target_semaphore(%run_scoped3A_206 : memref<!tpu.dma_semaphore, #tpu.memory_space<semaphore_mem>>)
        %dma_wait3A_211 = arith.constant 0 : i32
        %dma_wait3A_212 = tpu.memref_slice %arg10[%add3A_17, %dma_wait3A_211] : memref<10112x64xf32, #tpu.memory_space<vmem_shared>> -> memref<79x64xf32, #tpu.memory_space<vmem_shared>>
        %dma_wait3A_213 = arith.constant 0 : i32
        %dma_wait3A_214 = tpu.memref_slice %arg10[%add3A_17, %dma_wait3A_213] : memref<10112x64xf32, #tpu.memory_space<vmem_shared>> -> memref<79x64xf32, #tpu.memory_space<vmem_shared>>
        tpu.wait_dma2 semaphore(%run_scoped3A_206 : memref<!tpu.dma_semaphore, #tpu.memory_space<semaphore_mem>>) src(%arg9 : memref<79x64xf32, #tpu.memory_space<vmem>>) dst(%dma_wait3A_214 : memref<79x64xf32, #tpu.memory_space<vmem_shared>>)
        tpu.yield
      }) : () -> ()
      %add3A_18 = arith.constant 237 : i32
      %add3A_19 = arith.addi %mul3A_0, %add3A_18 : i32
      "tpu.region"() ({
        %run_scoped3A_206 = tpu.sem_alloc : memref<!tpu.dma_semaphore, #tpu.memory_space<semaphore_mem>>
        %dma_start3A_207 = arith.constant 0 : i32
        %dma_start3A_208 = tpu.memref_slice %arg10[%add3A_19, %dma_start3A_207] : memref<10112x64xf32, #tpu.memory_space<vmem_shared>> -> memref<79x64xf32, #tpu.memory_space<vmem_shared>>
        %dma_start3A_209 = arith.constant 0 : i32
        %dma_start3A_210 = tpu.memref_slice %arg10[%add3A_19, %dma_start3A_209] : memref<10112x64xf32, #tpu.memory_space<vmem_shared>> -> memref<79x64xf32, #tpu.memory_space<vmem_shared>>
        tpu.enqueue_dma source(%arg9 : memref<79x64xf32, #tpu.memory_space<vmem>>) target(%dma_start3A_210 : memref<79x64xf32, #tpu.memory_space<vmem_shared>>) target_semaphore(%run_scoped3A_206 : memref<!tpu.dma_semaphore, #tpu.memory_space<semaphore_mem>>)
        %dma_wait3A_211 = arith.constant 0 : i32
        %dma_wait3A_212 = tpu.memref_slice %arg10[%add3A_19, %dma_wait3A_211] : memref<10112x64xf32, #tpu.memory_space<vmem_shared>> -> memref<79x64xf32, #tpu.memory_space<vmem_shared>>
        %dma_wait3A_213 = arith.constant 0 : i32
        %dma_wait3A_214 = tpu.memref_slice %arg10[%add3A_19, %dma_wait3A_213] : memref<10112x64xf32, #tpu.memory_space<vmem_shared>> -> memref<79x64xf32, #tpu.memory_space<vmem_shared>>
        tpu.wait_dma2 semaphore(%run_scoped3A_206 : memref<!tpu.dma_semaphore, #tpu.memory_space<semaphore_mem>>) src(%arg9 : memref<79x64xf32, #tpu.memory_space<vmem>>) dst(%dma_wait3A_214 : memref<79x64xf32, #tpu.memory_space<vmem_shared>>)
        tpu.yield
      }) : () -> ()
      %add3A_20 = arith.constant 316 : i32
      %add3A_21 = arith.addi %mul3A_0, %add3A_20 : i32
      "tpu.region"() ({
        %run_scoped3A_206 = tpu.sem_alloc : memref<!tpu.dma_semaphore, #tpu.memory_space<semaphore_mem>>
        %dma_start3A_207 = arith.constant 0 : i32
        %dma_start3A_208 = tpu.memref_slice %arg10[%add3A_21, %dma_start3A_207] : memref<10112x64xf32, #tpu.memory_space<vmem_shared>> -> memref<79x64xf32, #tpu.memory_space<vmem_shared>>
        %dma_start3A_209 = arith.constant 0 : i32
        %dma_start3A_210 = tpu.memref_slice %arg10[%add3A_21, %dma_start3A_209] : memref<10112x64xf32, #tpu.memory_space<vmem_shared>> -> memref<79x64xf32, #tpu.memory_space<vmem_shared>>
        tpu.enqueue_dma source(%arg9 : memref<79x64xf32, #tpu.memory_space<vmem>>) target(%dma_start3A_210 : memref<79x64xf32, #tpu.memory_space<vmem_shared>>) target_semaphore(%run_scoped3A_206 : memref<!tpu.dma_semaphore, #tpu.memory_space<semaphore_mem>>)
        %dma_wait3A_211 = arith.constant 0 : i32
        %dma_wait3A_212 = tpu.memref_slice %arg10[%add3A_21, %dma_wait3A_211] : memref<10112x64xf32, #tpu.memory_space<vmem_shared>> -> memref<79x64xf32, #tpu.memory_space<vmem_shared>>
        %dma_wait3A_213 = arith.constant 0 : i32
        %dma_wait3A_214 = tpu.memref_slice %arg10[%add3A_21, %dma_wait3A_213] : memref<10112x64xf32, #tpu.memory_space<vmem_shared>> -> memref<79x64xf32, #tpu.memory_space<vmem_shared>>
        tpu.wait_dma2 semaphore(%run_scoped3A_206 : memref<!tpu.dma_semaphore, #tpu.memory_space<semaphore_mem>>) src(%arg9 : memref<79x64xf32, #tpu.memory_space<vmem>>) dst(%dma_wait3A_214 : memref<79x64xf32, #tpu.memory_space<vmem_shared>>)
        tpu.yield
      }) : () -> ()
      %add3A_22 = arith.constant 395 : i32
      %add3A_23 = arith.addi %mul3A_0, %add3A_22 : i32
      "tpu.region"() ({
        %run_scoped3A_206 = tpu.sem_alloc : memref<!tpu.dma_semaphore, #tpu.memory_space<semaphore_mem>>
        %dma_start3A_207 = arith.constant 0 : i32
        %dma_start3A_208 = tpu.memref_slice %arg10[%add3A_23, %dma_start3A_207] : memref<10112x64xf32, #tpu.memory_space<vmem_shared>> -> memref<79x64xf32, #tpu.memory_space<vmem_shared>>
        %dma_start3A_209 = arith.constant 0 : i32
        %dma_start3A_210 = tpu.memref_slice %arg10[%add3A_23, %dma_start3A_209] : memref<10112x64xf32, #tpu.memory_space<vmem_shared>> -> memref<79x64xf32, #tpu.memory_space<vmem_shared>>
        tpu.enqueue_dma source(%arg9 : memref<79x64xf32, #tpu.memory_space<vmem>>) target(%dma_start3A_210 : memref<79x64xf32, #tpu.memory_space<vmem_shared>>) target_semaphore(%run_scoped3A_206 : memref<!tpu.dma_semaphore, #tpu.memory_space<semaphore_mem>>)
        %dma_wait3A_211 = arith.constant 0 : i32
        %dma_wait3A_212 = tpu.memref_slice %arg10[%add3A_23, %dma_wait3A_211] : memref<10112x64xf32, #tpu.memory_space<vmem_shared>> -> memref<79x64xf32, #tpu.memory_space<vmem_shared>>
        %dma_wait3A_213 = arith.constant 0 : i32
        %dma_wait3A_214 = tpu.memref_slice %arg10[%add3A_23, %dma_wait3A_213] : memref<10112x64xf32, #tpu.memory_space<vmem_shared>> -> memref<79x64xf32, #tpu.memory_space<vmem_shared>>
        tpu.wait_dma2 semaphore(%run_scoped3A_206 : memref<!tpu.dma_semaphore, #tpu.memory_space<semaphore_mem>>) src(%arg9 : memref<79x64xf32, #tpu.memory_space<vmem>>) dst(%dma_wait3A_214 : memref<79x64xf32, #tpu.memory_space<vmem_shared>>)
        tpu.yield
      }) : () -> ()
      %add3A_24 = arith.constant 474 : i32
      %add3A_25 = arith.addi %mul3A_0, %add3A_24 : i32
      "tpu.region"() ({
        %run_scoped3A_206 = tpu.sem_alloc : memref<!tpu.dma_semaphore, #tpu.memory_space<semaphore_mem>>
        %dma_start3A_207 = arith.constant 0 : i32
        %dma_start3A_208 = tpu.memref_slice %arg10[%add3A_25, %dma_start3A_207] : memref<10112x64xf32, #tpu.memory_space<vmem_shared>> -> memref<79x64xf32, #tpu.memory_space<vmem_shared>>
        %dma_start3A_209 = arith.constant 0 : i32
        %dma_start3A_210 = tpu.memref_slice %arg10[%add3A_25, %dma_start3A_209] : memref<10112x64xf32, #tpu.memory_space<vmem_shared>> -> memref<79x64xf32, #tpu.memory_space<vmem_shared>>
        tpu.enqueue_dma source(%arg9 : memref<79x64xf32, #tpu.memory_space<vmem>>) target(%dma_start3A_210 : memref<79x64xf32, #tpu.memory_space<vmem_shared>>) target_semaphore(%run_scoped3A_206 : memref<!tpu.dma_semaphore, #tpu.memory_space<semaphore_mem>>)
        %dma_wait3A_211 = arith.constant 0 : i32
        %dma_wait3A_212 = tpu.memref_slice %arg10[%add3A_25, %dma_wait3A_211] : memref<10112x64xf32, #tpu.memory_space<vmem_shared>> -> memref<79x64xf32, #tpu.memory_space<vmem_shared>>
        %dma_wait3A_213 = arith.constant 0 : i32
        %dma_wait3A_214 = tpu.memref_slice %arg10[%add3A_25, %dma_wait3A_213] : memref<10112x64xf32, #tpu.memory_space<vmem_shared>> -> memref<79x64xf32, #tpu.memory_space<vmem_shared>>
        tpu.wait_dma2 semaphore(%run_scoped3A_206 : memref<!tpu.dma_semaphore, #tpu.memory_space<semaphore_mem>>) src(%arg9 : memref<79x64xf32, #tpu.memory_space<vmem>>) dst(%dma_wait3A_214 : memref<79x64xf32, #tpu.memory_space<vmem_shared>>)
        tpu.yield
      }) : () -> ()
      %add3A_26 = arith.constant 553 : i32
      %add3A_27 = arith.addi %mul3A_0, %add3A_26 : i32
      "tpu.region"() ({
        %run_scoped3A_206 = tpu.sem_alloc : memref<!tpu.dma_semaphore, #tpu.memory_space<semaphore_mem>>
        %dma_start3A_207 = arith.constant 0 : i32
        %dma_start3A_208 = tpu.memref_slice %arg10[%add3A_27, %dma_start3A_207] : memref<10112x64xf32, #tpu.memory_space<vmem_shared>> -> memref<79x64xf32, #tpu.memory_space<vmem_shared>>
        %dma_start3A_209 = arith.constant 0 : i32
        %dma_start3A_210 = tpu.memref_slice %arg10[%add3A_27, %dma_start3A_209] : memref<10112x64xf32, #tpu.memory_space<vmem_shared>> -> memref<79x64xf32, #tpu.memory_space<vmem_shared>>
        tpu.enqueue_dma source(%arg9 : memref<79x64xf32, #tpu.memory_space<vmem>>) target(%dma_start3A_210 : memref<79x64xf32, #tpu.memory_space<vmem_shared>>) target_semaphore(%run_scoped3A_206 : memref<!tpu.dma_semaphore, #tpu.memory_space<semaphore_mem>>)
        %dma_wait3A_211 = arith.constant 0 : i32
        %dma_wait3A_212 = tpu.memref_slice %arg10[%add3A_27, %dma_wait3A_211] : memref<10112x64xf32, #tpu.memory_space<vmem_shared>> -> memref<79x64xf32, #tpu.memory_space<vmem_shared>>
        %dma_wait3A_213 = arith.constant 0 : i32
        %dma_wait3A_214 = tpu.memref_slice %arg10[%add3A_27, %dma_wait3A_213] : memref<10112x64xf32, #tpu.memory_space<vmem_shared>> -> memref<79x64xf32, #tpu.memory_space<vmem_shared>>
        tpu.wait_dma2 semaphore(%run_scoped3A_206 : memref<!tpu.dma_semaphore, #tpu.memory_space<semaphore_mem>>) src(%arg9 : memref<79x64xf32, #tpu.memory_space<vmem>>) dst(%dma_wait3A_214 : memref<79x64xf32, #tpu.memory_space<vmem_shared>>)
        tpu.yield
      }) : () -> ()
      %barrier3A = arith.constant 0 : index
      tpu.barrier barrier_id(%barrier3A)
      %dma_start3A = arith.constant 0 : i32
      %dma_start3A_28 = arith.constant 0 : i32
      %dma_start3A_29 = arith.constant 0 : i32
      %dma_start3A_30 = arith.constant 0 : i32
      %dma_start3A_31 = arith.constant 0 : i32
      %dma_start3A_32 = tpu.memref_slice %arg8[%dma_start3A_29, %dma_start3A_30, %dma_start3A_31] : memref<2x128x64xf32, #tpu.memory_space<vmem>> -> memref<1x128x64xf32, #tpu.memory_space<vmem>>
      %dma_start3A_33 = tpu.memref_squeeze %dma_start3A_32 : memref<1x128x64xf32, #tpu.memory_space<vmem>> -> memref<128x64xf32, #tpu.memory_space<vmem>>
      %dma_start3A_34 = arith.constant 0 : i32
      %dma_start3A_35 = tpu.memref_slice %arg6[%dma_start3A_28, %dma_start3A_34] : memref<148x128xi32, #tpu.memory_space<vmem>> -> memref<1x128xi32, #tpu.memory_space<vmem>>
      %dma_start3A_36 = tpu.memref_squeeze %dma_start3A_35 : memref<1x128xi32, #tpu.memory_space<vmem>> -> memref<128xi32, #tpu.memory_space<vmem>>
      %dma_start3A_37 = arith.constant 0 : i32
      %dma_start3A_38 = arith.constant 0 : i32
      %dma_start3A_39 = tpu.memref_slice %arg2[%dma_start3A, %dma_start3A_37, %dma_start3A_38] : memref<2x10112x64xf32, #tpu.memory_space<hbm>> -> memref<1x10112x64xf32, #tpu.memory_space<hbm>>
      %dma_start3A_40 = tpu.memref_squeeze %dma_start3A_39 : memref<1x10112x64xf32, #tpu.memory_space<hbm>> -> memref<10112x64xf32, #tpu.memory_space<hbm>>
      %dma_start3A_41 = arith.constant 0 : i32
      %dma_start3A_42 = arith.constant 0 : i32
      %dma_start3A_43 = tpu.memref_slice %dma_start3A_40[%dma_start3A_41, %dma_start3A_42] : memref<10112x64xf32, #tpu.memory_space<hbm>> -> memref<10112x64xf32, #tpu.memory_space<hbm>>
      tpu.enqueue_indirect_dma source(%dma_start3A_43 : memref<10112x64xf32, #tpu.memory_space<hbm>>) target(%dma_start3A_33 : memref<128x64xf32, #tpu.memory_space<vmem>>) offsets(%dma_start3A_36 : memref<128xi32, #tpu.memory_space<vmem>>) semaphore(%arg11 : memref<!tpu.dma_semaphore, #tpu.memory_space<semaphore_mem>>)
      %dma_start3A_44 = arith.constant 0 : i32
      %dma_start3A_45 = arith.constant 1 : i32
      %dma_start3A_46 = arith.constant 1 : i32
      %dma_start3A_47 = arith.constant 0 : i32
      %dma_start3A_48 = arith.constant 0 : i32
      %dma_start3A_49 = tpu.memref_slice %arg8[%dma_start3A_46, %dma_start3A_47, %dma_start3A_48] : memref<2x128x64xf32, #tpu.memory_space<vmem>> -> memref<1x128x64xf32, #tpu.memory_space<vmem>>
      %dma_start3A_50 = tpu.memref_squeeze %dma_start3A_49 : memref<1x128x64xf32, #tpu.memory_space<vmem>> -> memref<128x64xf32, #tpu.memory_space<vmem>>
      %dma_start3A_51 = arith.constant 0 : i32
      %dma_start3A_52 = tpu.memref_slice %arg6[%dma_start3A_45, %dma_start3A_51] : memref<148x128xi32, #tpu.memory_space<vmem>> -> memref<1x128xi32, #tpu.memory_space<vmem>>
      %dma_start3A_53 = tpu.memref_squeeze %dma_start3A_52 : memref<1x128xi32, #tpu.memory_space<vmem>> -> memref<128xi32, #tpu.memory_space<vmem>>
      %dma_start3A_54 = arith.constant 0 : i32
      %dma_start3A_55 = arith.constant 0 : i32
      %dma_start3A_56 = tpu.memref_slice %arg2[%dma_start3A_44, %dma_start3A_54, %dma_start3A_55] : memref<2x10112x64xf32, #tpu.memory_space<hbm>> -> memref<1x10112x64xf32, #tpu.memory_space<hbm>>
      %dma_start3A_57 = tpu.memref_squeeze %dma_start3A_56 : memref<1x10112x64xf32, #tpu.memory_space<hbm>> -> memref<10112x64xf32, #tpu.memory_space<hbm>>
      %dma_start3A_58 = arith.constant 0 : i32
      %dma_start3A_59 = arith.constant 0 : i32
      %dma_start3A_60 = tpu.memref_slice %dma_start3A_57[%dma_start3A_58, %dma_start3A_59] : memref<10112x64xf32, #tpu.memory_space<hbm>> -> memref<10112x64xf32, #tpu.memory_space<hbm>>
      tpu.enqueue_indirect_dma source(%dma_start3A_60 : memref<10112x64xf32, #tpu.memory_space<hbm>>) target(%dma_start3A_50 : memref<128x64xf32, #tpu.memory_space<vmem>>) offsets(%dma_start3A_53 : memref<128xi32, #tpu.memory_space<vmem>>) semaphore(%arg12 : memref<!tpu.dma_semaphore, #tpu.memory_space<semaphore_mem>>)
      %scan3A_61 = arith.constant 0 : i32
      %scan3A_62 = arith.constant 0 : i32
      %scan3A_63 = arith.constant 0 : i32
      %scan3A_64 = arith.constant 5 : i32
      %scan3A_65 = arith.addi %scan3A_63, %scan3A_64 : i32
      %scan3A_66 = arith.constant 1 : i32
      scf.for %scan3A_206 = %scan3A_63 to %scan3A_65 step %scan3A_66  : i32 {
        %mul3A_207 = arith.constant 2 : i32
        %mul3A_208 = arith.muli %mul3A_207, %scan3A_206 : i32
        %add3A_209 = arith.constant 0 : i32
        %add3A_210 = arith.addi %mul3A_208, %add3A_209 : i32
        %dma_wait3A_211 = arith.constant 0 : i32
        %dma_wait3A_212 = arith.constant 0 : i32
        %dma_wait3A_213 = arith.constant 0 : i32
        %dma_wait3A_214 = tpu.memref_slice %arg8[%dma_wait3A_211, %dma_wait3A_212, %dma_wait3A_213] : memref<2x128x64xf32, #tpu.memory_space<vmem>> -> memref<1x128x64xf32, #tpu.memory_space<vmem>>
        %dma_wait3A_215 = tpu.memref_squeeze %dma_wait3A_214 : memref<1x128x64xf32, #tpu.memory_space<vmem>> -> memref<128x64xf32, #tpu.memory_space<vmem>>
        %dma_wait3A_216 = arith.constant 0 : i32
        %dma_wait3A_217 = tpu.memref_slice %arg6[%add3A_210, %dma_wait3A_216] : memref<148x128xi32, #tpu.memory_space<vmem>> -> memref<1x128xi32, #tpu.memory_space<vmem>>
        %dma_wait3A_218 = tpu.memref_squeeze %dma_wait3A_217 : memref<1x128xi32, #tpu.memory_space<vmem>> -> memref<128xi32, #tpu.memory_space<vmem>>
        %dma_wait3A_219 = arith.constant 0 : i32
        %dma_wait3A_220 = arith.constant 0 : i32
        %dma_wait3A_221 = tpu.memref_slice %arg2[%scan3A_62, %dma_wait3A_219, %dma_wait3A_220] : memref<2x10112x64xf32, #tpu.memory_space<hbm>> -> memref<1x10112x64xf32, #tpu.memory_space<hbm>>
        %dma_wait3A_222 = tpu.memref_squeeze %dma_wait3A_221 : memref<1x10112x64xf32, #tpu.memory_space<hbm>> -> memref<10112x64xf32, #tpu.memory_space<hbm>>
        %dma_wait3A_223 = arith.constant 0 : i32
        %dma_wait3A_224 = arith.constant 0 : i32
        %dma_wait3A_225 = tpu.memref_slice %dma_wait3A_222[%dma_wait3A_223, %dma_wait3A_224] : memref<10112x64xf32, #tpu.memory_space<hbm>> -> memref<10112x64xf32, #tpu.memory_space<hbm>>
        tpu.wait_indirect_dma semaphore(%arg11 : memref<!tpu.dma_semaphore, #tpu.memory_space<semaphore_mem>>) src(%dma_wait3A_225 : memref<10112x64xf32, #tpu.memory_space<hbm>>) dst(%dma_wait3A_215 : memref<128x64xf32, #tpu.memory_space<vmem>>)
        %run_scoped3A_226 = arith.constant 0 : i32
        "tpu.region"() ({
          %run_scoped3A_279 = tpu.sem_alloc : memref<!tpu.dma_semaphore, #tpu.memory_space<semaphore_mem>>
          %dma_start3A_280 = arith.constant 0 : i32
          %dma_start3A_281 = arith.constant 0 : i32
          %dma_start3A_282 = tpu.memref_slice %arg8[%run_scoped3A_226, %dma_start3A_280, %dma_start3A_281] : memref<2x128x64xf32, #tpu.memory_space<vmem>> -> memref<1x128x64xf32, #tpu.memory_space<vmem>>
          %dma_start3A_283 = tpu.memref_squeeze %dma_start3A_282 : memref<1x128x64xf32, #tpu.memory_space<vmem>> -> memref<128x64xf32, #tpu.memory_space<vmem>>
          %dma_start3A_284 = arith.constant 0 : i32
          %dma_start3A_285 = tpu.memref_slice %arg7[%add3A_210, %dma_start3A_284] : memref<148x128xi32, #tpu.memory_space<vmem>> -> memref<1x128xi32, #tpu.memory_space<vmem>>
          %dma_start3A_286 = tpu.memref_squeeze %dma_start3A_285 : memref<1x128xi32, #tpu.memory_space<vmem>> -> memref<128xi32, #tpu.memory_space<vmem>>
          %dma_start3A_287 = arith.constant 0 : i32
          %dma_start3A_288 = arith.constant 0 : i32
          %dma_start3A_289 = tpu.memref_slice %arg10[%dma_start3A_287, %dma_start3A_288] : memref<10112x64xf32, #tpu.memory_space<vmem_shared>> -> memref<10112x64xf32, #tpu.memory_space<vmem_shared>>
          tpu.enqueue_indirect_dma source(%dma_start3A_283 : memref<128x64xf32, #tpu.memory_space<vmem>>) target(%dma_start3A_289 : memref<10112x64xf32, #tpu.memory_space<vmem_shared>>) offsets(%dma_start3A_286 : memref<128xi32, #tpu.memory_space<vmem>>) semaphore(%run_scoped3A_279 : memref<!tpu.dma_semaphore, #tpu.memory_space<semaphore_mem>>) {add = true}
          %dma_wait3A_290 = arith.constant 0 : i32
          %dma_wait3A_291 = arith.constant 0 : i32
          %dma_wait3A_292 = tpu.memref_slice %arg8[%run_scoped3A_226, %dma_wait3A_290, %dma_wait3A_291] : memref<2x128x64xf32, #tpu.memory_space<vmem>> -> memref<1x128x64xf32, #tpu.memory_space<vmem>>
          %dma_wait3A_293 = tpu.memref_squeeze %dma_wait3A_292 : memref<1x128x64xf32, #tpu.memory_space<vmem>> -> memref<128x64xf32, #tpu.memory_space<vmem>>
          %dma_wait3A_294 = arith.constant 0 : i32
          %dma_wait3A_295 = tpu.memref_slice %arg7[%add3A_210, %dma_wait3A_294] : memref<148x128xi32, #tpu.memory_space<vmem>> -> memref<1x128xi32, #tpu.memory_space<vmem>>
          %dma_wait3A_296 = tpu.memref_squeeze %dma_wait3A_295 : memref<1x128xi32, #tpu.memory_space<vmem>> -> memref<128xi32, #tpu.memory_space<vmem>>
          %dma_wait3A_297 = arith.constant 0 : i32
          %dma_wait3A_298 = arith.constant 0 : i32
          %dma_wait3A_299 = tpu.memref_slice %arg10[%dma_wait3A_297, %dma_wait3A_298] : memref<10112x64xf32, #tpu.memory_space<vmem_shared>> -> memref<10112x64xf32, #tpu.memory_space<vmem_shared>>
          tpu.wait_indirect_dma semaphore(%run_scoped3A_279 : memref<!tpu.dma_semaphore, #tpu.memory_space<semaphore_mem>>) src(%dma_wait3A_293 : memref<128x64xf32, #tpu.memory_space<vmem>>) dst(%dma_wait3A_299 : memref<10112x64xf32, #tpu.memory_space<vmem_shared>>)
          tpu.yield
        }) : () -> ()
        %add3A_227 = arith.constant 2 : i32
        %add3A_228 = arith.addi %add3A_210, %add3A_227 : i32
        %dma_start3A_229 = arith.constant 0 : i32
        %dma_start3A_230 = arith.constant 0 : i32
        %dma_start3A_231 = arith.constant 0 : i32
        %dma_start3A_232 = tpu.memref_slice %arg8[%dma_start3A_229, %dma_start3A_230, %dma_start3A_231] : memref<2x128x64xf32, #tpu.memory_space<vmem>> -> memref<1x128x64xf32, #tpu.memory_space<vmem>>
        %dma_start3A_233 = tpu.memref_squeeze %dma_start3A_232 : memref<1x128x64xf32, #tpu.memory_space<vmem>> -> memref<128x64xf32, #tpu.memory_space<vmem>>
        %dma_start3A_234 = arith.constant 0 : i32
        %dma_start3A_235 = tpu.memref_slice %arg6[%add3A_228, %dma_start3A_234] : memref<148x128xi32, #tpu.memory_space<vmem>> -> memref<1x128xi32, #tpu.memory_space<vmem>>
        %dma_start3A_236 = tpu.memref_squeeze %dma_start3A_235 : memref<1x128xi32, #tpu.memory_space<vmem>> -> memref<128xi32, #tpu.memory_space<vmem>>
        %dma_start3A_237 = arith.constant 0 : i32
        %dma_start3A_238 = arith.constant 0 : i32
        %dma_start3A_239 = tpu.memref_slice %arg2[%scan3A_62, %dma_start3A_237, %dma_start3A_238] : memref<2x10112x64xf32, #tpu.memory_space<hbm>> -> memref<1x10112x64xf32, #tpu.memory_space<hbm>>
        %dma_start3A_240 = tpu.memref_squeeze %dma_start3A_239 : memref<1x10112x64xf32, #tpu.memory_space<hbm>> -> memref<10112x64xf32, #tpu.memory_space<hbm>>
        %dma_start3A_241 = arith.constant 0 : i32
        %dma_start3A_242 = arith.constant 0 : i32
        %dma_start3A_243 = tpu.memref_slice %dma_start3A_240[%dma_start3A_241, %dma_start3A_242] : memref<10112x64xf32, #tpu.memory_space<hbm>> -> memref<10112x64xf32, #tpu.memory_space<hbm>>
        tpu.enqueue_indirect_dma source(%dma_start3A_243 : memref<10112x64xf32, #tpu.memory_space<hbm>>) target(%dma_start3A_233 : memref<128x64xf32, #tpu.memory_space<vmem>>) offsets(%dma_start3A_236 : memref<128xi32, #tpu.memory_space<vmem>>) semaphore(%arg11 : memref<!tpu.dma_semaphore, #tpu.memory_space<semaphore_mem>>)
        %add3A_244 = arith.constant 1 : i32
        %add3A_245 = arith.addi %mul3A_208, %add3A_244 : i32
        %dma_wait3A_246 = arith.constant 1 : i32
        %dma_wait3A_247 = arith.constant 0 : i32
        %dma_wait3A_248 = arith.constant 0 : i32
        %dma_wait3A_249 = tpu.memref_slice %arg8[%dma_wait3A_246, %dma_wait3A_247, %dma_wait3A_248] : memref<2x128x64xf32, #tpu.memory_space<vmem>> -> memref<1x128x64xf32, #tpu.memory_space<vmem>>
        %dma_wait3A_250 = tpu.memref_squeeze %dma_wait3A_249 : memref<1x128x64xf32, #tpu.memory_space<vmem>> -> memref<128x64xf32, #tpu.memory_space<vmem>>
        %dma_wait3A_251 = arith.constant 0 : i32
        %dma_wait3A_252 = tpu.memref_slice %arg6[%add3A_245, %dma_wait3A_251] : memref<148x128xi32, #tpu.memory_space<vmem>> -> memref<1x128xi32, #tpu.memory_space<vmem>>
        %dma_wait3A_253 = tpu.memref_squeeze %dma_wait3A_252 : memref<1x128xi32, #tpu.memory_space<vmem>> -> memref<128xi32, #tpu.memory_space<vmem>>
        %dma_wait3A_254 = arith.constant 0 : i32
        %dma_wait3A_255 = arith.constant 0 : i32
        %dma_wait3A_256 = tpu.memref_slice %arg2[%scan3A_62, %dma_wait3A_254, %dma_wait3A_255] : memref<2x10112x64xf32, #tpu.memory_space<hbm>> -> memref<1x10112x64xf32, #tpu.memory_space<hbm>>
        %dma_wait3A_257 = tpu.memref_squeeze %dma_wait3A_256 : memref<1x10112x64xf32, #tpu.memory_space<hbm>> -> memref<10112x64xf32, #tpu.memory_space<hbm>>
        %dma_wait3A_258 = arith.constant 0 : i32
        %dma_wait3A_259 = arith.constant 0 : i32
        %dma_wait3A_260 = tpu.memref_slice %dma_wait3A_257[%dma_wait3A_258, %dma_wait3A_259] : memref<10112x64xf32, #tpu.memory_space<hbm>> -> memref<10112x64xf32, #tpu.memory_space<hbm>>
        tpu.wait_indirect_dma semaphore(%arg12 : memref<!tpu.dma_semaphore, #tpu.memory_space<semaphore_mem>>) src(%dma_wait3A_260 : memref<10112x64xf32, #tpu.memory_space<hbm>>) dst(%dma_wait3A_250 : memref<128x64xf32, #tpu.memory_space<vmem>>)
        %run_scoped3A_261 = arith.constant 1 : i32
        "tpu.region"() ({
          %run_scoped3A_279 = tpu.sem_alloc : memref<!tpu.dma_semaphore, #tpu.memory_space<semaphore_mem>>
          %dma_start3A_280 = arith.constant 0 : i32
          %dma_start3A_281 = arith.constant 0 : i32
          %dma_start3A_282 = tpu.memref_slice %arg8[%run_scoped3A_261, %dma_start3A_280, %dma_start3A_281] : memref<2x128x64xf32, #tpu.memory_space<vmem>> -> memref<1x128x64xf32, #tpu.memory_space<vmem>>
          %dma_start3A_283 = tpu.memref_squeeze %dma_start3A_282 : memref<1x128x64xf32, #tpu.memory_space<vmem>> -> memref<128x64xf32, #tpu.memory_space<vmem>>
          %dma_start3A_284 = arith.constant 0 : i32
          %dma_start3A_285 = tpu.memref_slice %arg7[%add3A_245, %dma_start3A_284] : memref<148x128xi32, #tpu.memory_space<vmem>> -> memref<1x128xi32, #tpu.memory_space<vmem>>
          %dma_start3A_286 = tpu.memref_squeeze %dma_start3A_285 : memref<1x128xi32, #tpu.memory_space<vmem>> -> memref<128xi32, #tpu.memory_space<vmem>>
          %dma_start3A_287 = arith.constant 0 : i32
          %dma_start3A_288 = arith.constant 0 : i32
          %dma_start3A_289 = tpu.memref_slice %arg10[%dma_start3A_287, %dma_start3A_288] : memref<10112x64xf32, #tpu.memory_space<vmem_shared>> -> memref<10112x64xf32, #tpu.memory_space<vmem_shared>>
          tpu.enqueue_indirect_dma source(%dma_start3A_283 : memref<128x64xf32, #tpu.memory_space<vmem>>) target(%dma_start3A_289 : memref<10112x64xf32, #tpu.memory_space<vmem_shared>>) offsets(%dma_start3A_286 : memref<128xi32, #tpu.memory_space<vmem>>) semaphore(%run_scoped3A_279 : memref<!tpu.dma_semaphore, #tpu.memory_space<semaphore_mem>>) {add = true}
          %dma_wait3A_290 = arith.constant 0 : i32
          %dma_wait3A_291 = arith.constant 0 : i32
          %dma_wait3A_292 = tpu.memref_slice %arg8[%run_scoped3A_261, %dma_wait3A_290, %dma_wait3A_291] : memref<2x128x64xf32, #tpu.memory_space<vmem>> -> memref<1x128x64xf32, #tpu.memory_space<vmem>>
          %dma_wait3A_293 = tpu.memref_squeeze %dma_wait3A_292 : memref<1x128x64xf32, #tpu.memory_space<vmem>> -> memref<128x64xf32, #tpu.memory_space<vmem>>
          %dma_wait3A_294 = arith.constant 0 : i32
          %dma_wait3A_295 = tpu.memref_slice %arg7[%add3A_245, %dma_wait3A_294] : memref<148x128xi32, #tpu.memory_space<vmem>> -> memref<1x128xi32, #tpu.memory_space<vmem>>
          %dma_wait3A_296 = tpu.memref_squeeze %dma_wait3A_295 : memref<1x128xi32, #tpu.memory_space<vmem>> -> memref<128xi32, #tpu.memory_space<vmem>>
          %dma_wait3A_297 = arith.constant 0 : i32
          %dma_wait3A_298 = arith.constant 0 : i32
          %dma_wait3A_299 = tpu.memref_slice %arg10[%dma_wait3A_297, %dma_wait3A_298] : memref<10112x64xf32, #tpu.memory_space<vmem_shared>> -> memref<10112x64xf32, #tpu.memory_space<vmem_shared>>
          tpu.wait_indirect_dma semaphore(%run_scoped3A_279 : memref<!tpu.dma_semaphore, #tpu.memory_space<semaphore_mem>>) src(%dma_wait3A_293 : memref<128x64xf32, #tpu.memory_space<vmem>>) dst(%dma_wait3A_299 : memref<10112x64xf32, #tpu.memory_space<vmem_shared>>)
          tpu.yield
        }) : () -> ()
        %add3A_262 = arith.constant 2 : i32
        %add3A_263 = arith.addi %add3A_245, %add3A_262 : i32
        %dma_start3A_264 = arith.constant 1 : i32
        %dma_start3A_265 = arith.constant 0 : i32
        %dma_start3A_266 = arith.constant 0 : i32
        %dma_start3A_267 = tpu.memref_slice %arg8[%dma_start3A_264, %dma_start3A_265, %dma_start3A_266] : memref<2x128x64xf32, #tpu.memory_space<vmem>> -> memref<1x128x64xf32, #tpu.memory_space<vmem>>
        %dma_start3A_268 = tpu.memref_squeeze %dma_start3A_267 : memref<1x128x64xf32, #tpu.memory_space<vmem>> -> memref<128x64xf32, #tpu.memory_space<vmem>>
        %dma_start3A_269 = arith.constant 0 : i32
        %dma_start3A_270 = tpu.memref_slice %arg6[%add3A_263, %dma_start3A_269] : memref<148x128xi32, #tpu.memory_space<vmem>> -> memref<1x128xi32, #tpu.memory_space<vmem>>
        %dma_start3A_271 = tpu.memref_squeeze %dma_start3A_270 : memref<1x128xi32, #tpu.memory_space<vmem>> -> memref<128xi32, #tpu.memory_space<vmem>>
        %dma_start3A_272 = arith.constant 0 : i32
        %dma_start3A_273 = arith.constant 0 : i32
        %dma_start3A_274 = tpu.memref_slice %arg2[%scan3A_62, %dma_start3A_272, %dma_start3A_273] : memref<2x10112x64xf32, #tpu.memory_space<hbm>> -> memref<1x10112x64xf32, #tpu.memory_space<hbm>>
        %dma_start3A_275 = tpu.memref_squeeze %dma_start3A_274 : memref<1x10112x64xf32, #tpu.memory_space<hbm>> -> memref<10112x64xf32, #tpu.memory_space<hbm>>
        %dma_start3A_276 = arith.constant 0 : i32
        %dma_start3A_277 = arith.constant 0 : i32
        %dma_start3A_278 = tpu.memref_slice %dma_start3A_275[%dma_start3A_276, %dma_start3A_277] : memref<10112x64xf32, #tpu.memory_space<hbm>> -> memref<10112x64xf32, #tpu.memory_space<hbm>>
        tpu.enqueue_indirect_dma source(%dma_start3A_278 : memref<10112x64xf32, #tpu.memory_space<hbm>>) target(%dma_start3A_268 : memref<128x64xf32, #tpu.memory_space<vmem>>) offsets(%dma_start3A_271 : memref<128xi32, #tpu.memory_space<vmem>>) semaphore(%arg12 : memref<!tpu.dma_semaphore, #tpu.memory_space<semaphore_mem>>)
      }
      %scan3A_67 = arith.constant 5 : i32
      %dma_wait3A = arith.constant 0 : i32
      %dma_wait3A_68 = arith.constant 10 : i32
      %dma_wait3A_69 = arith.constant 0 : i32
      %dma_wait3A_70 = arith.constant 0 : i32
      %dma_wait3A_71 = arith.constant 0 : i32
      %dma_wait3A_72 = tpu.memref_slice %arg8[%dma_wait3A_69, %dma_wait3A_70, %dma_wait3A_71] : memref<2x128x64xf32, #tpu.memory_space<vmem>> -> memref<1x128x64xf32, #tpu.memory_space<vmem>>
      %dma_wait3A_73 = tpu.memref_squeeze %dma_wait3A_72 : memref<1x128x64xf32, #tpu.memory_space<vmem>> -> memref<128x64xf32, #tpu.memory_space<vmem>>
      %dma_wait3A_74 = arith.constant 0 : i32
      %dma_wait3A_75 = tpu.memref_slice %arg6[%dma_wait3A_68, %dma_wait3A_74] : memref<148x128xi32, #tpu.memory_space<vmem>> -> memref<1x128xi32, #tpu.memory_space<vmem>>
      %dma_wait3A_76 = tpu.memref_squeeze %dma_wait3A_75 : memref<1x128xi32, #tpu.memory_space<vmem>> -> memref<128xi32, #tpu.memory_space<vmem>>
      %dma_wait3A_77 = arith.constant 0 : i32
      %dma_wait3A_78 = arith.constant 0 : i32
      %dma_wait3A_79 = tpu.memref_slice %arg2[%dma_wait3A, %dma_wait3A_77, %dma_wait3A_78] : memref<2x10112x64xf32, #tpu.memory_space<hbm>> -> memref<1x10112x64xf32, #tpu.memory_space<hbm>>
      %dma_wait3A_80 = tpu.memref_squeeze %dma_wait3A_79 : memref<1x10112x64xf32, #tpu.memory_space<hbm>> -> memref<10112x64xf32, #tpu.memory_space<hbm>>
      %dma_wait3A_81 = arith.constant 0 : i32
      %dma_wait3A_82 = arith.constant 0 : i32
      %dma_wait3A_83 = tpu.memref_slice %dma_wait3A_80[%dma_wait3A_81, %dma_wait3A_82] : memref<10112x64xf32, #tpu.memory_space<hbm>> -> memref<10112x64xf32, #tpu.memory_space<hbm>>
      tpu.wait_indirect_dma semaphore(%arg11 : memref<!tpu.dma_semaphore, #tpu.memory_space<semaphore_mem>>) src(%dma_wait3A_83 : memref<10112x64xf32, #tpu.memory_space<hbm>>) dst(%dma_wait3A_73 : memref<128x64xf32, #tpu.memory_space<vmem>>)
      %run_scoped3A = arith.constant 0 : i32
      %run_scoped3A_84 = arith.constant 10 : i32
      "tpu.region"() ({
        %run_scoped3A_206 = tpu.sem_alloc : memref<!tpu.dma_semaphore, #tpu.memory_space<semaphore_mem>>
        %dma_start3A_207 = arith.constant 0 : i32
        %dma_start3A_208 = arith.constant 0 : i32
        %dma_start3A_209 = tpu.memref_slice %arg8[%run_scoped3A, %dma_start3A_207, %dma_start3A_208] : memref<2x128x64xf32, #tpu.memory_space<vmem>> -> memref<1x128x64xf32, #tpu.memory_space<vmem>>
        %dma_start3A_210 = tpu.memref_squeeze %dma_start3A_209 : memref<1x128x64xf32, #tpu.memory_space<vmem>> -> memref<128x64xf32, #tpu.memory_space<vmem>>
        %dma_start3A_211 = arith.constant 0 : i32
        %dma_start3A_212 = tpu.memref_slice %arg7[%run_scoped3A_84, %dma_start3A_211] : memref<148x128xi32, #tpu.memory_space<vmem>> -> memref<1x128xi32, #tpu.memory_space<vmem>>
        %dma_start3A_213 = tpu.memref_squeeze %dma_start3A_212 : memref<1x128xi32, #tpu.memory_space<vmem>> -> memref<128xi32, #tpu.memory_space<vmem>>
        %dma_start3A_214 = arith.constant 0 : i32
        %dma_start3A_215 = arith.constant 0 : i32
        %dma_start3A_216 = tpu.memref_slice %arg10[%dma_start3A_214, %dma_start3A_215] : memref<10112x64xf32, #tpu.memory_space<vmem_shared>> -> memref<10112x64xf32, #tpu.memory_space<vmem_shared>>
        tpu.enqueue_indirect_dma source(%dma_start3A_210 : memref<128x64xf32, #tpu.memory_space<vmem>>) target(%dma_start3A_216 : memref<10112x64xf32, #tpu.memory_space<vmem_shared>>) offsets(%dma_start3A_213 : memref<128xi32, #tpu.memory_space<vmem>>) semaphore(%run_scoped3A_206 : memref<!tpu.dma_semaphore, #tpu.memory_space<semaphore_mem>>) {add = true}
        %dma_wait3A_217 = arith.constant 0 : i32
        %dma_wait3A_218 = arith.constant 0 : i32
        %dma_wait3A_219 = tpu.memref_slice %arg8[%run_scoped3A, %dma_wait3A_217, %dma_wait3A_218] : memref<2x128x64xf32, #tpu.memory_space<vmem>> -> memref<1x128x64xf32, #tpu.memory_space<vmem>>
        %dma_wait3A_220 = tpu.memref_squeeze %dma_wait3A_219 : memref<1x128x64xf32, #tpu.memory_space<vmem>> -> memref<128x64xf32, #tpu.memory_space<vmem>>
        %dma_wait3A_221 = arith.constant 0 : i32
        %dma_wait3A_222 = tpu.memref_slice %arg7[%run_scoped3A_84, %dma_wait3A_221] : memref<148x128xi32, #tpu.memory_space<vmem>> -> memref<1x128xi32, #tpu.memory_space<vmem>>
        %dma_wait3A_223 = tpu.memref_squeeze %dma_wait3A_222 : memref<1x128xi32, #tpu.memory_space<vmem>> -> memref<128xi32, #tpu.memory_space<vmem>>
        %dma_wait3A_224 = arith.constant 0 : i32
        %dma_wait3A_225 = arith.constant 0 : i32
        %dma_wait3A_226 = tpu.memref_slice %arg10[%dma_wait3A_224, %dma_wait3A_225] : memref<10112x64xf32, #tpu.memory_space<vmem_shared>> -> memref<10112x64xf32, #tpu.memory_space<vmem_shared>>
        tpu.wait_indirect_dma semaphore(%run_scoped3A_206 : memref<!tpu.dma_semaphore, #tpu.memory_space<semaphore_mem>>) src(%dma_wait3A_220 : memref<128x64xf32, #tpu.memory_space<vmem>>) dst(%dma_wait3A_226 : memref<10112x64xf32, #tpu.memory_space<vmem_shared>>)
        tpu.yield
      }) : () -> ()
      %dma_wait3A_85 = arith.constant 0 : i32
      %dma_wait3A_86 = arith.constant 11 : i32
      %dma_wait3A_87 = arith.constant 1 : i32
      %dma_wait3A_88 = arith.constant 0 : i32
      %dma_wait3A_89 = arith.constant 0 : i32
      %dma_wait3A_90 = tpu.memref_slice %arg8[%dma_wait3A_87, %dma_wait3A_88, %dma_wait3A_89] : memref<2x128x64xf32, #tpu.memory_space<vmem>> -> memref<1x128x64xf32, #tpu.memory_space<vmem>>
      %dma_wait3A_91 = tpu.memref_squeeze %dma_wait3A_90 : memref<1x128x64xf32, #tpu.memory_space<vmem>> -> memref<128x64xf32, #tpu.memory_space<vmem>>
      %dma_wait3A_92 = arith.constant 0 : i32
      %dma_wait3A_93 = tpu.memref_slice %arg6[%dma_wait3A_86, %dma_wait3A_92] : memref<148x128xi32, #tpu.memory_space<vmem>> -> memref<1x128xi32, #tpu.memory_space<vmem>>
      %dma_wait3A_94 = tpu.memref_squeeze %dma_wait3A_93 : memref<1x128xi32, #tpu.memory_space<vmem>> -> memref<128xi32, #tpu.memory_space<vmem>>
      %dma_wait3A_95 = arith.constant 0 : i32
      %dma_wait3A_96 = arith.constant 0 : i32
      %dma_wait3A_97 = tpu.memref_slice %arg2[%dma_wait3A_85, %dma_wait3A_95, %dma_wait3A_96] : memref<2x10112x64xf32, #tpu.memory_space<hbm>> -> memref<1x10112x64xf32, #tpu.memory_space<hbm>>
      %dma_wait3A_98 = tpu.memref_squeeze %dma_wait3A_97 : memref<1x10112x64xf32, #tpu.memory_space<hbm>> -> memref<10112x64xf32, #tpu.memory_space<hbm>>
      %dma_wait3A_99 = arith.constant 0 : i32
      %dma_wait3A_100 = arith.constant 0 : i32
      %dma_wait3A_101 = tpu.memref_slice %dma_wait3A_98[%dma_wait3A_99, %dma_wait3A_100] : memref<10112x64xf32, #tpu.memory_space<hbm>> -> memref<10112x64xf32, #tpu.memory_space<hbm>>
      tpu.wait_indirect_dma semaphore(%arg12 : memref<!tpu.dma_semaphore, #tpu.memory_space<semaphore_mem>>) src(%dma_wait3A_101 : memref<10112x64xf32, #tpu.memory_space<hbm>>) dst(%dma_wait3A_91 : memref<128x64xf32, #tpu.memory_space<vmem>>)
      %run_scoped3A_102 = arith.constant 1 : i32
      %run_scoped3A_103 = arith.constant 11 : i32
      "tpu.region"() ({
        %run_scoped3A_206 = tpu.sem_alloc : memref<!tpu.dma_semaphore, #tpu.memory_space<semaphore_mem>>
        %dma_start3A_207 = arith.constant 0 : i32
        %dma_start3A_208 = arith.constant 0 : i32
        %dma_start3A_209 = tpu.memref_slice %arg8[%run_scoped3A_102, %dma_start3A_207, %dma_start3A_208] : memref<2x128x64xf32, #tpu.memory_space<vmem>> -> memref<1x128x64xf32, #tpu.memory_space<vmem>>
        %dma_start3A_210 = tpu.memref_squeeze %dma_start3A_209 : memref<1x128x64xf32, #tpu.memory_space<vmem>> -> memref<128x64xf32, #tpu.memory_space<vmem>>
        %dma_start3A_211 = arith.constant 0 : i32
        %dma_start3A_212 = tpu.memref_slice %arg7[%run_scoped3A_103, %dma_start3A_211] : memref<148x128xi32, #tpu.memory_space<vmem>> -> memref<1x128xi32, #tpu.memory_space<vmem>>
        %dma_start3A_213 = tpu.memref_squeeze %dma_start3A_212 : memref<1x128xi32, #tpu.memory_space<vmem>> -> memref<128xi32, #tpu.memory_space<vmem>>
        %dma_start3A_214 = arith.constant 0 : i32
        %dma_start3A_215 = arith.constant 0 : i32
        %dma_start3A_216 = tpu.memref_slice %arg10[%dma_start3A_214, %dma_start3A_215] : memref<10112x64xf32, #tpu.memory_space<vmem_shared>> -> memref<10112x64xf32, #tpu.memory_space<vmem_shared>>
        tpu.enqueue_indirect_dma source(%dma_start3A_210 : memref<128x64xf32, #tpu.memory_space<vmem>>) target(%dma_start3A_216 : memref<10112x64xf32, #tpu.memory_space<vmem_shared>>) offsets(%dma_start3A_213 : memref<128xi32, #tpu.memory_space<vmem>>) semaphore(%run_scoped3A_206 : memref<!tpu.dma_semaphore, #tpu.memory_space<semaphore_mem>>) {add = true}
        %dma_wait3A_217 = arith.constant 0 : i32
        %dma_wait3A_218 = arith.constant 0 : i32
        %dma_wait3A_219 = tpu.memref_slice %arg8[%run_scoped3A_102, %dma_wait3A_217, %dma_wait3A_218] : memref<2x128x64xf32, #tpu.memory_space<vmem>> -> memref<1x128x64xf32, #tpu.memory_space<vmem>>
        %dma_wait3A_220 = tpu.memref_squeeze %dma_wait3A_219 : memref<1x128x64xf32, #tpu.memory_space<vmem>> -> memref<128x64xf32, #tpu.memory_space<vmem>>
        %dma_wait3A_221 = arith.constant 0 : i32
        %dma_wait3A_222 = tpu.memref_slice %arg7[%run_scoped3A_103, %dma_wait3A_221] : memref<148x128xi32, #tpu.memory_space<vmem>> -> memref<1x128xi32, #tpu.memory_space<vmem>>
        %dma_wait3A_223 = tpu.memref_squeeze %dma_wait3A_222 : memref<1x128xi32, #tpu.memory_space<vmem>> -> memref<128xi32, #tpu.memory_space<vmem>>
        %dma_wait3A_224 = arith.constant 0 : i32
        %dma_wait3A_225 = arith.constant 0 : i32
        %dma_wait3A_226 = tpu.memref_slice %arg10[%dma_wait3A_224, %dma_wait3A_225] : memref<10112x64xf32, #tpu.memory_space<vmem_shared>> -> memref<10112x64xf32, #tpu.memory_space<vmem_shared>>
        tpu.wait_indirect_dma semaphore(%run_scoped3A_206 : memref<!tpu.dma_semaphore, #tpu.memory_space<semaphore_mem>>) src(%dma_wait3A_220 : memref<128x64xf32, #tpu.memory_space<vmem>>) dst(%dma_wait3A_226 : memref<10112x64xf32, #tpu.memory_space<vmem_shared>>)
        tpu.yield
      }) : () -> ()
      %barrier3A_104 = arith.constant 0 : index
      tpu.barrier barrier_id(%barrier3A_104)
      %run_scoped3A_105 = arith.constant 0 : i32
      "tpu.region"() ({
        %run_scoped3A_206 = tpu.sem_alloc : memref<!tpu.dma_semaphore, #tpu.memory_space<semaphore_mem>>
        %dma_start3A_207 = arith.constant 0 : i32
        %dma_start3A_208 = arith.constant 0 : i32
        %dma_start3A_209 = arith.constant 0 : i32
        %dma_start3A_210 = tpu.memref_slice %arg5[%run_scoped3A_105, %dma_start3A_207, %dma_start3A_208, %dma_start3A_209] : memref<2x2x10112x64xf32, #tpu.memory_space<hbm>> -> memref<1x2x10112x64xf32, #tpu.memory_space<hbm>>
        %dma_start3A_211 = tpu.memref_squeeze %dma_start3A_210 : memref<1x2x10112x64xf32, #tpu.memory_space<hbm>> -> memref<2x10112x64xf32, #tpu.memory_space<hbm>>
        %dma_start3A_212 = arith.constant 0 : i32
        %dma_start3A_213 = arith.constant 0 : i32
        %dma_start3A_214 = tpu.memref_slice %dma_start3A_211[%arg0, %dma_start3A_212, %dma_start3A_213] : memref<2x10112x64xf32, #tpu.memory_space<hbm>> -> memref<1x10112x64xf32, #tpu.memory_space<hbm>>
        %dma_start3A_215 = tpu.memref_squeeze %dma_start3A_214 : memref<1x10112x64xf32, #tpu.memory_space<hbm>> -> memref<10112x64xf32, #tpu.memory_space<hbm>>
        %dma_start3A_216 = arith.constant 0 : i32
        %dma_start3A_217 = tpu.memref_slice %dma_start3A_215[%mul3A_0, %dma_start3A_216] : memref<10112x64xf32, #tpu.memory_space<hbm>> -> memref<632x64xf32, #tpu.memory_space<hbm>>
        %dma_start3A_218 = arith.constant 0 : i32
        %dma_start3A_219 = tpu.memref_slice %arg10[%mul3A_0, %dma_start3A_218] : memref<10112x64xf32, #tpu.memory_space<vmem_shared>> -> memref<632x64xf32, #tpu.memory_space<vmem_shared>>
        tpu.enqueue_dma source(%dma_start3A_219 : memref<632x64xf32, #tpu.memory_space<vmem_shared>>) target(%dma_start3A_217 : memref<632x64xf32, #tpu.memory_space<hbm>>) target_semaphore(%run_scoped3A_206 : memref<!tpu.dma_semaphore, #tpu.memory_space<semaphore_mem>>)
        %dma_wait3A_220 = arith.constant 0 : i32
        %dma_wait3A_221 = arith.constant 0 : i32
        %dma_wait3A_222 = arith.constant 0 : i32
        %dma_wait3A_223 = tpu.memref_slice %arg5[%run_scoped3A_105, %dma_wait3A_220, %dma_wait3A_221, %dma_wait3A_222] : memref<2x2x10112x64xf32, #tpu.memory_space<hbm>> -> memref<1x2x10112x64xf32, #tpu.memory_space<hbm>>
        %dma_wait3A_224 = tpu.memref_squeeze %dma_wait3A_223 : memref<1x2x10112x64xf32, #tpu.memory_space<hbm>> -> memref<2x10112x64xf32, #tpu.memory_space<hbm>>
        %dma_wait3A_225 = arith.constant 0 : i32
        %dma_wait3A_226 = arith.constant 0 : i32
        %dma_wait3A_227 = tpu.memref_slice %dma_wait3A_224[%arg0, %dma_wait3A_225, %dma_wait3A_226] : memref<2x10112x64xf32, #tpu.memory_space<hbm>> -> memref<1x10112x64xf32, #tpu.memory_space<hbm>>
        %dma_wait3A_228 = tpu.memref_squeeze %dma_wait3A_227 : memref<1x10112x64xf32, #tpu.memory_space<hbm>> -> memref<10112x64xf32, #tpu.memory_space<hbm>>
        %dma_wait3A_229 = arith.constant 0 : i32
        %dma_wait3A_230 = tpu.memref_slice %dma_wait3A_228[%mul3A_0, %dma_wait3A_229] : memref<10112x64xf32, #tpu.memory_space<hbm>> -> memref<632x64xf32, #tpu.memory_space<hbm>>
        %dma_wait3A_231 = arith.constant 0 : i32
        %dma_wait3A_232 = tpu.memref_slice %arg10[%mul3A_0, %dma_wait3A_231] : memref<10112x64xf32, #tpu.memory_space<vmem_shared>> -> memref<632x64xf32, #tpu.memory_space<vmem_shared>>
        tpu.wait_dma2 semaphore(%run_scoped3A_206 : memref<!tpu.dma_semaphore, #tpu.memory_space<semaphore_mem>>) src(%dma_wait3A_232 : memref<632x64xf32, #tpu.memory_space<vmem_shared>>) dst(%dma_wait3A_230 : memref<632x64xf32, #tpu.memory_space<hbm>>)
        tpu.yield
      }) : () -> ()
      %barrier3A_106 = arith.constant 0 : index
      tpu.barrier barrier_id(%barrier3A_106)
      %add3A_107 = arith.constant 0 : i32
      %add3A_108 = arith.addi %mul3A_0, %add3A_107 : i32
      "tpu.region"() ({
        %run_scoped3A_206 = tpu.sem_alloc : memref<!tpu.dma_semaphore, #tpu.memory_space<semaphore_mem>>
        %dma_start3A_207 = arith.constant 0 : i32
        %dma_start3A_208 = tpu.memref_slice %arg10[%add3A_108, %dma_start3A_207] : memref<10112x64xf32, #tpu.memory_space<vmem_shared>> -> memref<79x64xf32, #tpu.memory_space<vmem_shared>>
        %dma_start3A_209 = arith.constant 0 : i32
        %dma_start3A_210 = tpu.memref_slice %arg10[%add3A_108, %dma_start3A_209] : memref<10112x64xf32, #tpu.memory_space<vmem_shared>> -> memref<79x64xf32, #tpu.memory_space<vmem_shared>>
        tpu.enqueue_dma source(%arg9 : memref<79x64xf32, #tpu.memory_space<vmem>>) target(%dma_start3A_210 : memref<79x64xf32, #tpu.memory_space<vmem_shared>>) target_semaphore(%run_scoped3A_206 : memref<!tpu.dma_semaphore, #tpu.memory_space<semaphore_mem>>)
        %dma_wait3A_211 = arith.constant 0 : i32
        %dma_wait3A_212 = tpu.memref_slice %arg10[%add3A_108, %dma_wait3A_211] : memref<10112x64xf32, #tpu.memory_space<vmem_shared>> -> memref<79x64xf32, #tpu.memory_space<vmem_shared>>
        %dma_wait3A_213 = arith.constant 0 : i32
        %dma_wait3A_214 = tpu.memref_slice %arg10[%add3A_108, %dma_wait3A_213] : memref<10112x64xf32, #tpu.memory_space<vmem_shared>> -> memref<79x64xf32, #tpu.memory_space<vmem_shared>>
        tpu.wait_dma2 semaphore(%run_scoped3A_206 : memref<!tpu.dma_semaphore, #tpu.memory_space<semaphore_mem>>) src(%arg9 : memref<79x64xf32, #tpu.memory_space<vmem>>) dst(%dma_wait3A_214 : memref<79x64xf32, #tpu.memory_space<vmem_shared>>)
        tpu.yield
      }) : () -> ()
      %add3A_109 = arith.constant 79 : i32
      %add3A_110 = arith.addi %mul3A_0, %add3A_109 : i32
      "tpu.region"() ({
        %run_scoped3A_206 = tpu.sem_alloc : memref<!tpu.dma_semaphore, #tpu.memory_space<semaphore_mem>>
        %dma_start3A_207 = arith.constant 0 : i32
        %dma_start3A_208 = tpu.memref_slice %arg10[%add3A_110, %dma_start3A_207] : memref<10112x64xf32, #tpu.memory_space<vmem_shared>> -> memref<79x64xf32, #tpu.memory_space<vmem_shared>>
        %dma_start3A_209 = arith.constant 0 : i32
        %dma_start3A_210 = tpu.memref_slice %arg10[%add3A_110, %dma_start3A_209] : memref<10112x64xf32, #tpu.memory_space<vmem_shared>> -> memref<79x64xf32, #tpu.memory_space<vmem_shared>>
        tpu.enqueue_dma source(%arg9 : memref<79x64xf32, #tpu.memory_space<vmem>>) target(%dma_start3A_210 : memref<79x64xf32, #tpu.memory_space<vmem_shared>>) target_semaphore(%run_scoped3A_206 : memref<!tpu.dma_semaphore, #tpu.memory_space<semaphore_mem>>)
        %dma_wait3A_211 = arith.constant 0 : i32
        %dma_wait3A_212 = tpu.memref_slice %arg10[%add3A_110, %dma_wait3A_211] : memref<10112x64xf32, #tpu.memory_space<vmem_shared>> -> memref<79x64xf32, #tpu.memory_space<vmem_shared>>
        %dma_wait3A_213 = arith.constant 0 : i32
        %dma_wait3A_214 = tpu.memref_slice %arg10[%add3A_110, %dma_wait3A_213] : memref<10112x64xf32, #tpu.memory_space<vmem_shared>> -> memref<79x64xf32, #tpu.memory_space<vmem_shared>>
        tpu.wait_dma2 semaphore(%run_scoped3A_206 : memref<!tpu.dma_semaphore, #tpu.memory_space<semaphore_mem>>) src(%arg9 : memref<79x64xf32, #tpu.memory_space<vmem>>) dst(%dma_wait3A_214 : memref<79x64xf32, #tpu.memory_space<vmem_shared>>)
        tpu.yield
      }) : () -> ()
      %add3A_111 = arith.constant 158 : i32
      %add3A_112 = arith.addi %mul3A_0, %add3A_111 : i32
      "tpu.region"() ({
        %run_scoped3A_206 = tpu.sem_alloc : memref<!tpu.dma_semaphore, #tpu.memory_space<semaphore_mem>>
        %dma_start3A_207 = arith.constant 0 : i32
        %dma_start3A_208 = tpu.memref_slice %arg10[%add3A_112, %dma_start3A_207] : memref<10112x64xf32, #tpu.memory_space<vmem_shared>> -> memref<79x64xf32, #tpu.memory_space<vmem_shared>>
        %dma_start3A_209 = arith.constant 0 : i32
        %dma_start3A_210 = tpu.memref_slice %arg10[%add3A_112, %dma_start3A_209] : memref<10112x64xf32, #tpu.memory_space<vmem_shared>> -> memref<79x64xf32, #tpu.memory_space<vmem_shared>>
        tpu.enqueue_dma source(%arg9 : memref<79x64xf32, #tpu.memory_space<vmem>>) target(%dma_start3A_210 : memref<79x64xf32, #tpu.memory_space<vmem_shared>>) target_semaphore(%run_scoped3A_206 : memref<!tpu.dma_semaphore, #tpu.memory_space<semaphore_mem>>)
        %dma_wait3A_211 = arith.constant 0 : i32
        %dma_wait3A_212 = tpu.memref_slice %arg10[%add3A_112, %dma_wait3A_211] : memref<10112x64xf32, #tpu.memory_space<vmem_shared>> -> memref<79x64xf32, #tpu.memory_space<vmem_shared>>
        %dma_wait3A_213 = arith.constant 0 : i32
        %dma_wait3A_214 = tpu.memref_slice %arg10[%add3A_112, %dma_wait3A_213] : memref<10112x64xf32, #tpu.memory_space<vmem_shared>> -> memref<79x64xf32, #tpu.memory_space<vmem_shared>>
        tpu.wait_dma2 semaphore(%run_scoped3A_206 : memref<!tpu.dma_semaphore, #tpu.memory_space<semaphore_mem>>) src(%arg9 : memref<79x64xf32, #tpu.memory_space<vmem>>) dst(%dma_wait3A_214 : memref<79x64xf32, #tpu.memory_space<vmem_shared>>)
        tpu.yield
      }) : () -> ()
      %add3A_113 = arith.constant 237 : i32
      %add3A_114 = arith.addi %mul3A_0, %add3A_113 : i32
      "tpu.region"() ({
        %run_scoped3A_206 = tpu.sem_alloc : memref<!tpu.dma_semaphore, #tpu.memory_space<semaphore_mem>>
        %dma_start3A_207 = arith.constant 0 : i32
        %dma_start3A_208 = tpu.memref_slice %arg10[%add3A_114, %dma_start3A_207] : memref<10112x64xf32, #tpu.memory_space<vmem_shared>> -> memref<79x64xf32, #tpu.memory_space<vmem_shared>>
        %dma_start3A_209 = arith.constant 0 : i32
        %dma_start3A_210 = tpu.memref_slice %arg10[%add3A_114, %dma_start3A_209] : memref<10112x64xf32, #tpu.memory_space<vmem_shared>> -> memref<79x64xf32, #tpu.memory_space<vmem_shared>>
        tpu.enqueue_dma source(%arg9 : memref<79x64xf32, #tpu.memory_space<vmem>>) target(%dma_start3A_210 : memref<79x64xf32, #tpu.memory_space<vmem_shared>>) target_semaphore(%run_scoped3A_206 : memref<!tpu.dma_semaphore, #tpu.memory_space<semaphore_mem>>)
        %dma_wait3A_211 = arith.constant 0 : i32
        %dma_wait3A_212 = tpu.memref_slice %arg10[%add3A_114, %dma_wait3A_211] : memref<10112x64xf32, #tpu.memory_space<vmem_shared>> -> memref<79x64xf32, #tpu.memory_space<vmem_shared>>
        %dma_wait3A_213 = arith.constant 0 : i32
        %dma_wait3A_214 = tpu.memref_slice %arg10[%add3A_114, %dma_wait3A_213] : memref<10112x64xf32, #tpu.memory_space<vmem_shared>> -> memref<79x64xf32, #tpu.memory_space<vmem_shared>>
        tpu.wait_dma2 semaphore(%run_scoped3A_206 : memref<!tpu.dma_semaphore, #tpu.memory_space<semaphore_mem>>) src(%arg9 : memref<79x64xf32, #tpu.memory_space<vmem>>) dst(%dma_wait3A_214 : memref<79x64xf32, #tpu.memory_space<vmem_shared>>)
        tpu.yield
      }) : () -> ()
      %add3A_115 = arith.constant 316 : i32
      %add3A_116 = arith.addi %mul3A_0, %add3A_115 : i32
      "tpu.region"() ({
        %run_scoped3A_206 = tpu.sem_alloc : memref<!tpu.dma_semaphore, #tpu.memory_space<semaphore_mem>>
        %dma_start3A_207 = arith.constant 0 : i32
        %dma_start3A_208 = tpu.memref_slice %arg10[%add3A_116, %dma_start3A_207] : memref<10112x64xf32, #tpu.memory_space<vmem_shared>> -> memref<79x64xf32, #tpu.memory_space<vmem_shared>>
        %dma_start3A_209 = arith.constant 0 : i32
        %dma_start3A_210 = tpu.memref_slice %arg10[%add3A_116, %dma_start3A_209] : memref<10112x64xf32, #tpu.memory_space<vmem_shared>> -> memref<79x64xf32, #tpu.memory_space<vmem_shared>>
        tpu.enqueue_dma source(%arg9 : memref<79x64xf32, #tpu.memory_space<vmem>>) target(%dma_start3A_210 : memref<79x64xf32, #tpu.memory_space<vmem_shared>>) target_semaphore(%run_scoped3A_206 : memref<!tpu.dma_semaphore, #tpu.memory_space<semaphore_mem>>)
        %dma_wait3A_211 = arith.constant 0 : i32
        %dma_wait3A_212 = tpu.memref_slice %arg10[%add3A_116, %dma_wait3A_211] : memref<10112x64xf32, #tpu.memory_space<vmem_shared>> -> memref<79x64xf32, #tpu.memory_space<vmem_shared>>
        %dma_wait3A_213 = arith.constant 0 : i32
        %dma_wait3A_214 = tpu.memref_slice %arg10[%add3A_116, %dma_wait3A_213] : memref<10112x64xf32, #tpu.memory_space<vmem_shared>> -> memref<79x64xf32, #tpu.memory_space<vmem_shared>>
        tpu.wait_dma2 semaphore(%run_scoped3A_206 : memref<!tpu.dma_semaphore, #tpu.memory_space<semaphore_mem>>) src(%arg9 : memref<79x64xf32, #tpu.memory_space<vmem>>) dst(%dma_wait3A_214 : memref<79x64xf32, #tpu.memory_space<vmem_shared>>)
        tpu.yield
      }) : () -> ()
      %add3A_117 = arith.constant 395 : i32
      %add3A_118 = arith.addi %mul3A_0, %add3A_117 : i32
      "tpu.region"() ({
        %run_scoped3A_206 = tpu.sem_alloc : memref<!tpu.dma_semaphore, #tpu.memory_space<semaphore_mem>>
        %dma_start3A_207 = arith.constant 0 : i32
        %dma_start3A_208 = tpu.memref_slice %arg10[%add3A_118, %dma_start3A_207] : memref<10112x64xf32, #tpu.memory_space<vmem_shared>> -> memref<79x64xf32, #tpu.memory_space<vmem_shared>>
        %dma_start3A_209 = arith.constant 0 : i32
        %dma_start3A_210 = tpu.memref_slice %arg10[%add3A_118, %dma_start3A_209] : memref<10112x64xf32, #tpu.memory_space<vmem_shared>> -> memref<79x64xf32, #tpu.memory_space<vmem_shared>>
        tpu.enqueue_dma source(%arg9 : memref<79x64xf32, #tpu.memory_space<vmem>>) target(%dma_start3A_210 : memref<79x64xf32, #tpu.memory_space<vmem_shared>>) target_semaphore(%run_scoped3A_206 : memref<!tpu.dma_semaphore, #tpu.memory_space<semaphore_mem>>)
        %dma_wait3A_211 = arith.constant 0 : i32
        %dma_wait3A_212 = tpu.memref_slice %arg10[%add3A_118, %dma_wait3A_211] : memref<10112x64xf32, #tpu.memory_space<vmem_shared>> -> memref<79x64xf32, #tpu.memory_space<vmem_shared>>
        %dma_wait3A_213 = arith.constant 0 : i32
        %dma_wait3A_214 = tpu.memref_slice %arg10[%add3A_118, %dma_wait3A_213] : memref<10112x64xf32, #tpu.memory_space<vmem_shared>> -> memref<79x64xf32, #tpu.memory_space<vmem_shared>>
        tpu.wait_dma2 semaphore(%run_scoped3A_206 : memref<!tpu.dma_semaphore, #tpu.memory_space<semaphore_mem>>) src(%arg9 : memref<79x64xf32, #tpu.memory_space<vmem>>) dst(%dma_wait3A_214 : memref<79x64xf32, #tpu.memory_space<vmem_shared>>)
        tpu.yield
      }) : () -> ()
      %add3A_119 = arith.constant 474 : i32
      %add3A_120 = arith.addi %mul3A_0, %add3A_119 : i32
      "tpu.region"() ({
        %run_scoped3A_206 = tpu.sem_alloc : memref<!tpu.dma_semaphore, #tpu.memory_space<semaphore_mem>>
        %dma_start3A_207 = arith.constant 0 : i32
        %dma_start3A_208 = tpu.memref_slice %arg10[%add3A_120, %dma_start3A_207] : memref<10112x64xf32, #tpu.memory_space<vmem_shared>> -> memref<79x64xf32, #tpu.memory_space<vmem_shared>>
        %dma_start3A_209 = arith.constant 0 : i32
        %dma_start3A_210 = tpu.memref_slice %arg10[%add3A_120, %dma_start3A_209] : memref<10112x64xf32, #tpu.memory_space<vmem_shared>> -> memref<79x64xf32, #tpu.memory_space<vmem_shared>>
        tpu.enqueue_dma source(%arg9 : memref<79x64xf32, #tpu.memory_space<vmem>>) target(%dma_start3A_210 : memref<79x64xf32, #tpu.memory_space<vmem_shared>>) target_semaphore(%run_scoped3A_206 : memref<!tpu.dma_semaphore, #tpu.memory_space<semaphore_mem>>)
        %dma_wait3A_211 = arith.constant 0 : i32
        %dma_wait3A_212 = tpu.memref_slice %arg10[%add3A_120, %dma_wait3A_211] : memref<10112x64xf32, #tpu.memory_space<vmem_shared>> -> memref<79x64xf32, #tpu.memory_space<vmem_shared>>
        %dma_wait3A_213 = arith.constant 0 : i32
        %dma_wait3A_214 = tpu.memref_slice %arg10[%add3A_120, %dma_wait3A_213] : memref<10112x64xf32, #tpu.memory_space<vmem_shared>> -> memref<79x64xf32, #tpu.memory_space<vmem_shared>>
        tpu.wait_dma2 semaphore(%run_scoped3A_206 : memref<!tpu.dma_semaphore, #tpu.memory_space<semaphore_mem>>) src(%arg9 : memref<79x64xf32, #tpu.memory_space<vmem>>) dst(%dma_wait3A_214 : memref<79x64xf32, #tpu.memory_space<vmem_shared>>)
        tpu.yield
      }) : () -> ()
      %add3A_121 = arith.constant 553 : i32
      %add3A_122 = arith.addi %mul3A_0, %add3A_121 : i32
      "tpu.region"() ({
        %run_scoped3A_206 = tpu.sem_alloc : memref<!tpu.dma_semaphore, #tpu.memory_space<semaphore_mem>>
        %dma_start3A_207 = arith.constant 0 : i32
        %dma_start3A_208 = tpu.memref_slice %arg10[%add3A_122, %dma_start3A_207] : memref<10112x64xf32, #tpu.memory_space<vmem_shared>> -> memref<79x64xf32, #tpu.memory_space<vmem_shared>>
        %dma_start3A_209 = arith.constant 0 : i32
        %dma_start3A_210 = tpu.memref_slice %arg10[%add3A_122, %dma_start3A_209] : memref<10112x64xf32, #tpu.memory_space<vmem_shared>> -> memref<79x64xf32, #tpu.memory_space<vmem_shared>>
        tpu.enqueue_dma source(%arg9 : memref<79x64xf32, #tpu.memory_space<vmem>>) target(%dma_start3A_210 : memref<79x64xf32, #tpu.memory_space<vmem_shared>>) target_semaphore(%run_scoped3A_206 : memref<!tpu.dma_semaphore, #tpu.memory_space<semaphore_mem>>)
        %dma_wait3A_211 = arith.constant 0 : i32
        %dma_wait3A_212 = tpu.memref_slice %arg10[%add3A_122, %dma_wait3A_211] : memref<10112x64xf32, #tpu.memory_space<vmem_shared>> -> memref<79x64xf32, #tpu.memory_space<vmem_shared>>
        %dma_wait3A_213 = arith.constant 0 : i32
        %dma_wait3A_214 = tpu.memref_slice %arg10[%add3A_122, %dma_wait3A_213] : memref<10112x64xf32, #tpu.memory_space<vmem_shared>> -> memref<79x64xf32, #tpu.memory_space<vmem_shared>>
        tpu.wait_dma2 semaphore(%run_scoped3A_206 : memref<!tpu.dma_semaphore, #tpu.memory_space<semaphore_mem>>) src(%arg9 : memref<79x64xf32, #tpu.memory_space<vmem>>) dst(%dma_wait3A_214 : memref<79x64xf32, #tpu.memory_space<vmem_shared>>)
        tpu.yield
      }) : () -> ()
      %barrier3A_123 = arith.constant 0 : index
      tpu.barrier barrier_id(%barrier3A_123)
      %dma_start3A_124 = arith.constant 1 : i32
      %dma_start3A_125 = arith.constant 0 : i32
      %dma_start3A_126 = arith.constant 0 : i32
      %dma_start3A_127 = arith.constant 0 : i32
      %dma_start3A_128 = arith.constant 0 : i32
      %dma_start3A_129 = tpu.memref_slice %arg8[%dma_start3A_126, %dma_start3A_127, %dma_start3A_128] : memref<2x128x64xf32, #tpu.memory_space<vmem>> -> memref<1x128x64xf32, #tpu.memory_space<vmem>>
      %dma_start3A_130 = tpu.memref_squeeze %dma_start3A_129 : memref<1x128x64xf32, #tpu.memory_space<vmem>> -> memref<128x64xf32, #tpu.memory_space<vmem>>
      %dma_start3A_131 = arith.constant 0 : i32
      %dma_start3A_132 = tpu.memref_slice %arg6[%dma_start3A_125, %dma_start3A_131] : memref<148x128xi32, #tpu.memory_space<vmem>> -> memref<1x128xi32, #tpu.memory_space<vmem>>
      %dma_start3A_133 = tpu.memref_squeeze %dma_start3A_132 : memref<1x128xi32, #tpu.memory_space<vmem>> -> memref<128xi32, #tpu.memory_space<vmem>>
      %dma_start3A_134 = arith.constant 0 : i32
      %dma_start3A_135 = arith.constant 0 : i32
      %dma_start3A_136 = tpu.memref_slice %arg2[%dma_start3A_124, %dma_start3A_134, %dma_start3A_135] : memref<2x10112x64xf32, #tpu.memory_space<hbm>> -> memref<1x10112x64xf32, #tpu.memory_space<hbm>>
      %dma_start3A_137 = tpu.memref_squeeze %dma_start3A_136 : memref<1x10112x64xf32, #tpu.memory_space<hbm>> -> memref<10112x64xf32, #tpu.memory_space<hbm>>
      %dma_start3A_138 = arith.constant 0 : i32
      %dma_start3A_139 = arith.constant 0 : i32
      %dma_start3A_140 = tpu.memref_slice %dma_start3A_137[%dma_start3A_138, %dma_start3A_139] : memref<10112x64xf32, #tpu.memory_space<hbm>> -> memref<10112x64xf32, #tpu.memory_space<hbm>>
      tpu.enqueue_indirect_dma source(%dma_start3A_140 : memref<10112x64xf32, #tpu.memory_space<hbm>>) target(%dma_start3A_130 : memref<128x64xf32, #tpu.memory_space<vmem>>) offsets(%dma_start3A_133 : memref<128xi32, #tpu.memory_space<vmem>>) semaphore(%arg11 : memref<!tpu.dma_semaphore, #tpu.memory_space<semaphore_mem>>)
      %dma_start3A_141 = arith.constant 1 : i32
      %dma_start3A_142 = arith.constant 1 : i32
      %dma_start3A_143 = arith.constant 1 : i32
      %dma_start3A_144 = arith.constant 0 : i32
      %dma_start3A_145 = arith.constant 0 : i32
      %dma_start3A_146 = tpu.memref_slice %arg8[%dma_start3A_143, %dma_start3A_144, %dma_start3A_145] : memref<2x128x64xf32, #tpu.memory_space<vmem>> -> memref<1x128x64xf32, #tpu.memory_space<vmem>>
      %dma_start3A_147 = tpu.memref_squeeze %dma_start3A_146 : memref<1x128x64xf32, #tpu.memory_space<vmem>> -> memref<128x64xf32, #tpu.memory_space<vmem>>
      %dma_start3A_148 = arith.constant 0 : i32
      %dma_start3A_149 = tpu.memref_slice %arg6[%dma_start3A_142, %dma_start3A_148] : memref<148x128xi32, #tpu.memory_space<vmem>> -> memref<1x128xi32, #tpu.memory_space<vmem>>
      %dma_start3A_150 = tpu.memref_squeeze %dma_start3A_149 : memref<1x128xi32, #tpu.memory_space<vmem>> -> memref<128xi32, #tpu.memory_space<vmem>>
      %dma_start3A_151 = arith.constant 0 : i32
      %dma_start3A_152 = arith.constant 0 : i32
      %dma_start3A_153 = tpu.memref_slice %arg2[%dma_start3A_141, %dma_start3A_151, %dma_start3A_152] : memref<2x10112x64xf32, #tpu.memory_space<hbm>> -> memref<1x10112x64xf32, #tpu.memory_space<hbm>>
      %dma_start3A_154 = tpu.memref_squeeze %dma_start3A_153 : memref<1x10112x64xf32, #tpu.memory_space<hbm>> -> memref<10112x64xf32, #tpu.memory_space<hbm>>
      %dma_start3A_155 = arith.constant 0 : i32
      %dma_start3A_156 = arith.constant 0 : i32
      %dma_start3A_157 = tpu.memref_slice %dma_start3A_154[%dma_start3A_155, %dma_start3A_156] : memref<10112x64xf32, #tpu.memory_space<hbm>> -> memref<10112x64xf32, #tpu.memory_space<hbm>>
      tpu.enqueue_indirect_dma source(%dma_start3A_157 : memref<10112x64xf32, #tpu.memory_space<hbm>>) target(%dma_start3A_147 : memref<128x64xf32, #tpu.memory_space<vmem>>) offsets(%dma_start3A_150 : memref<128xi32, #tpu.memory_space<vmem>>) semaphore(%arg12 : memref<!tpu.dma_semaphore, #tpu.memory_space<semaphore_mem>>)
      %scan3A_158 = arith.constant 0 : i32
      %scan3A_159 = arith.constant 1 : i32
      %scan3A_160 = arith.constant 0 : i32
      %scan3A_161 = arith.constant 5 : i32
      %scan3A_162 = arith.addi %scan3A_160, %scan3A_161 : i32
      %scan3A_163 = arith.constant 1 : i32
      scf.for %scan3A_206 = %scan3A_160 to %scan3A_162 step %scan3A_163  : i32 {
        %mul3A_207 = arith.constant 2 : i32
        %mul3A_208 = arith.muli %mul3A_207, %scan3A_206 : i32
        %add3A_209 = arith.constant 0 : i32
        %add3A_210 = arith.addi %mul3A_208, %add3A_209 : i32
        %dma_wait3A_211 = arith.constant 0 : i32
        %dma_wait3A_212 = arith.constant 0 : i32
        %dma_wait3A_213 = arith.constant 0 : i32
        %dma_wait3A_214 = tpu.memref_slice %arg8[%dma_wait3A_211, %dma_wait3A_212, %dma_wait3A_213] : memref<2x128x64xf32, #tpu.memory_space<vmem>> -> memref<1x128x64xf32, #tpu.memory_space<vmem>>
        %dma_wait3A_215 = tpu.memref_squeeze %dma_wait3A_214 : memref<1x128x64xf32, #tpu.memory_space<vmem>> -> memref<128x64xf32, #tpu.memory_space<vmem>>
        %dma_wait3A_216 = arith.constant 0 : i32
        %dma_wait3A_217 = tpu.memref_slice %arg6[%add3A_210, %dma_wait3A_216] : memref<148x128xi32, #tpu.memory_space<vmem>> -> memref<1x128xi32, #tpu.memory_space<vmem>>
        %dma_wait3A_218 = tpu.memref_squeeze %dma_wait3A_217 : memref<1x128xi32, #tpu.memory_space<vmem>> -> memref<128xi32, #tpu.memory_space<vmem>>
        %dma_wait3A_219 = arith.constant 0 : i32
        %dma_wait3A_220 = arith.constant 0 : i32
        %dma_wait3A_221 = tpu.memref_slice %arg2[%scan3A_159, %dma_wait3A_219, %dma_wait3A_220] : memref<2x10112x64xf32, #tpu.memory_space<hbm>> -> memref<1x10112x64xf32, #tpu.memory_space<hbm>>
        %dma_wait3A_222 = tpu.memref_squeeze %dma_wait3A_221 : memref<1x10112x64xf32, #tpu.memory_space<hbm>> -> memref<10112x64xf32, #tpu.memory_space<hbm>>
        %dma_wait3A_223 = arith.constant 0 : i32
        %dma_wait3A_224 = arith.constant 0 : i32
        %dma_wait3A_225 = tpu.memref_slice %dma_wait3A_222[%dma_wait3A_223, %dma_wait3A_224] : memref<10112x64xf32, #tpu.memory_space<hbm>> -> memref<10112x64xf32, #tpu.memory_space<hbm>>
        tpu.wait_indirect_dma semaphore(%arg11 : memref<!tpu.dma_semaphore, #tpu.memory_space<semaphore_mem>>) src(%dma_wait3A_225 : memref<10112x64xf32, #tpu.memory_space<hbm>>) dst(%dma_wait3A_215 : memref<128x64xf32, #tpu.memory_space<vmem>>)
        %run_scoped3A_226 = arith.constant 0 : i32
        "tpu.region"() ({
          %run_scoped3A_279 = tpu.sem_alloc : memref<!tpu.dma_semaphore, #tpu.memory_space<semaphore_mem>>
          %dma_start3A_280 = arith.constant 0 : i32
          %dma_start3A_281 = arith.constant 0 : i32
          %dma_start3A_282 = tpu.memref_slice %arg8[%run_scoped3A_226, %dma_start3A_280, %dma_start3A_281] : memref<2x128x64xf32, #tpu.memory_space<vmem>> -> memref<1x128x64xf32, #tpu.memory_space<vmem>>
          %dma_start3A_283 = tpu.memref_squeeze %dma_start3A_282 : memref<1x128x64xf32, #tpu.memory_space<vmem>> -> memref<128x64xf32, #tpu.memory_space<vmem>>
          %dma_start3A_284 = arith.constant 0 : i32
          %dma_start3A_285 = tpu.memref_slice %arg7[%add3A_210, %dma_start3A_284] : memref<148x128xi32, #tpu.memory_space<vmem>> -> memref<1x128xi32, #tpu.memory_space<vmem>>
          %dma_start3A_286 = tpu.memref_squeeze %dma_start3A_285 : memref<1x128xi32, #tpu.memory_space<vmem>> -> memref<128xi32, #tpu.memory_space<vmem>>
          %dma_start3A_287 = arith.constant 0 : i32
          %dma_start3A_288 = arith.constant 0 : i32
          %dma_start3A_289 = tpu.memref_slice %arg10[%dma_start3A_287, %dma_start3A_288] : memref<10112x64xf32, #tpu.memory_space<vmem_shared>> -> memref<10112x64xf32, #tpu.memory_space<vmem_shared>>
          tpu.enqueue_indirect_dma source(%dma_start3A_283 : memref<128x64xf32, #tpu.memory_space<vmem>>) target(%dma_start3A_289 : memref<10112x64xf32, #tpu.memory_space<vmem_shared>>) offsets(%dma_start3A_286 : memref<128xi32, #tpu.memory_space<vmem>>) semaphore(%run_scoped3A_279 : memref<!tpu.dma_semaphore, #tpu.memory_space<semaphore_mem>>) {add = true}
          %dma_wait3A_290 = arith.constant 0 : i32
          %dma_wait3A_291 = arith.constant 0 : i32
          %dma_wait3A_292 = tpu.memref_slice %arg8[%run_scoped3A_226, %dma_wait3A_290, %dma_wait3A_291] : memref<2x128x64xf32, #tpu.memory_space<vmem>> -> memref<1x128x64xf32, #tpu.memory_space<vmem>>
          %dma_wait3A_293 = tpu.memref_squeeze %dma_wait3A_292 : memref<1x128x64xf32, #tpu.memory_space<vmem>> -> memref<128x64xf32, #tpu.memory_space<vmem>>
          %dma_wait3A_294 = arith.constant 0 : i32
          %dma_wait3A_295 = tpu.memref_slice %arg7[%add3A_210, %dma_wait3A_294] : memref<148x128xi32, #tpu.memory_space<vmem>> -> memref<1x128xi32, #tpu.memory_space<vmem>>
          %dma_wait3A_296 = tpu.memref_squeeze %dma_wait3A_295 : memref<1x128xi32, #tpu.memory_space<vmem>> -> memref<128xi32, #tpu.memory_space<vmem>>
          %dma_wait3A_297 = arith.constant 0 : i32
          %dma_wait3A_298 = arith.constant 0 : i32
          %dma_wait3A_299 = tpu.memref_slice %arg10[%dma_wait3A_297, %dma_wait3A_298] : memref<10112x64xf32, #tpu.memory_space<vmem_shared>> -> memref<10112x64xf32, #tpu.memory_space<vmem_shared>>
          tpu.wait_indirect_dma semaphore(%run_scoped3A_279 : memref<!tpu.dma_semaphore, #tpu.memory_space<semaphore_mem>>) src(%dma_wait3A_293 : memref<128x64xf32, #tpu.memory_space<vmem>>) dst(%dma_wait3A_299 : memref<10112x64xf32, #tpu.memory_space<vmem_shared>>)
          tpu.yield
        }) : () -> ()
        %add3A_227 = arith.constant 2 : i32
        %add3A_228 = arith.addi %add3A_210, %add3A_227 : i32
        %dma_start3A_229 = arith.constant 0 : i32
        %dma_start3A_230 = arith.constant 0 : i32
        %dma_start3A_231 = arith.constant 0 : i32
        %dma_start3A_232 = tpu.memref_slice %arg8[%dma_start3A_229, %dma_start3A_230, %dma_start3A_231] : memref<2x128x64xf32, #tpu.memory_space<vmem>> -> memref<1x128x64xf32, #tpu.memory_space<vmem>>
        %dma_start3A_233 = tpu.memref_squeeze %dma_start3A_232 : memref<1x128x64xf32, #tpu.memory_space<vmem>> -> memref<128x64xf32, #tpu.memory_space<vmem>>
        %dma_start3A_234 = arith.constant 0 : i32
        %dma_start3A_235 = tpu.memref_slice %arg6[%add3A_228, %dma_start3A_234] : memref<148x128xi32, #tpu.memory_space<vmem>> -> memref<1x128xi32, #tpu.memory_space<vmem>>
        %dma_start3A_236 = tpu.memref_squeeze %dma_start3A_235 : memref<1x128xi32, #tpu.memory_space<vmem>> -> memref<128xi32, #tpu.memory_space<vmem>>
        %dma_start3A_237 = arith.constant 0 : i32
        %dma_start3A_238 = arith.constant 0 : i32
        %dma_start3A_239 = tpu.memref_slice %arg2[%scan3A_159, %dma_start3A_237, %dma_start3A_238] : memref<2x10112x64xf32, #tpu.memory_space<hbm>> -> memref<1x10112x64xf32, #tpu.memory_space<hbm>>
        %dma_start3A_240 = tpu.memref_squeeze %dma_start3A_239 : memref<1x10112x64xf32, #tpu.memory_space<hbm>> -> memref<10112x64xf32, #tpu.memory_space<hbm>>
        %dma_start3A_241 = arith.constant 0 : i32
        %dma_start3A_242 = arith.constant 0 : i32
        %dma_start3A_243 = tpu.memref_slice %dma_start3A_240[%dma_start3A_241, %dma_start3A_242] : memref<10112x64xf32, #tpu.memory_space<hbm>> -> memref<10112x64xf32, #tpu.memory_space<hbm>>
        tpu.enqueue_indirect_dma source(%dma_start3A_243 : memref<10112x64xf32, #tpu.memory_space<hbm>>) target(%dma_start3A_233 : memref<128x64xf32, #tpu.memory_space<vmem>>) offsets(%dma_start3A_236 : memref<128xi32, #tpu.memory_space<vmem>>) semaphore(%arg11 : memref<!tpu.dma_semaphore, #tpu.memory_space<semaphore_mem>>)
        %add3A_244 = arith.constant 1 : i32
        %add3A_245 = arith.addi %mul3A_208, %add3A_244 : i32
        %dma_wait3A_246 = arith.constant 1 : i32
        %dma_wait3A_247 = arith.constant 0 : i32
        %dma_wait3A_248 = arith.constant 0 : i32
        %dma_wait3A_249 = tpu.memref_slice %arg8[%dma_wait3A_246, %dma_wait3A_247, %dma_wait3A_248] : memref<2x128x64xf32, #tpu.memory_space<vmem>> -> memref<1x128x64xf32, #tpu.memory_space<vmem>>
        %dma_wait3A_250 = tpu.memref_squeeze %dma_wait3A_249 : memref<1x128x64xf32, #tpu.memory_space<vmem>> -> memref<128x64xf32, #tpu.memory_space<vmem>>
        %dma_wait3A_251 = arith.constant 0 : i32
        %dma_wait3A_252 = tpu.memref_slice %arg6[%add3A_245, %dma_wait3A_251] : memref<148x128xi32, #tpu.memory_space<vmem>> -> memref<1x128xi32, #tpu.memory_space<vmem>>
        %dma_wait3A_253 = tpu.memref_squeeze %dma_wait3A_252 : memref<1x128xi32, #tpu.memory_space<vmem>> -> memref<128xi32, #tpu.memory_space<vmem>>
        %dma_wait3A_254 = arith.constant 0 : i32
        %dma_wait3A_255 = arith.constant 0 : i32
        %dma_wait3A_256 = tpu.memref_slice %arg2[%scan3A_159, %dma_wait3A_254, %dma_wait3A_255] : memref<2x10112x64xf32, #tpu.memory_space<hbm>> -> memref<1x10112x64xf32, #tpu.memory_space<hbm>>
        %dma_wait3A_257 = tpu.memref_squeeze %dma_wait3A_256 : memref<1x10112x64xf32, #tpu.memory_space<hbm>> -> memref<10112x64xf32, #tpu.memory_space<hbm>>
        %dma_wait3A_258 = arith.constant 0 : i32
        %dma_wait3A_259 = arith.constant 0 : i32
        %dma_wait3A_260 = tpu.memref_slice %dma_wait3A_257[%dma_wait3A_258, %dma_wait3A_259] : memref<10112x64xf32, #tpu.memory_space<hbm>> -> memref<10112x64xf32, #tpu.memory_space<hbm>>
        tpu.wait_indirect_dma semaphore(%arg12 : memref<!tpu.dma_semaphore, #tpu.memory_space<semaphore_mem>>) src(%dma_wait3A_260 : memref<10112x64xf32, #tpu.memory_space<hbm>>) dst(%dma_wait3A_250 : memref<128x64xf32, #tpu.memory_space<vmem>>)
        %run_scoped3A_261 = arith.constant 1 : i32
        "tpu.region"() ({
          %run_scoped3A_279 = tpu.sem_alloc : memref<!tpu.dma_semaphore, #tpu.memory_space<semaphore_mem>>
          %dma_start3A_280 = arith.constant 0 : i32
          %dma_start3A_281 = arith.constant 0 : i32
          %dma_start3A_282 = tpu.memref_slice %arg8[%run_scoped3A_261, %dma_start3A_280, %dma_start3A_281] : memref<2x128x64xf32, #tpu.memory_space<vmem>> -> memref<1x128x64xf32, #tpu.memory_space<vmem>>
          %dma_start3A_283 = tpu.memref_squeeze %dma_start3A_282 : memref<1x128x64xf32, #tpu.memory_space<vmem>> -> memref<128x64xf32, #tpu.memory_space<vmem>>
          %dma_start3A_284 = arith.constant 0 : i32
          %dma_start3A_285 = tpu.memref_slice %arg7[%add3A_245, %dma_start3A_284] : memref<148x128xi32, #tpu.memory_space<vmem>> -> memref<1x128xi32, #tpu.memory_space<vmem>>
          %dma_start3A_286 = tpu.memref_squeeze %dma_start3A_285 : memref<1x128xi32, #tpu.memory_space<vmem>> -> memref<128xi32, #tpu.memory_space<vmem>>
          %dma_start3A_287 = arith.constant 0 : i32
          %dma_start3A_288 = arith.constant 0 : i32
          %dma_start3A_289 = tpu.memref_slice %arg10[%dma_start3A_287, %dma_start3A_288] : memref<10112x64xf32, #tpu.memory_space<vmem_shared>> -> memref<10112x64xf32, #tpu.memory_space<vmem_shared>>
          tpu.enqueue_indirect_dma source(%dma_start3A_283 : memref<128x64xf32, #tpu.memory_space<vmem>>) target(%dma_start3A_289 : memref<10112x64xf32, #tpu.memory_space<vmem_shared>>) offsets(%dma_start3A_286 : memref<128xi32, #tpu.memory_space<vmem>>) semaphore(%run_scoped3A_279 : memref<!tpu.dma_semaphore, #tpu.memory_space<semaphore_mem>>) {add = true}
          %dma_wait3A_290 = arith.constant 0 : i32
          %dma_wait3A_291 = arith.constant 0 : i32
          %dma_wait3A_292 = tpu.memref_slice %arg8[%run_scoped3A_261, %dma_wait3A_290, %dma_wait3A_291] : memref<2x128x64xf32, #tpu.memory_space<vmem>> -> memref<1x128x64xf32, #tpu.memory_space<vmem>>
          %dma_wait3A_293 = tpu.memref_squeeze %dma_wait3A_292 : memref<1x128x64xf32, #tpu.memory_space<vmem>> -> memref<128x64xf32, #tpu.memory_space<vmem>>
          %dma_wait3A_294 = arith.constant 0 : i32
          %dma_wait3A_295 = tpu.memref_slice %arg7[%add3A_245, %dma_wait3A_294] : memref<148x128xi32, #tpu.memory_space<vmem>> -> memref<1x128xi32, #tpu.memory_space<vmem>>
          %dma_wait3A_296 = tpu.memref_squeeze %dma_wait3A_295 : memref<1x128xi32, #tpu.memory_space<vmem>> -> memref<128xi32, #tpu.memory_space<vmem>>
          %dma_wait3A_297 = arith.constant 0 : i32
          %dma_wait3A_298 = arith.constant 0 : i32
          %dma_wait3A_299 = tpu.memref_slice %arg10[%dma_wait3A_297, %dma_wait3A_298] : memref<10112x64xf32, #tpu.memory_space<vmem_shared>> -> memref<10112x64xf32, #tpu.memory_space<vmem_shared>>
          tpu.wait_indirect_dma semaphore(%run_scoped3A_279 : memref<!tpu.dma_semaphore, #tpu.memory_space<semaphore_mem>>) src(%dma_wait3A_293 : memref<128x64xf32, #tpu.memory_space<vmem>>) dst(%dma_wait3A_299 : memref<10112x64xf32, #tpu.memory_space<vmem_shared>>)
          tpu.yield
        }) : () -> ()
        %add3A_262 = arith.constant 2 : i32
        %add3A_263 = arith.addi %add3A_245, %add3A_262 : i32
        %dma_start3A_264 = arith.constant 1 : i32
        %dma_start3A_265 = arith.constant 0 : i32
        %dma_start3A_266 = arith.constant 0 : i32
        %dma_start3A_267 = tpu.memref_slice %arg8[%dma_start3A_264, %dma_start3A_265, %dma_start3A_266] : memref<2x128x64xf32, #tpu.memory_space<vmem>> -> memref<1x128x64xf32, #tpu.memory_space<vmem>>
        %dma_start3A_268 = tpu.memref_squeeze %dma_start3A_267 : memref<1x128x64xf32, #tpu.memory_space<vmem>> -> memref<128x64xf32, #tpu.memory_space<vmem>>
        %dma_start3A_269 = arith.constant 0 : i32
        %dma_start3A_270 = tpu.memref_slice %arg6[%add3A_263, %dma_start3A_269] : memref<148x128xi32, #tpu.memory_space<vmem>> -> memref<1x128xi32, #tpu.memory_space<vmem>>
        %dma_start3A_271 = tpu.memref_squeeze %dma_start3A_270 : memref<1x128xi32, #tpu.memory_space<vmem>> -> memref<128xi32, #tpu.memory_space<vmem>>
        %dma_start3A_272 = arith.constant 0 : i32
        %dma_start3A_273 = arith.constant 0 : i32
        %dma_start3A_274 = tpu.memref_slice %arg2[%scan3A_159, %dma_start3A_272, %dma_start3A_273] : memref<2x10112x64xf32, #tpu.memory_space<hbm>> -> memref<1x10112x64xf32, #tpu.memory_space<hbm>>
        %dma_start3A_275 = tpu.memref_squeeze %dma_start3A_274 : memref<1x10112x64xf32, #tpu.memory_space<hbm>> -> memref<10112x64xf32, #tpu.memory_space<hbm>>
        %dma_start3A_276 = arith.constant 0 : i32
        %dma_start3A_277 = arith.constant 0 : i32
        %dma_start3A_278 = tpu.memref_slice %dma_start3A_275[%dma_start3A_276, %dma_start3A_277] : memref<10112x64xf32, #tpu.memory_space<hbm>> -> memref<10112x64xf32, #tpu.memory_space<hbm>>
        tpu.enqueue_indirect_dma source(%dma_start3A_278 : memref<10112x64xf32, #tpu.memory_space<hbm>>) target(%dma_start3A_268 : memref<128x64xf32, #tpu.memory_space<vmem>>) offsets(%dma_start3A_271 : memref<128xi32, #tpu.memory_space<vmem>>) semaphore(%arg12 : memref<!tpu.dma_semaphore, #tpu.memory_space<semaphore_mem>>)
      }
      %scan3A_164 = arith.constant 5 : i32
      %dma_wait3A_165 = arith.constant 1 : i32
      %dma_wait3A_166 = arith.constant 10 : i32
      %dma_wait3A_167 = arith.constant 0 : i32
      %dma_wait3A_168 = arith.constant 0 : i32
      %dma_wait3A_169 = arith.constant 0 : i32
      %dma_wait3A_170 = tpu.memref_slice %arg8[%dma_wait3A_167, %dma_wait3A_168, %dma_wait3A_169] : memref<2x128x64xf32, #tpu.memory_space<vmem>> -> memref<1x128x64xf32, #tpu.memory_space<vmem>>
      %dma_wait3A_171 = tpu.memref_squeeze %dma_wait3A_170 : memref<1x128x64xf32, #tpu.memory_space<vmem>> -> memref<128x64xf32, #tpu.memory_space<vmem>>
      %dma_wait3A_172 = arith.constant 0 : i32
      %dma_wait3A_173 = tpu.memref_slice %arg6[%dma_wait3A_166, %dma_wait3A_172] : memref<148x128xi32, #tpu.memory_space<vmem>> -> memref<1x128xi32, #tpu.memory_space<vmem>>
      %dma_wait3A_174 = tpu.memref_squeeze %dma_wait3A_173 : memref<1x128xi32, #tpu.memory_space<vmem>> -> memref<128xi32, #tpu.memory_space<vmem>>
      %dma_wait3A_175 = arith.constant 0 : i32
      %dma_wait3A_176 = arith.constant 0 : i32
      %dma_wait3A_177 = tpu.memref_slice %arg2[%dma_wait3A_165, %dma_wait3A_175, %dma_wait3A_176] : memref<2x10112x64xf32, #tpu.memory_space<hbm>> -> memref<1x10112x64xf32, #tpu.memory_space<hbm>>
      %dma_wait3A_178 = tpu.memref_squeeze %dma_wait3A_177 : memref<1x10112x64xf32, #tpu.memory_space<hbm>> -> memref<10112x64xf32, #tpu.memory_space<hbm>>
      %dma_wait3A_179 = arith.constant 0 : i32
      %dma_wait3A_180 = arith.constant 0 : i32
      %dma_wait3A_181 = tpu.memref_slice %dma_wait3A_178[%dma_wait3A_179, %dma_wait3A_180] : memref<10112x64xf32, #tpu.memory_space<hbm>> -> memref<10112x64xf32, #tpu.memory_space<hbm>>
      tpu.wait_indirect_dma semaphore(%arg11 : memref<!tpu.dma_semaphore, #tpu.memory_space<semaphore_mem>>) src(%dma_wait3A_181 : memref<10112x64xf32, #tpu.memory_space<hbm>>) dst(%dma_wait3A_171 : memref<128x64xf32, #tpu.memory_space<vmem>>)
      %run_scoped3A_182 = arith.constant 0 : i32
      %run_scoped3A_183 = arith.constant 10 : i32
      "tpu.region"() ({
        %run_scoped3A_206 = tpu.sem_alloc : memref<!tpu.dma_semaphore, #tpu.memory_space<semaphore_mem>>
        %dma_start3A_207 = arith.constant 0 : i32
        %dma_start3A_208 = arith.constant 0 : i32
        %dma_start3A_209 = tpu.memref_slice %arg8[%run_scoped3A_182, %dma_start3A_207, %dma_start3A_208] : memref<2x128x64xf32, #tpu.memory_space<vmem>> -> memref<1x128x64xf32, #tpu.memory_space<vmem>>
        %dma_start3A_210 = tpu.memref_squeeze %dma_start3A_209 : memref<1x128x64xf32, #tpu.memory_space<vmem>> -> memref<128x64xf32, #tpu.memory_space<vmem>>
        %dma_start3A_211 = arith.constant 0 : i32
        %dma_start3A_212 = tpu.memref_slice %arg7[%run_scoped3A_183, %dma_start3A_211] : memref<148x128xi32, #tpu.memory_space<vmem>> -> memref<1x128xi32, #tpu.memory_space<vmem>>
        %dma_start3A_213 = tpu.memref_squeeze %dma_start3A_212 : memref<1x128xi32, #tpu.memory_space<vmem>> -> memref<128xi32, #tpu.memory_space<vmem>>
        %dma_start3A_214 = arith.constant 0 : i32
        %dma_start3A_215 = arith.constant 0 : i32
        %dma_start3A_216 = tpu.memref_slice %arg10[%dma_start3A_214, %dma_start3A_215] : memref<10112x64xf32, #tpu.memory_space<vmem_shared>> -> memref<10112x64xf32, #tpu.memory_space<vmem_shared>>
        tpu.enqueue_indirect_dma source(%dma_start3A_210 : memref<128x64xf32, #tpu.memory_space<vmem>>) target(%dma_start3A_216 : memref<10112x64xf32, #tpu.memory_space<vmem_shared>>) offsets(%dma_start3A_213 : memref<128xi32, #tpu.memory_space<vmem>>) semaphore(%run_scoped3A_206 : memref<!tpu.dma_semaphore, #tpu.memory_space<semaphore_mem>>) {add = true}
        %dma_wait3A_217 = arith.constant 0 : i32
        %dma_wait3A_218 = arith.constant 0 : i32
        %dma_wait3A_219 = tpu.memref_slice %arg8[%run_scoped3A_182, %dma_wait3A_217, %dma_wait3A_218] : memref<2x128x64xf32, #tpu.memory_space<vmem>> -> memref<1x128x64xf32, #tpu.memory_space<vmem>>
        %dma_wait3A_220 = tpu.memref_squeeze %dma_wait3A_219 : memref<1x128x64xf32, #tpu.memory_space<vmem>> -> memref<128x64xf32, #tpu.memory_space<vmem>>
        %dma_wait3A_221 = arith.constant 0 : i32
        %dma_wait3A_222 = tpu.memref_slice %arg7[%run_scoped3A_183, %dma_wait3A_221] : memref<148x128xi32, #tpu.memory_space<vmem>> -> memref<1x128xi32, #tpu.memory_space<vmem>>
        %dma_wait3A_223 = tpu.memref_squeeze %dma_wait3A_222 : memref<1x128xi32, #tpu.memory_space<vmem>> -> memref<128xi32, #tpu.memory_space<vmem>>
        %dma_wait3A_224 = arith.constant 0 : i32
        %dma_wait3A_225 = arith.constant 0 : i32
        %dma_wait3A_226 = tpu.memref_slice %arg10[%dma_wait3A_224, %dma_wait3A_225] : memref<10112x64xf32, #tpu.memory_space<vmem_shared>> -> memref<10112x64xf32, #tpu.memory_space<vmem_shared>>
        tpu.wait_indirect_dma semaphore(%run_scoped3A_206 : memref<!tpu.dma_semaphore, #tpu.memory_space<semaphore_mem>>) src(%dma_wait3A_220 : memref<128x64xf32, #tpu.memory_space<vmem>>) dst(%dma_wait3A_226 : memref<10112x64xf32, #tpu.memory_space<vmem_shared>>)
        tpu.yield
      }) : () -> ()
      %dma_wait3A_184 = arith.constant 1 : i32
      %dma_wait3A_185 = arith.constant 11 : i32
      %dma_wait3A_186 = arith.constant 1 : i32
      %dma_wait3A_187 = arith.constant 0 : i32
      %dma_wait3A_188 = arith.constant 0 : i32
      %dma_wait3A_189 = tpu.memref_slice %arg8[%dma_wait3A_186, %dma_wait3A_187, %dma_wait3A_188] : memref<2x128x64xf32, #tpu.memory_space<vmem>> -> memref<1x128x64xf32, #tpu.memory_space<vmem>>
      %dma_wait3A_190 = tpu.memref_squeeze %dma_wait3A_189 : memref<1x128x64xf32, #tpu.memory_space<vmem>> -> memref<128x64xf32, #tpu.memory_space<vmem>>
      %dma_wait3A_191 = arith.constant 0 : i32
      %dma_wait3A_192 = tpu.memref_slice %arg6[%dma_wait3A_185, %dma_wait3A_191] : memref<148x128xi32, #tpu.memory_space<vmem>> -> memref<1x128xi32, #tpu.memory_space<vmem>>
      %dma_wait3A_193 = tpu.memref_squeeze %dma_wait3A_192 : memref<1x128xi32, #tpu.memory_space<vmem>> -> memref<128xi32, #tpu.memory_space<vmem>>
      %dma_wait3A_194 = arith.constant 0 : i32
      %dma_wait3A_195 = arith.constant 0 : i32
      %dma_wait3A_196 = tpu.memref_slice %arg2[%dma_wait3A_184, %dma_wait3A_194, %dma_wait3A_195] : memref<2x10112x64xf32, #tpu.memory_space<hbm>> -> memref<1x10112x64xf32, #tpu.memory_space<hbm>>
      %dma_wait3A_197 = tpu.memref_squeeze %dma_wait3A_196 : memref<1x10112x64xf32, #tpu.memory_space<hbm>> -> memref<10112x64xf32, #tpu.memory_space<hbm>>
      %dma_wait3A_198 = arith.constant 0 : i32
      %dma_wait3A_199 = arith.constant 0 : i32
      %dma_wait3A_200 = tpu.memref_slice %dma_wait3A_197[%dma_wait3A_198, %dma_wait3A_199] : memref<10112x64xf32, #tpu.memory_space<hbm>> -> memref<10112x64xf32, #tpu.memory_space<hbm>>
      tpu.wait_indirect_dma semaphore(%arg12 : memref<!tpu.dma_semaphore, #tpu.memory_space<semaphore_mem>>) src(%dma_wait3A_200 : memref<10112x64xf32, #tpu.memory_space<hbm>>) dst(%dma_wait3A_190 : memref<128x64xf32, #tpu.memory_space<vmem>>)
      %run_scoped3A_201 = arith.constant 1 : i32
      %run_scoped3A_202 = arith.constant 11 : i32
      "tpu.region"() ({
        %run_scoped3A_206 = tpu.sem_alloc : memref<!tpu.dma_semaphore, #tpu.memory_space<semaphore_mem>>
        %dma_start3A_207 = arith.constant 0 : i32
        %dma_start3A_208 = arith.constant 0 : i32
        %dma_start3A_209 = tpu.memref_slice %arg8[%run_scoped3A_201, %dma_start3A_207, %dma_start3A_208] : memref<2x128x64xf32, #tpu.memory_space<vmem>> -> memref<1x128x64xf32, #tpu.memory_space<vmem>>
        %dma_start3A_210 = tpu.memref_squeeze %dma_start3A_209 : memref<1x128x64xf32, #tpu.memory_space<vmem>> -> memref<128x64xf32, #tpu.memory_space<vmem>>
        %dma_start3A_211 = arith.constant 0 : i32
        %dma_start3A_212 = tpu.memref_slice %arg7[%run_scoped3A_202, %dma_start3A_211] : memref<148x128xi32, #tpu.memory_space<vmem>> -> memref<1x128xi32, #tpu.memory_space<vmem>>
        %dma_start3A_213 = tpu.memref_squeeze %dma_start3A_212 : memref<1x128xi32, #tpu.memory_space<vmem>> -> memref<128xi32, #tpu.memory_space<vmem>>
        %dma_start3A_214 = arith.constant 0 : i32
        %dma_start3A_215 = arith.constant 0 : i32
        %dma_start3A_216 = tpu.memref_slice %arg10[%dma_start3A_214, %dma_start3A_215] : memref<10112x64xf32, #tpu.memory_space<vmem_shared>> -> memref<10112x64xf32, #tpu.memory_space<vmem_shared>>
        tpu.enqueue_indirect_dma source(%dma_start3A_210 : memref<128x64xf32, #tpu.memory_space<vmem>>) target(%dma_start3A_216 : memref<10112x64xf32, #tpu.memory_space<vmem_shared>>) offsets(%dma_start3A_213 : memref<128xi32, #tpu.memory_space<vmem>>) semaphore(%run_scoped3A_206 : memref<!tpu.dma_semaphore, #tpu.memory_space<semaphore_mem>>) {add = true}
        %dma_wait3A_217 = arith.constant 0 : i32
        %dma_wait3A_218 = arith.constant 0 : i32
        %dma_wait3A_219 = tpu.memref_slice %arg8[%run_scoped3A_201, %dma_wait3A_217, %dma_wait3A_218] : memref<2x128x64xf32, #tpu.memory_space<vmem>> -> memref<1x128x64xf32, #tpu.memory_space<vmem>>
        %dma_wait3A_220 = tpu.memref_squeeze %dma_wait3A_219 : memref<1x128x64xf32, #tpu.memory_space<vmem>> -> memref<128x64xf32, #tpu.memory_space<vmem>>
        %dma_wait3A_221 = arith.constant 0 : i32
        %dma_wait3A_222 = tpu.memref_slice %arg7[%run_scoped3A_202, %dma_wait3A_221] : memref<148x128xi32, #tpu.memory_space<vmem>> -> memref<1x128xi32, #tpu.memory_space<vmem>>
        %dma_wait3A_223 = tpu.memref_squeeze %dma_wait3A_222 : memref<1x128xi32, #tpu.memory_space<vmem>> -> memref<128xi32, #tpu.memory_space<vmem>>
        %dma_wait3A_224 = arith.constant 0 : i32
        %dma_wait3A_225 = arith.constant 0 : i32
        %dma_wait3A_226 = tpu.memref_slice %arg10[%dma_wait3A_224, %dma_wait3A_225] : memref<10112x64xf32, #tpu.memory_space<vmem_shared>> -> memref<10112x64xf32, #tpu.memory_space<vmem_shared>>
        tpu.wait_indirect_dma semaphore(%run_scoped3A_206 : memref<!tpu.dma_semaphore, #tpu.memory_space<semaphore_mem>>) src(%dma_wait3A_220 : memref<128x64xf32, #tpu.memory_space<vmem>>) dst(%dma_wait3A_226 : memref<10112x64xf32, #tpu.memory_space<vmem_shared>>)
        tpu.yield
      }) : () -> ()
      %barrier3A_203 = arith.constant 0 : index
      tpu.barrier barrier_id(%barrier3A_203)
      %run_scoped3A_204 = arith.constant 1 : i32
      "tpu.region"() ({
        %run_scoped3A_206 = tpu.sem_alloc : memref<!tpu.dma_semaphore, #tpu.memory_space<semaphore_mem>>
        %dma_start3A_207 = arith.constant 0 : i32
        %dma_start3A_208 = arith.constant 0 : i32
        %dma_start3A_209 = arith.constant 0 : i32
        %dma_start3A_210 = tpu.memref_slice %arg5[%run_scoped3A_204, %dma_start3A_207, %dma_start3A_208, %dma_start3A_209] : memref<2x2x10112x64xf32, #tpu.memory_space<hbm>> -> memref<1x2x10112x64xf32, #tpu.memory_space<hbm>>
        %dma_start3A_211 = tpu.memref_squeeze %dma_start3A_210 : memref<1x2x10112x64xf32, #tpu.memory_space<hbm>> -> memref<2x10112x64xf32, #tpu.memory_space<hbm>>
        %dma_start3A_212 = arith.constant 0 : i32
        %dma_start3A_213 = arith.constant 0 : i32
        %dma_start3A_214 = tpu.memref_slice %dma_start3A_211[%arg0, %dma_start3A_212, %dma_start3A_213] : memref<2x10112x64xf32, #tpu.memory_space<hbm>> -> memref<1x10112x64xf32, #tpu.memory_space<hbm>>
        %dma_start3A_215 = tpu.memref_squeeze %dma_start3A_214 : memref<1x10112x64xf32, #tpu.memory_space<hbm>> -> memref<10112x64xf32, #tpu.memory_space<hbm>>
        %dma_start3A_216 = arith.constant 0 : i32
        %dma_start3A_217 = tpu.memref_slice %dma_start3A_215[%mul3A_0, %dma_start3A_216] : memref<10112x64xf32, #tpu.memory_space<hbm>> -> memref<632x64xf32, #tpu.memory_space<hbm>>
        %dma_start3A_218 = arith.constant 0 : i32
        %dma_start3A_219 = tpu.memref_slice %arg10[%mul3A_0, %dma_start3A_218] : memref<10112x64xf32, #tpu.memory_space<vmem_shared>> -> memref<632x64xf32, #tpu.memory_space<vmem_shared>>
        tpu.enqueue_dma source(%dma_start3A_219 : memref<632x64xf32, #tpu.memory_space<vmem_shared>>) target(%dma_start3A_217 : memref<632x64xf32, #tpu.memory_space<hbm>>) target_semaphore(%run_scoped3A_206 : memref<!tpu.dma_semaphore, #tpu.memory_space<semaphore_mem>>)
        %dma_wait3A_220 = arith.constant 0 : i32
        %dma_wait3A_221 = arith.constant 0 : i32
        %dma_wait3A_222 = arith.constant 0 : i32
        %dma_wait3A_223 = tpu.memref_slice %arg5[%run_scoped3A_204, %dma_wait3A_220, %dma_wait3A_221, %dma_wait3A_222] : memref<2x2x10112x64xf32, #tpu.memory_space<hbm>> -> memref<1x2x10112x64xf32, #tpu.memory_space<hbm>>
        %dma_wait3A_224 = tpu.memref_squeeze %dma_wait3A_223 : memref<1x2x10112x64xf32, #tpu.memory_space<hbm>> -> memref<2x10112x64xf32, #tpu.memory_space<hbm>>
        %dma_wait3A_225 = arith.constant 0 : i32
        %dma_wait3A_226 = arith.constant 0 : i32
        %dma_wait3A_227 = tpu.memref_slice %dma_wait3A_224[%arg0, %dma_wait3A_225, %dma_wait3A_226] : memref<2x10112x64xf32, #tpu.memory_space<hbm>> -> memref<1x10112x64xf32, #tpu.memory_space<hbm>>
        %dma_wait3A_228 = tpu.memref_squeeze %dma_wait3A_227 : memref<1x10112x64xf32, #tpu.memory_space<hbm>> -> memref<10112x64xf32, #tpu.memory_space<hbm>>
        %dma_wait3A_229 = arith.constant 0 : i32
        %dma_wait3A_230 = tpu.memref_slice %dma_wait3A_228[%mul3A_0, %dma_wait3A_229] : memref<10112x64xf32, #tpu.memory_space<hbm>> -> memref<632x64xf32, #tpu.memory_space<hbm>>
        %dma_wait3A_231 = arith.constant 0 : i32
        %dma_wait3A_232 = tpu.memref_slice %arg10[%mul3A_0, %dma_wait3A_231] : memref<10112x64xf32, #tpu.memory_space<vmem_shared>> -> memref<632x64xf32, #tpu.memory_space<vmem_shared>>
        tpu.wait_dma2 semaphore(%run_scoped3A_206 : memref<!tpu.dma_semaphore, #tpu.memory_space<semaphore_mem>>) src(%dma_wait3A_232 : memref<632x64xf32, #tpu.memory_space<vmem_shared>>) dst(%dma_wait3A_230 : memref<632x64xf32, #tpu.memory_space<hbm>>)
        tpu.yield
      }) : () -> ()
      %barrier3A_205 = arith.constant 0 : index
      tpu.barrier barrier_id(%barrier3A_205)
    }
    return
  }
}

module attributes {stable_mosaic.version = 14 : i64} {
  func.func @_mm_body(%arg0: i32, %arg1: memref<632x128xf32, #tpu.memory_space<vmem>>, %arg2: memref<128x128xf32, #tpu.memory_space<vmem>>, %arg3: memref<632x128xf32, #tpu.memory_space<vmem>>) attributes {dimension_semantics = [#tpu.dimension_semantics<arbitrary>], iteration_bounds = array<i64: 16>, scalar_prefetch = 0 : i64, scratch_operands = 0 : i64, tpu.core_type = #tpu.core_type<tc>, window_params = [{transform_indices = @transform_0, window_bounds = array<i64: 632, 128>}, {pipeline_mode = #tpu.pipeline_mode<synchronous>, transform_indices = @transform_1, window_bounds = array<i64: 128, 128>}, {transform_indices = @transform_2, window_bounds = array<i64: 632, 128>}]} {
    %get3A = arith.constant 0 : index
    %get3A_0 = arith.constant 0 : index
    %get3A_1 = vector.load %arg1[%get3A, %get3A_0] : memref<632x128xf32, #tpu.memory_space<vmem>>, vector<632x128xf32>
    %get3A_2 = arith.constant 0 : index
    %get3A_3 = arith.constant 0 : index
    %get3A_4 = vector.load %arg2[%get3A_2, %get3A_3] : memref<128x128xf32, #tpu.memory_space<vmem>>, vector<128x128xf32>
    %dot_general3A = arith.constant dense<0.000000e+00> : vector<632x128xf32>
    %dot_general3A_5 = tpu.matmul %get3A_1, %get3A_4, %dot_general3A {dimension_numbers = #tpu.dot_dimension_numbers<[1], [0], [0], [1], [0, 0, 1, 1], [], []>, transpose_lhs_hint = false} : vector<632x128xf32>, vector<128x128xf32>, vector<632x128xf32> -> vector<632x128xf32>
    %swap3A = arith.constant 0 : index
    %swap3A_6 = arith.constant 0 : index
    %swap3A_7 = vector.load %arg3[%swap3A, %swap3A_6] : memref<632x128xf32, #tpu.memory_space<vmem>>, vector<632x128xf32>
    tpu.vector_store %arg3[%swap3A, %swap3A_6], %dot_general3A_5 {strides = array<i32>} : memref<632x128xf32, #tpu.memory_space<vmem>>, vector<632x128xf32>,
    return
  }
  func.func @transform_0(%arg0: i32) -> (i32, i32) {
    %c0_i32 = arith.constant 0 : i32
    %c0_i32_0 = arith.constant 0 : i32
    return %arg0, %c0_i32 : i32, i32
  }
  func.func @transform_1(%arg0: i32) -> (i32, i32) {
    %c0_i32 = arith.constant 0 : i32
    %c0_i32_0 = arith.constant 0 : i32
    %c0_i32_1 = arith.constant 0 : i32
    return %c0_i32, %c0_i32_0 : i32, i32
  }
  func.func @transform_2(%arg0: i32) -> (i32, i32) {
    %c0_i32 = arith.constant 0 : i32
    %c0_i32_0 = arith.constant 0 : i32
    return %arg0, %c0_i32 : i32, i32
  }
}

module attributes {stable_mosaic.version = 14 : i64} {
  func.func @_scale_body(%arg0: i32, %arg1: memref<632x128xf32, #tpu.memory_space<vmem>>, %arg2: memref<2x632x16xf32, #tpu.memory_space<vmem>>, %arg3: memref<2x632x64xf32, #tpu.memory_space<vmem>>) attributes {dimension_semantics = [#tpu.dimension_semantics<arbitrary>], iteration_bounds = array<i64: 16>, scalar_prefetch = 0 : i64, scratch_operands = 0 : i64, tpu.core_type = #tpu.core_type<tc>, window_params = [{transform_indices = @transform_0, window_bounds = array<i64: 632, 128>}, {transform_indices = @transform_1, window_bounds = array<i64: 2, 632, 16>}, {transform_indices = @transform_2, window_bounds = array<i64: 2, 632, 64>}]} {
    %get3A = arith.constant 0 : index
    %get3A_0 = arith.constant 0 : index
    %get3A_1 = arith.constant 0 : index
    %get3A_2 = vector.load %arg2[%get3A, %get3A_0, %get3A_1] : memref<2x632x16xf32, #tpu.memory_space<vmem>>, vector<2x632x16xf32>
    %reduce_sum3A = arith.constant dense<0.000000e+00> : vector<632xf32>
    %reduce_sum3A_3 = vector.multi_reduction <add>, %get3A_2, %reduce_sum3A [0, 2] : vector<2x632x16xf32> to vector<632xf32>
    %max3A = arith.constant 1.000000e+00 : f32
    %max3A_4 = vector.broadcast %max3A : f32 to vector<632xf32>
    %max3A_5 = arith.maximumf %reduce_sum3A_3, %max3A_4 : vector<632xf32>
    %rsqrt3A = math.rsqrt %max3A_5 : vector<632xf32>
    %get3A_6 = arith.constant 0 : index
    %get3A_7 = arith.constant 0 : index
    %get3A_8 = vector.load %arg1[%get3A_6, %get3A_7] : memref<632x128xf32, #tpu.memory_space<vmem>>, vector<632x128xf32>
    %broadcast_in_dim3A = vector.shape_cast %rsqrt3A : vector<632xf32> to vector<632x1xf32>
    %mul3A = vector.broadcast %broadcast_in_dim3A : vector<632x1xf32> to vector<632x128xf32>
    %mul3A_9 = arith.mulf %get3A_8, %mul3A : vector<632x128xf32>
    %slice3A = vector.extract_strided_slice %mul3A_9 {offsets = [0, 0], sizes = [632, 64], strides = [1, 1]} : vector<632x128xf32> to vector<632x64xf32>
    %swap3A = arith.constant 0 : index
    %swap3A_10 = arith.constant 0 : index
    %swap3A_11 = arith.constant 0 : index
    %swap3A_12 = vector.load %arg3[%swap3A, %swap3A_10, %swap3A_11] : memref<2x632x64xf32, #tpu.memory_space<vmem>>, vector<1x632x64xf32>
    %swap3A_13 = vector.shape_cast %swap3A_12 : vector<1x632x64xf32> to vector<632x64xf32>
    %swap3A_14 = vector.shape_cast %slice3A : vector<632x64xf32> to vector<1x632x64xf32>
    tpu.vector_store %arg3[%swap3A, %swap3A_10, %swap3A_11], %swap3A_14 {strides = array<i32>} : memref<2x632x64xf32, #tpu.memory_space<vmem>>, vector<1x632x64xf32>,
    %slice3A_15 = vector.extract_strided_slice %mul3A_9 {offsets = [0, 64], sizes = [632, 64], strides = [1, 1]} : vector<632x128xf32> to vector<632x64xf32>
    %swap3A_16 = arith.constant 1 : index
    %swap3A_17 = arith.constant 0 : index
    %swap3A_18 = arith.constant 0 : index
    %swap3A_19 = vector.load %arg3[%swap3A_16, %swap3A_17, %swap3A_18] : memref<2x632x64xf32, #tpu.memory_space<vmem>>, vector<1x632x64xf32>
    %swap3A_20 = vector.shape_cast %swap3A_19 : vector<1x632x64xf32> to vector<632x64xf32>
    %swap3A_21 = vector.shape_cast %slice3A_15 : vector<632x64xf32> to vector<1x632x64xf32>
    tpu.vector_store %arg3[%swap3A_16, %swap3A_17, %swap3A_18], %swap3A_21 {strides = array<i32>} : memref<2x632x64xf32, #tpu.memory_space<vmem>>, vector<1x632x64xf32>,
    return
  }
  func.func @transform_0(%arg0: i32) -> (i32, i32) {
    %c0_i32 = arith.constant 0 : i32
    %c0_i32_0 = arith.constant 0 : i32
    return %arg0, %c0_i32 : i32, i32
  }
  func.func @transform_1(%arg0: i32) -> (i32, i32, i32) {
    %c0_i32 = arith.constant 0 : i32
    %c0_i32_0 = arith.constant 0 : i32
    %c0_i32_1 = arith.constant 0 : i32
    return %c0_i32, %arg0, %c0_i32_0 : i32, i32, i32
  }
  func.func @transform_2(%arg0: i32) -> (i32, i32, i32) {
    %c0_i32 = arith.constant 0 : i32
    %c0_i32_0 = arith.constant 0 : i32
    %c0_i32_1 = arith.constant 0 : i32
    return %c0_i32, %arg0, %c0_i32_0 : i32, i32, i32
  }
}

module attributes {stable_mosaic.version = 14 : i64} {
  func.func @_fin_body(%arg0: i32, %arg1: memref<2x2x632x64xf32, #tpu.memory_space<vmem>>, %arg2: memref<2x632x16xf32, #tpu.memory_space<vmem>>, %arg3: memref<1x128xf32, #tpu.memory_space<vmem>>, %arg4: memref<632x128xf32, #tpu.memory_space<vmem>>) attributes {dimension_semantics = [#tpu.dimension_semantics<arbitrary>], iteration_bounds = array<i64: 16>, scalar_prefetch = 0 : i64, scratch_operands = 0 : i64, tpu.core_type = #tpu.core_type<tc>, window_params = [{transform_indices = @transform_0, window_bounds = array<i64: 2, 2, 632, 64>}, {transform_indices = @transform_1, window_bounds = array<i64: 2, 632, 16>}, {pipeline_mode = #tpu.pipeline_mode<synchronous>, transform_indices = @transform_2, window_bounds = array<i64: 1, 128>}, {transform_indices = @transform_3, window_bounds = array<i64: 632, 128>}]} {
    %get3A = arith.constant 0 : index
    %get3A_0 = arith.constant 0 : index
    %get3A_1 = arith.constant 0 : index
    %get3A_2 = arith.constant 0 : index
    %get3A_3 = vector.load %arg1[%get3A, %get3A_0, %get3A_1, %get3A_2] : memref<2x2x632x64xf32, #tpu.memory_space<vmem>>, vector<1x1x632x64xf32>
    %get3A_4 = vector.shape_cast %get3A_3 : vector<1x1x632x64xf32> to vector<632x64xf32>
    %get3A_5 = arith.constant 0 : index
    %get3A_6 = arith.constant 1 : index
    %get3A_7 = arith.constant 0 : index
    %get3A_8 = arith.constant 0 : index
    %get3A_9 = vector.load %arg1[%get3A_5, %get3A_6, %get3A_7, %get3A_8] : memref<2x2x632x64xf32, #tpu.memory_space<vmem>>, vector<1x1x632x64xf32>
    %get3A_10 = vector.shape_cast %get3A_9 : vector<1x1x632x64xf32> to vector<632x64xf32>
    %add3A = arith.addf %get3A_4, %get3A_10 : vector<632x64xf32>
    %get3A_11 = arith.constant 1 : index
    %get3A_12 = arith.constant 0 : index
    %get3A_13 = arith.constant 0 : index
    %get3A_14 = arith.constant 0 : index
    %get3A_15 = vector.load %arg1[%get3A_11, %get3A_12, %get3A_13, %get3A_14] : memref<2x2x632x64xf32, #tpu.memory_space<vmem>>, vector<1x1x632x64xf32>
    %get3A_16 = vector.shape_cast %get3A_15 : vector<1x1x632x64xf32> to vector<632x64xf32>
    %get3A_17 = arith.constant 1 : index
    %get3A_18 = arith.constant 1 : index
    %get3A_19 = arith.constant 0 : index
    %get3A_20 = arith.constant 0 : index
    %get3A_21 = vector.load %arg1[%get3A_17, %get3A_18, %get3A_19, %get3A_20] : memref<2x2x632x64xf32, #tpu.memory_space<vmem>>, vector<1x1x632x64xf32>
    %get3A_22 = vector.shape_cast %get3A_21 : vector<1x1x632x64xf32> to vector<632x64xf32>
    %add3A_23 = arith.addf %get3A_16, %get3A_22 : vector<632x64xf32>
    %concatenate3A = tpu.concatenate %add3A, %add3A_23 in 1 : vector<632x64xf32>, vector<632x64xf32> -> vector<632x128xf32>
    %get3A_24 = arith.constant 0 : index
    %get3A_25 = arith.constant 0 : index
    %get3A_26 = arith.constant 0 : index
    %get3A_27 = vector.load %arg2[%get3A_24, %get3A_25, %get3A_26] : memref<2x632x16xf32, #tpu.memory_space<vmem>>, vector<2x632x16xf32>
    %reduce_sum3A = arith.constant dense<0.000000e+00> : vector<632xf32>
    %reduce_sum3A_28 = vector.multi_reduction <add>, %get3A_27, %reduce_sum3A [0, 2] : vector<2x632x16xf32> to vector<632xf32>
    %max3A = arith.constant 1.000000e+00 : f32
    %max3A_29 = vector.broadcast %max3A : f32 to vector<632xf32>
    %max3A_30 = arith.maximumf %reduce_sum3A_28, %max3A_29 : vector<632xf32>
    %rsqrt3A = math.rsqrt %max3A_30 : vector<632xf32>
    %broadcast_in_dim3A = vector.shape_cast %rsqrt3A : vector<632xf32> to vector<632x1xf32>
    %mul3A = vector.broadcast %broadcast_in_dim3A : vector<632x1xf32> to vector<632x128xf32>
    %mul3A_31 = arith.mulf %concatenate3A, %mul3A : vector<632x128xf32>
    %get3A_32 = arith.constant 0 : index
    %get3A_33 = arith.constant 0 : index
    %get3A_34 = vector.load %arg3[%get3A_32, %get3A_33] : memref<1x128xf32, #tpu.memory_space<vmem>>, vector<1x128xf32>
    %add3A_35 = vector.broadcast %get3A_34 : vector<1x128xf32> to vector<632x128xf32>
    %add3A_36 = arith.addf %mul3A_31, %add3A_35 : vector<632x128xf32>
    %max3A_37 = arith.constant 0.000000e+00 : f32
    %max3A_38 = vector.broadcast %max3A_37 : f32 to vector<632x128xf32>
    %max3A_39 = arith.maximumf %add3A_36, %max3A_38 : vector<632x128xf32>
    %swap3A = arith.constant 0 : index
    %swap3A_40 = arith.constant 0 : index
    %swap3A_41 = vector.load %arg4[%swap3A, %swap3A_40] : memref<632x128xf32, #tpu.memory_space<vmem>>, vector<632x128xf32>
    tpu.vector_store %arg4[%swap3A, %swap3A_40], %max3A_39 {strides = array<i32>} : memref<632x128xf32, #tpu.memory_space<vmem>>, vector<632x128xf32>,
    return
  }
  func.func @transform_0(%arg0: i32) -> (i32, i32, i32, i32) {
    %c0_i32 = arith.constant 0 : i32
    %c0_i32_0 = arith.constant 0 : i32
    %c0_i32_1 = arith.constant 0 : i32
    %c0_i32_2 = arith.constant 0 : i32
    return %c0_i32, %c0_i32_0, %arg0, %c0_i32_1 : i32, i32, i32, i32
  }
  func.func @transform_1(%arg0: i32) -> (i32, i32, i32) {
    %c0_i32 = arith.constant 0 : i32
    %c0_i32_0 = arith.constant 0 : i32
    %c0_i32_1 = arith.constant 0 : i32
    return %c0_i32, %arg0, %c0_i32_0 : i32, i32, i32
  }
  func.func @transform_2(%arg0: i32) -> (i32, i32) {
    %c0_i32 = arith.constant 0 : i32
    %c0_i32_0 = arith.constant 0 : i32
    %c0_i32_1 = arith.constant 0 : i32
    return %c0_i32, %c0_i32_0 : i32, i32
  }
  func.func @transform_3(%arg0: i32) -> (i32, i32) {
    %c0_i32 = arith.constant 0 : i32
    %c0_i32_0 = arith.constant 0 : i32
    return %arg0, %c0_i32 : i32, i32
  }
}

</mosaic_0001>

<sc_bundles>
// kernel: kernel.10.cloned.1.call-start
scs
__scs_entry_jumppad:
0x0: {  	(pc) =	sbr.rel $0x88, $3  }
0x1: {  	(tag) =	ssettag $0x0;
	lr =	simm.s32 $0x1  }
0x2: {  	[smem:$0x3F9D] =	sst lr;
	_ =	strace $0xD0000000  }
0x3: {  	_ = 	snop  }
0x4: {  	_ = 	snop  }
0x5: {  	_ = 	snop  }
0x6: {  	_ = 	snop  }
0x7: {  	_ = 	snop  }
__scs_overlays_trampoline_lowered:
0x8: {  	[smem:$0x3FAC] =	sst s0  }
0x9: {  	[smem:$0x3FAD] =	sst s1  }
0xa: {  	[smem:$0x3FAE] =	sst s2  }
0xb: {  	[smem:$0x3FAF] =	sst s3  }
0xc: {  	[smem:$0x3FB0] =	sst s4  }
0xd: {  	[smem:$0x3FB1] =	sst s5  }
0xe: {  	[smem:$0x3FB2] =	sst s6  }
0xf: {  	[smem:$0x3FB3] =	sst s7  }
0x10: {  	[smem:$0x3FB4] =	sst s8  }
0x11: {  	[smem:$0x3FB5] =	sst s9;
	s0 =	simm.s32 @!p0 $0x0  }
0x12: {  	s1 =	sld [smem:$0x3F9B];
	s0 =	simm.s32 @p0 $0x1  }
0x13: {  	[smem:$0x3FB6] =	sst s0;
	s0 =	simm.s32 @!p1 $0x0  }
0x14: {  	s2 =	sld [smem:$0x3F9A];
	s0 =	simm.s32 @p1 $0x1  }
0x15: {  	[smem:$0x3FB7] =	sst s0;
	s0 =	simm.s32 @!p2 $0x0  }
0x16: {  	s3 =	sld [smem:$0x3FDB];
	s0 =	simm.s32 @p2 $0x1  }
0x17: {  	s4 =	simm.s32 $0x1BF5;
	[smem:$0x3FB9] =	sst s0  }
0x18: {  	s0 =	sld [smem:$0x3F9C];
	_ =	swait.ge [sflag:s4], $0x0  }
0x19: {  	s7 =	sld [smem:$0x3F9D]  }
0x1a: {  	s8 =	sadd.s32 $0xFFFFE003, lr  }
0x1b: {  	s9 =	sadd.s32 $0xFFFFFEF7, lr;
	s5 =	simm.s32 $0xFFFFFFFF;
	p2 =	slt.u32 s8, $0xFFFFF086  }
0x1c: {  	p1 =	slt.u32 s9, $0xF7A;
	s5 =	simm.s32 @!p2 $0x0  }
0x1d: {  	s5 =	simm.s32 @p1 $0x1;
	p0 =	seq.s32 s7, s2  }
0x1e: {  	s7 =	smul.u32 @!p0 $0xF7A, s2;
	p2 =	seq.s32 @!p0 s5, $0x0  }
0x1f: {  	s9 =	smul.u32 $0xF7A, s1;
	s8 =	simm.s32 @!p0 $0x1BF5;
	p2 =	por !p2, p0  }
0x20: {  	[sflag:s8] =	ssyncset.s32 @!p0 $0xFFFFF086;
	s6 =	sadd.s32 @!p0 s3, s7;
	s7 =	simm.s32 @!p0 $0x108  }
0x21: {  	s3 =	sadd.s32 s3, s9;
	s6 =	sadd.s32 @!p0 $0x88, s6;
	s7 =	simm.s32 @p2 $0x1082  }
0x22: {  	[simem:s7], [sflag:s8] =	dma.local @!p0 [hbm:s6], $0xF7A  }
0x23: {  	s9 =	sor.u32 $0xD0000000, s2;
	s6 =	simm.s32 $0x108;
	_ =	swait.ge @!p0 [sflag:s8], $0x0  }
0x24: {  	s3 =	sadd.s32 $0x88, s3;
	s6 =	simm.s32 @!p1 $0x1082;
	[sflag:s4] =	ssyncset.s32 $0xFFFFF086  }
0x25: {  	[simem:s6], [sflag:s4] =	dma.local [hbm:s3], $0xF7A  }
0x26: {  	[smem:$0x3F9D] =	sst s1;
	(tag) =	ssettag s2;
	_ =	strace s9  }
0x27: {  	s1 =	sld [smem:$0x3FAD]  }
0x28: {  	s2 =	sld [smem:$0x3FAE]  }
0x29: {  	s4 =	sld [smem:$0x3FB0]  }
0x2a: {  	p0 =	seq.s32 s5, $0x0;
	s5 =	sld [smem:$0x3FB1]  }
0x2b: {  	s6 =	sld [smem:$0x3FB2]  }
0x2c: {  	s7 =	sld [smem:$0x3FB3]  }
0x2d: {  	s3 =	simm.s32 $0x108;
	s8 =	sld [smem:$0x3FB4]  }
0x2e: {  	s3 =	simm.s32 @!p0 $0x1082;
	s9 =	sld [smem:$0x3FB5]  }
0x2f: {  	lr =	sadd.s32 s0, s3;
	s0 =	sld [smem:$0x3FAC]  }
0x30: {  	s3 =	sld [smem:$0x3FAF]  }
0x31: {  	[smem:$0x3FB8] =	sst s10  }
0x32: {  	s10 =	sld [smem:$0x3FB6];
	_ =	sdelay $0x3  }
0x33: {  	p0 =	seq.s32 s10, $0x1;
	s10 =	sld [smem:$0x3FB8];
	_ =	sdelay $0x3  }
0x34: {  	[smem:$0x3FB8] =	sst s10  }
0x35: {  	s10 =	sld [smem:$0x3FB7];
	_ =	sdelay $0x3  }
0x36: {  	p1 =	seq.s32 s10, $0x1;
	s10 =	sld [smem:$0x3FB8];
	_ =	sdelay $0x3  }
0x37: {  	[smem:$0x3FB8] =	sst s10  }
0x38: {  	s10 =	sld [smem:$0x3FB9]  }
0x39: {  	_ = 	snop;
	(pc) =	sbr.ind lr, $3  }
0x3a: {  	_ = 	snop  }
0x3b: {  	_ = 	snop  }
0x3c: {  	p2 =	seq.s32 s10, $0x1;
	s10 =	sld [smem:$0x3FB8]  }
0x3d: {  	_ =	shalt  }
0x3e: {  	_ =	shalt  }
0x3f: {  	_ =	shalt  }
0x40: {  	_ =	shalt  }
0x41: {  	_ =	shalt  }
0x42: {  	_ =	shalt  }
0x43: {  	_ =	shalt  }
0x44: {  	_ =	shalt  }
0x45: {  	_ =	shalt  }
0x46: {  	_ =	shalt  }
0x47: {  	_ =	shalt  }
0x48: {  	_ =	shalt  }
0x49: {  	_ =	shalt  }
0x4a: {  	_ =	shalt  }
0x4b: {  	_ =	shalt  }
0x4c: {  	_ =	shalt  }
0x4d: {  	_ =	shalt  }
0x4e: {  	_ =	shalt  }
0x4f: {  	_ =	shalt  }
0x50: {  	_ =	shalt  }
0x51: {  	_ =	shalt  }
0x52: {  	_ =	shalt  }
0x53: {  	_ =	shalt  }
0x54: {  	_ =	shalt  }
0x55: {  	_ =	shalt  }
0x56: {  	_ =	shalt  }
0x57: {  	_ =	shalt  }
0x58: {  	_ =	shalt  }
0x59: {  	_ =	shalt  }
0x5a: {  	_ =	shalt  }
0x5b: {  	_ =	shalt  }
0x5c: {  	_ =	shalt  }
0x5d: {  	_ =	shalt  }
0x5e: {  	_ =	shalt  }
0x5f: {  	_ =	shalt  }
0x60: {  	_ =	shalt  }
0x61: {  	_ =	shalt  }
0x62: {  	_ =	shalt  }
0x63: {  	_ =	shalt  }
0x64: {  	_ =	shalt  }
0x65: {  	_ =	shalt  }
0x66: {  	_ =	shalt  }
0x67: {  	_ =	shalt  }
0x68: {  	_ =	shalt  }
0x69: {  	_ =	shalt  }
0x6a: {  	_ =	shalt  }
0x6b: {  	_ =	shalt  }
0x6c: {  	_ =	shalt  }
0x6d: {  	_ =	shalt  }
0x6e: {  	_ =	shalt  }
0x6f: {  	_ =	shalt  }
0x70: {  	_ =	shalt  }
0x71: {  	_ =	shalt  }
0x72: {  	_ =	shalt  }
0x73: {  	_ =	shalt  }
0x74: {  	_ =	shalt  }
0x75: {  	_ =	shalt  }
0x76: {  	_ =	shalt  }
0x77: {  	_ =	shalt  }
0x78: {  	_ =	shalt  }
0x79: {  	_ =	shalt  }
0x7a: {  	_ =	shalt  }
0x7b: {  	_ =	shalt  }
0x7c: {  	_ =	shalt  }
0x7d: {  	_ =	shalt  }
0x7e: {  	_ =	shalt  }
0x7f: {  	_ =	shalt  }
0x80: {  	_ =	shalt  }
0x81: {  	_ =	shalt  }
0x82: {  	_ =	shalt  }
0x83: {  	_ =	shalt  }
0x84: {  	_ =	shalt  }
0x85: {  	_ =	shalt  }
0x86: {  	_ =	shalt  }
0x87: {  	_ =	shalt  }
.Lfunc_end0:
.L_simem_size_0:
called_computation.1_lowered:
.L_overlay_start_0:
0x88: {  	s2 =	sld [smem:$0x3FD9]  }
0x89: {  	s3 =	sld [smem:$0x3FFE];
	_ =	sdelay $0x1  }
0x8a: {  	s1 =	srdreg.scid  }
0x8b: {  	s0 =	sand.u32 $0x1, s1  }
0x8c: {  	s17 =	sshll.u32 s0, $0xA;
	s2 =	sadd.s32 s3, s2  }
0x8d: {  	s2 =	sadd.s32 s2, s17  }
0x8e: {  	[smem:$0x3FC4] =	sst s2  }
0x8f: {  	_ = 	snop  }
0x90: {  	s2 =	sld [smem:$0x3FD0];
	(tm) =	ssettm $0x1  }
0x91: {  	s18 =	sld [smem:$0x3FFB];
	_ =	sdelay $0x3  }
0x92: {  	_ =	strace s18  }
0x93: {  	s3 =	sld [smem:$0x3FFC];
	_ =	sdelay $0x3  }
0x94: {  	_ =	strace s3  }
0x95: {  	s3 =	sld [smem:$0x3FFD];
	_ =	sdelay $0x3  }
0x96: {  	_ =	strace s3  }
0x97: {  	_ =	strace $0x8FFFFFFF  }
0x98: {  	s19 =	sld [smem:$0x3FDB];
	_ =	sdelay $0x1  }
0x99: {  	s4 =	simm.s32 $_scs_section_size  }
0x9a: {  	s5 =	simm.s32 $_size__tile_overlayer_lowered;
	s6 =	simm.s32 $_tile_overlayer_lowered  }
0x9b: {  	s22 =	simm.s32 $0x1BFF;
	s21 =	sshll.u32 s6, $0x1;
	s3 =	sadd.s32 s4, s19  }
0x9c: {  	s7 =	simm.s32 $0x0;
	s20 =	sshll.u32 s5, $0x1;
	s5 =	sadd.s32 s21, s3  }
0x9d: {  	[timem:s7], [sflag:s22] =	dma.local [hbm:s5], s20  }
0x9e: {  	_ =	swait.ge [sflag:s22], s20  }
0x9f: {  	s4 =	ssub.s32 $0x0, s20;
	[sflag:s22] =	ssyncset.done $0x0  }
0xa0: {  	[sflag:s22] =	ssyncadd.s32 s4;
	_ =	sdelay $0x1  }
0xa1: {  	s23 =	simm.s32 $0x1B8B  }
0xa2: {  	_ =	swait.ge [sflag:s23], $0x1  }
0xa3: {  	[sflag:s23] =	ssyncset.done $0x0  }
0xa4: {  	s25 =	simm.s32 $0x1B8E;
	s24 =	sld [smem:$0x3FFE];
	[sflag:s23] =	ssyncadd.s32 $0xFFFFFFFF  }
0xa5: {  	s26 =	simm.s32 $execute0_lowered;
	[smem:$0x3FD2] =	sst s25  }
0xa6: {  	s5 =	sshll.u32 s26, $0x1;
	_ =	strace $0x80000049;
	[dreg:$0x1] =	wrdreg $0xFFFFFFFF  }
0xa7: {  	s28 =	simm.s32 $_size_execute0_lowered;
	s3 =	sadd.s32 s3, s5;
	[dreg:$0x0] =	wrdreg $0x0  }
0xa8: {  	s5 =	sshll.u32 s28, $0x1;
	[dreg:$0x2] =	wrdreg s3  }
0xa9: {  	[dreg:$0x3] =	wrdreg s5  }
0xaa: {  	[dreg:$0x4] =	wrdreg $0xC0  }
0xab: {  	_ =	task [dreg:s7], $0x5FFFF  }
0xac: {  	[dreg:$0x1] =	wrdreg $0xFFFFFFFF  }
0xad: {  	[dreg:$0x0] =	wrdreg $0x60  }
0xae: {  	[dreg:$0x2] =	wrdreg s24  }
0xaf: {  	[dreg:$0x3] =	wrdreg s2  }
0xb0: {  	[dreg:$0x4] =	wrdreg $0xE7C00  }
0xb1: {  	[dreg:$0x5] =	wrdreg $0x9  }
0xb2: {  	_ =	task.clear_ibuf [dreg:s7], $0x6FFFF;
	_ =	strace $0x90000049  }
0xb3: {  	s29 =	simm.s32 $0x9;
	_ =	strace $0x8000004B  }
0xb4: {  	_ =	swait.ge [sflag:s29], $0x1  }
0xb5: {  	[sflag:s29] =	ssyncadd.s32 $0xFFFFFFFF  }
0xb6: {  	_ =	strace $0x9000004B  }
0xb7: {  	_ =	sfence  }
0xb8: {  	s30 =	sld [smem:$0x0];
	_ =	sdelay $0x2  }
0xb9: {  	s31 =	sshll.u32 s1, $0xD;
	s1 =	sshrl.u32 s1, $0x2  }
0xba: {  	s3 =	sand.u32 $0x4000, s31;
	s1 =	sadd.s32 s1, s30  }
0xbb: {  	s0 =	sor.u32 s3, s0;
	s1 =	sshll.u32 s1, $0x11  }
0xbc: {  	s0 =	sor.u32 s1, s0  }
0xbd: {  	s0 =	sadd.s32 $0x8F2B, s0  }
0xbe: {  	[sflag:s0] =	ssyncadd.remote.s32 $0x1  }
0xbf: {  	_ =	sfence.sel $0xFFFF  }
0xc0: {  	[dreg:$0x0] =	wrdreg $0xFFFFFFFF;
	(pc) =	sbr.abs _section_cstart, $3  }
0xc1: {  	[dreg:$0x1] =	wrdreg $0xFFFFFFFF  }
0xc2: {  	_ =	task.clear_ibuf [dreg:s7], $0x2FFFF;
	_ =	strace $0x9FFFFFFF  }
0xc3: {  	(tm) =	ssettm $0x7FFFFFFF  }
tec
execute0_lowered:
.L_overlay_start_1:
0x0: {  	(tag) =	ssettag $0x1  }
0x1: {  	s0 =	rddreg [dreg:$0x0]  }
0x2: {  	s6 =	rddreg [dreg:$0x1]  }
0x3: {  	s2 =	rddreg [dreg:$0x2];
	s3 =	simm.s32 $0x0;
	s1 =	stileid.u32  }
0x4: {  	s8 =	srdreg.scid;
	s28 =	simm.s32 $0x9400;
	s29 =	simm.s32 $0xB400  }
0x5: {  	s30 =	simm.s32 $0x1;
	s31 =	simm.s32 $0x2;
	s7 =	smul.u32 $0x9E00, s1  }
0x6: {  	[smem:$0x7FF] =	sst s3;
	s4 =	sadd.s32 $0x1F200, s0;
	s9 =	smul.u32 $0x600, s1  }
0x7: {  	s18 =	sadd.s32 $0xE00, s0;
	s19 =	sand.u32 $0x1, s8;
	s14 =	smul.u32 $0x27800, s1  }
0x8: {  	s17 =	smul.u32 $0x940, s1;
	s25 =	sadd.s32 $0x5A600, s0;
	_ =	strace $0x8000004A  }
0x9: {  	s10 =	ssub.s32 $0x2, s19;
	p0 =	sne.s32 s19, $0x0;
	s19 =	simm.s32 $0x0  }
0xa: {  	s5 =	sshrl.u32 s7, $0x3;
	s9 =	sshrl.u32 s9, $0x3;
	s11 =	sshrl.u32 s10, $0x1  }
0xb: {  	s8 =	sshrl.u32 s14, $0x2;
	s22 =	sadd.s32 s6, s17;
	s23 =	sadd.s32 s18, s17  }
0xc: {  	s17 =	simm.s32 $0x4A00;
	s20 =	sadd.s32 s5, s0;
	[dreg:$0x6] =	wrdreg s22  }
0xd: {  	s9 =	sadd.s32 $0x9400, s9;
	s21 =	ssub.s32 s10, s11;
	[dreg:$0x7] =	wrdreg s23  }
0xe: {  	s22 =	simm.s32 $0x3;
	s26 =	sadd.s32 s5, s25;
	[dreg:$0xc] =	wrdreg s5  }
0xf: {  	s23 =	simm.s32 $0x200;
	s15 =	sadd.s32 s6, s9;
	s16 =	sadd.s32 s18, s9  }
0x10: {  	s24 =	sadd.s32 $0x46A00, s20;
	s1 =	smax.u32 s21, $0x1;
	[dreg:$0x9] =	wrdreg s26  }
0x11: {  	s26 =	simm.s32 $0x80;
	s18 =	simm.s32 $0x4A80;
	[dreg:$0x4] =	wrdreg s15  }
0x12: {  	s21 =	simm.s32 $0x4C00;
	s15 =	sadd.s32 s8, s2;
	[dreg:$0x5] =	wrdreg s16  }
.Ltmp0:
0x13: {  	s8 =	sadd.s32 s7, s2;
	s16 =	sadd.s32 $0x32E00, s0;
	(pc) =	sbr.rel .LBB2_1-.Ltmp0, $4  }
0x14: {  	s0 =	sadd.s32 $0x6E200, s0;
	[dreg:$0x8] =	wrdreg s24;
	s24 =	simm.s32 $0xD400  }
0x15: {  	[dreg:$0xb] =	wrdreg s1;
	s9 =	sadd.s32 $0x13C0, s15;
	s10 =	sadd.s32 $0x2780, s15  }
0x16: {  	s11 =	sadd.s32 $0x3B40, s15;
	s12 =	sadd.s32 $0x4F00, s15;
	s13 =	sadd.s32 $0x62C0, s15  }
0x17: {  	v0 =	vimm.f32 $0.0e+00;
	s14 =	sadd.s32 $0x7680, s15;
	s15 =	sadd.s32 $0x8A40, s15;
	[dreg:$0xa] =	wrdreg s0  }
.LBB2_9:
0x18: {  	s0 =	rddreg [dreg:$0x4]  }
0x19: {  	[tilespmem:s3], [sflag:$0x3] =	stream.linear.gather [hbm4b:s0+s3], $0x600, $0x38;
	[tilespmem:$0x185C0] =	vst v63  }
0x1a: {  	_ =	swait.ge [sflag:s22], $0x600  }
0x1b: {  	[sflag:s22] =	ssyncset.done $0x0  }
0x1c: {  	s7 =	rddreg [dreg:$0x5];
	[sflag:s22] =	ssyncadd.s32 $0xFFFFFA00  }
0x1d: {  	[tilespmem:s17], [sflag:$0x3] =	stream.linear.gather [hbm4b:s7+s3], $0x600, $0x38;
	[tilespmem:$0x185C0] =	vst v63  }
0x1e: {  	_ =	swait.ge [sflag:s22], $0x600  }
0x1f: {  	[sflag:s22] =	ssyncset.done $0x0  }
0x20: {  	[sflag:s22] =	ssyncadd.s32 $0xFFFFFA00  }
0x21: {  	[spmem:s8] =	stream.linear.scatter [tilespmem:s24], [sflag:$0x3], $0x13C0, $0x38;
	[tilespmem:$0x185C0] =	vst v63  }
0x22: {  	_ =	swait.ge [sflag:s22], $0x13C0  }
0x23: {  	[sflag:s22] =	ssyncset.done $0x0  }
0x24: {  	[sflag:s22] =	ssyncadd.s32 $0xFFFFEC40  }
0x25: {  	[spmem:s9] =	stream.linear.scatter [tilespmem:s24], [sflag:$0x3], $0x13C0, $0x38;
	[tilespmem:$0x185C0] =	vst v63  }
0x26: {  	_ =	swait.ge [sflag:s22], $0x13C0  }
0x27: {  	[sflag:s22] =	ssyncset.done $0x0  }
0x28: {  	[sflag:s22] =	ssyncadd.s32 $0xFFFFEC40  }
0x29: {  	[spmem:s10] =	stream.linear.scatter [tilespmem:s24], [sflag:$0x3], $0x13C0, $0x38;
	[tilespmem:$0x185C0] =	vst v63  }
0x2a: {  	_ =	swait.ge [sflag:s22], $0x13C0  }
0x2b: {  	[sflag:s22] =	ssyncset.done $0x0  }
0x2c: {  	[sflag:s22] =	ssyncadd.s32 $0xFFFFEC40  }
0x2d: {  	[spmem:s11] =	stream.linear.scatter [tilespmem:s24], [sflag:$0x3], $0x13C0, $0x38;
	[tilespmem:$0x185C0] =	vst v63  }
0x2e: {  	_ =	swait.ge [sflag:s22], $0x13C0  }
0x2f: {  	[sflag:s22] =	ssyncset.done $0x0  }
0x30: {  	[sflag:s22] =	ssyncadd.s32 $0xFFFFEC40  }
0x31: {  	[spmem:s12] =	stream.linear.scatter [tilespmem:s24], [sflag:$0x3], $0x13C0, $0x38;
	[tilespmem:$0x185C0] =	vst v63  }
0x32: {  	_ =	swait.ge [sflag:s22], $0x13C0  }
0x33: {  	[sflag:s22] =	ssyncset.done $0x0  }
0x34: {  	[sflag:s22] =	ssyncadd.s32 $0xFFFFEC40  }
0x35: {  	[spmem:s13] =	stream.linear.scatter [tilespmem:s24], [sflag:$0x3], $0x13C0, $0x38;
	[tilespmem:$0x185C0] =	vst v63  }
0x36: {  	_ =	swait.ge [sflag:s22], $0x13C0  }
0x37: {  	[sflag:s22] =	ssyncset.done $0x0  }
0x38: {  	[sflag:s22] =	ssyncadd.s32 $0xFFFFEC40  }
0x39: {  	[spmem:s14] =	stream.linear.scatter [tilespmem:s24], [sflag:$0x3], $0x13C0, $0x38;
	[tilespmem:$0x185C0] =	vst v63  }
0x3a: {  	_ =	swait.ge [sflag:s22], $0x13C0  }
0x3b: {  	[sflag:s22] =	ssyncset.done $0x0  }
0x3c: {  	[sflag:s22] =	ssyncadd.s32 $0xFFFFEC40  }
0x3d: {  	[spmem:s15] =	stream.linear.scatter [tilespmem:s24], [sflag:$0x3], $0x13C0, $0x38;
	[tilespmem:$0x185C0] =	vst v63  }
0x3e: {  	_ =	swait.ge [sflag:s22], $0x13C0  }
0x3f: {  	[sflag:s22] =	ssyncset.done $0x0  }
0x40: {  	[sflag:s22] =	ssyncadd.s32 $0xFFFFEC40  }
0x41: {  	[bflag:$0x0] =	sbarrier.arrive $0xFFFF  }
0x42: {  	[tilespmem:s28], [sflag:$0x1] =	stream.indirect.gather [hbm4b:s4+s26], $0x40, s3, s26, $0xb8;
	[tilespmem:$0x185C0] =	vst v63  }
0x43: {  	_ = 	snop  }
0x44: {  	[tilespmem:s29], [sflag:$0x2] =	stream.indirect.gather [hbm4b:s4+s26], $0x40, s26, s26, $0xb8;
	[tilespmem:$0x185C0] =	vst v63  }
0x45: {  	_ =	swait.ge [sflag:s30], $0x2000  }
0x46: {  	[sflag:s30] =	ssyncset.done $0x0  }
0x47: {  	[sflag:s30] =	ssyncadd.s32 $0xFFFFE000  }
0x48: {  	[spmem:s2] =	stream.indirect.scatter.add.f32 [tilespmem:s28], [sflag:$0x3], $0x40, s17, s26, $0xb8;
	[tilespmem:$0x185C0] =	vst v63  }
0x49: {  	_ =	swait.ge [sflag:s22], $0x2000  }
0x4a: {  	[sflag:s22] =	ssyncset.done $0x0  }
0x4b: {  	s25 =	simm.s32 $0x100;
	[sflag:s22] =	ssyncadd.s32 $0xFFFFE000  }
0x4c: {  	[tilespmem:s28], [sflag:$0x1] =	stream.indirect.gather [hbm4b:s4+s26], $0x40, s25, s26, $0xb8;
	[tilespmem:$0x185C0] =	vst v63  }
0x4d: {  	_ =	swait.ge [sflag:s31], $0x2000  }
0x4e: {  	[sflag:s31] =	ssyncset.done $0x0  }
0x4f: {  	[sflag:s31] =	ssyncadd.s32 $0xFFFFE000  }
0x50: {  	[spmem:s2] =	stream.indirect.scatter.add.f32 [tilespmem:s29], [sflag:$0x3], $0x40, s18, s26, $0xb8;
	[tilespmem:$0x185C0] =	vst v63  }
0x51: {  	_ =	swait.ge [sflag:s22], $0x2000  }
0x52: {  	[sflag:s22] =	ssyncset.done $0x0  }
0x53: {  	s7 =	simm.s32 $0x180;
	[sflag:s22] =	ssyncadd.s32 $0xFFFFE000  }
0x54: {  	[tilespmem:s29], [sflag:$0x2] =	stream.indirect.gather [hbm4b:s4+s26], $0x40, s7, s26, $0xb8;
	[tilespmem:$0x185C0] =	vst v63  }
0x55: {  	_ =	swait.ge [sflag:s30], $0x2000  }
0x56: {  	[sflag:s30] =	ssyncset.done $0x0  }
0x57: {  	s5 =	simm.s32 $0x4B00;
	[sflag:s30] =	ssyncadd.s32 $0xFFFFE000  }
0x58: {  	[spmem:s2] =	stream.indirect.scatter.add.f32 [tilespmem:s28], [sflag:$0x3], $0x40, s5, s26, $0xb8;
	[tilespmem:$0x185C0] =	vst v63  }
0x59: {  	_ =	swait.ge [sflag:s22], $0x2000  }
0x5a: {  	[sflag:s22] =	ssyncset.done $0x0  }
0x5b: {  	[sflag:s22] =	ssyncadd.s32 $0xFFFFE000  }
0x5c: {  	[tilespmem:s28], [sflag:$0x1] =	stream.indirect.gather [hbm4b:s4+s26], $0x40, s23, s26, $0xb8;
	[tilespmem:$0x185C0] =	vst v63  }
0x5d: {  	_ =	swait.ge [sflag:s31], $0x2000  }
0x5e: {  	[sflag:s31] =	ssyncset.done $0x0  }
0x5f: {  	s3 =	simm.s32 $0x4B80;
	[sflag:s31] =	ssyncadd.s32 $0xFFFFE000  }
0x60: {  	[spmem:s2] =	stream.indirect.scatter.add.f32 [tilespmem:s29], [sflag:$0x3], $0x40, s3, s26, $0xb8;
	[tilespmem:$0x185C0] =	vst v63  }
0x61: {  	_ =	swait.ge [sflag:s22], $0x2000  }
0x62: {  	[sflag:s22] =	ssyncset.done $0x0  }
0x63: {  	s1 =	simm.s32 $0x280;
	[sflag:s22] =	ssyncadd.s32 $0xFFFFE000  }
0x64: {  	[tilespmem:s29], [sflag:$0x2] =	stream.indirect.gather [hbm4b:s4+s26], $0x40, s1, s26, $0xb8;
	[tilespmem:$0x185C0] =	vst v63  }
0x65: {  	_ =	swait.ge [sflag:s30], $0x2000  }
0x66: {  	[sflag:s30] =	ssyncset.done $0x0  }
0x67: {  	[sflag:s30] =	ssyncadd.s32 $0xFFFFE000  }
0x68: {  	[spmem:s2] =	stream.indirect.scatter.add.f32 [tilespmem:s28], [sflag:$0x3], $0x40, s21, s26, $0xb8;
	[tilespmem:$0x185C0] =	vst v63  }
0x69: {  	_ =	swait.ge [sflag:s22], $0x2000  }
0x6a: {  	[sflag:s22] =	ssyncset.done $0x0  }
0x6b: {  	s20 =	simm.s32 $0x300;
	[sflag:s22] =	ssyncadd.s32 $0xFFFFE000  }
0x6c: {  	[tilespmem:s28], [sflag:$0x1] =	stream.indirect.gather [hbm4b:s4+s26], $0x40, s20, s26, $0xb8;
	[tilespmem:$0x185C0] =	vst v63  }
0x6d: {  	_ =	swait.ge [sflag:s31], $0x2000  }
0x6e: {  	[sflag:s31] =	ssyncset.done $0x0  }
0x6f: {  	s6 =	simm.s32 $0x4C80;
	[sflag:s31] =	ssyncadd.s32 $0xFFFFE000  }
0x70: {  	[spmem:s2] =	stream.indirect.scatter.add.f32 [tilespmem:s29], [sflag:$0x3], $0x40, s6, s26, $0xb8;
	[tilespmem:$0x185C0] =	vst v63  }
0x71: {  	_ =	swait.ge [sflag:s22], $0x2000  }
0x72: {  	[sflag:s22] =	ssyncset.done $0x0  }
0x73: {  	s20 =	simm.s32 $0x380;
	[sflag:s22] =	ssyncadd.s32 $0xFFFFE000  }
0x74: {  	[tilespmem:s29], [sflag:$0x2] =	stream.indirect.gather [hbm4b:s4+s26], $0x40, s20, s26, $0xb8;
	[tilespmem:$0x185C0] =	vst v63  }
0x75: {  	_ =	swait.ge [sflag:s30], $0x2000  }
0x76: {  	[sflag:s30] =	ssyncset.done $0x0  }
0x77: {  	s6 =	simm.s32 $0x4D00;
	[sflag:s30] =	ssyncadd.s32 $0xFFFFE000  }
0x78: {  	[spmem:s2] =	stream.indirect.scatter.add.f32 [tilespmem:s28], [sflag:$0x3], $0x40, s6, s26, $0xb8;
	[tilespmem:$0x185C0] =	vst v63  }
0x79: {  	_ =	swait.ge [sflag:s22], $0x2000  }
0x7a: {  	[sflag:s22] =	ssyncset.done $0x0  }
0x7b: {  	s20 =	simm.s32 $0x400;
	[sflag:s22] =	ssyncadd.s32 $0xFFFFE000  }
0x7c: {  	[tilespmem:s28], [sflag:$0x1] =	stream.indirect.gather [hbm4b:s4+s26], $0x40, s20, s26, $0xb8;
	[tilespmem:$0x185C0] =	vst v63  }
0x7d: {  	_ =	swait.ge [sflag:s31], $0x2000  }
0x7e: {  	[sflag:s31] =	ssyncset.done $0x0  }
0x7f: {  	s6 =	simm.s32 $0x4D80;
	[sflag:s31] =	ssyncadd.s32 $0xFFFFE000  }
0x80: {  	[spmem:s2] =	stream.indirect.scatter.add.f32 [tilespmem:s29], [sflag:$0x3], $0x40, s6, s26, $0xb8;
	[tilespmem:$0x185C0] =	vst v63  }
0x81: {  	_ =	swait.ge [sflag:s22], $0x2000  }
0x82: {  	[sflag:s22] =	ssyncset.done $0x0  }
0x83: {  	s20 =	simm.s32 $0x480;
	[sflag:s22] =	ssyncadd.s32 $0xFFFFE000  }
0x84: {  	[tilespmem:s29], [sflag:$0x2] =	stream.indirect.gather [hbm4b:s4+s26], $0x40, s20, s26, $0xb8;
	[tilespmem:$0x185C0] =	vst v63  }
0x85: {  	_ =	swait.ge [sflag:s30], $0x2000  }
0x86: {  	[sflag:s30] =	ssyncset.done $0x0  }
0x87: {  	s6 =	simm.s32 $0x4E00;
	[sflag:s30] =	ssyncadd.s32 $0xFFFFE000  }
0x88: {  	[spmem:s2] =	stream.indirect.scatter.add.f32 [tilespmem:s28], [sflag:$0x3], $0x40, s6, s26, $0xb8;
	[tilespmem:$0x185C0] =	vst v63  }
0x89: {  	_ =	swait.ge [sflag:s22], $0x2000  }
0x8a: {  	[sflag:s22] =	ssyncset.done $0x0  }
0x8b: {  	s20 =	simm.s32 $0x500;
	[sflag:s22] =	ssyncadd.s32 $0xFFFFE000  }
0x8c: {  	[tilespmem:s28], [sflag:$0x1] =	stream.indirect.gather [hbm4b:s4+s26], $0x40, s20, s26, $0xb8;
	[tilespmem:$0x185C0] =	vst v63  }
0x8d: {  	_ =	swait.ge [sflag:s31], $0x2000  }
0x8e: {  	[sflag:s31] =	ssyncset.done $0x0  }
0x8f: {  	s6 =	simm.s32 $0x4E80;
	[sflag:s31] =	ssyncadd.s32 $0xFFFFE000  }
0x90: {  	[spmem:s2] =	stream.indirect.scatter.add.f32 [tilespmem:s29], [sflag:$0x3], $0x40, s6, s26, $0xb8;
	[tilespmem:$0x185C0] =	vst v63  }
0x91: {  	_ =	swait.ge [sflag:s22], $0x2000  }
0x92: {  	[sflag:s22] =	ssyncset.done $0x0  }
0x93: {  	s20 =	simm.s32 $0x580;
	[sflag:s22] =	ssyncadd.s32 $0xFFFFE000  }
0x94: {  	[tilespmem:s29], [sflag:$0x2] =	stream.indirect.gather [hbm4b:s4+s26], $0x40, s20, s26, $0xb8;
	[tilespmem:$0x185C0] =	vst v63  }
0x95: {  	_ =	swait.ge [sflag:s30], $0x2000  }
0x96: {  	[sflag:s30] =	ssyncset.done $0x0  }
0x97: {  	s6 =	simm.s32 $0x4F00;
	[sflag:s30] =	ssyncadd.s32 $0xFFFFE000  }
0x98: {  	[spmem:s2] =	stream.indirect.scatter.add.f32 [tilespmem:s28], [sflag:$0x3], $0x40, s6, s26, $0xb8;
	[tilespmem:$0x185C0] =	vst v63  }
0x99: {  	_ =	swait.ge [sflag:s22], $0x2000  }
0x9a: {  	[sflag:s22] =	ssyncset.done $0x0  }
0x9b: {  	[sflag:s22] =	ssyncadd.s32 $0xFFFFE000  }
0x9c: {  	_ =	swait.ge [sflag:s31], $0x2000  }
0x9d: {  	[sflag:s31] =	ssyncset.done $0x0  }
0x9e: {  	s20 =	simm.s32 $0x4F80;
	[sflag:s31] =	ssyncadd.s32 $0xFFFFE000  }
0x9f: {  	[spmem:s2] =	stream.indirect.scatter.add.f32 [tilespmem:s29], [sflag:$0x3], $0x40, s20, s26, $0xb8;
	[tilespmem:$0x185C0] =	vst v63  }
0xa0: {  	_ =	swait.ge [sflag:s22], $0x2000  }
0xa1: {  	[sflag:s22] =	ssyncset.done $0x0  }
0xa2: {  	s6 =	stileid.u32;
	[sflag:s22] =	ssyncadd.s32 $0xFFFFE000  }
0xa3: {  	s0 =	sshll.u32 s6, $0x6;
	[bflag:$0x0] =	sbarrier.arrive $0xFFFF  }
0xa4: {  	s6 =	sshrl.u32 s8, $0x3;
	s0 =	sor.u32 $0x1C03, s0;
	s20 =	rddreg [dreg:$0x9]  }
0xa5: {  	[hbm:s20], [sflag:s0] =	dma.local [spmem:s6], $0x13C0  }
0xa6: {  	_ =	swait.ge [sflag:s22], $0x13C0  }
0xa7: {  	[sflag:s22] =	ssyncset.done $0x0  }
0xa8: {  	[sflag:s22] =	ssyncadd.s32 $0xFFFFEC40  }
0xa9: {  	[bflag:$0x0] =	sbarrier.arrive $0xFFFF  }
0xaa: {  	[spmem:s8] =	stream.linear.scatter [tilespmem:s24], [sflag:$0x3], $0x13C0, $0x38;
	[tilespmem:$0x185C0] =	vst v63  }
0xab: {  	_ =	swait.ge [sflag:s22], $0x13C0  }
0xac: {  	[sflag:s22] =	ssyncset.done $0x0  }
0xad: {  	[sflag:s22] =	ssyncadd.s32 $0xFFFFEC40  }
0xae: {  	[spmem:s9] =	stream.linear.scatter [tilespmem:s24], [sflag:$0x3], $0x13C0, $0x38;
	[tilespmem:$0x185C0] =	vst v63  }
0xaf: {  	_ =	swait.ge [sflag:s22], $0x13C0  }
0xb0: {  	[sflag:s22] =	ssyncset.done $0x0  }
0xb1: {  	[sflag:s22] =	ssyncadd.s32 $0xFFFFEC40  }
0xb2: {  	[spmem:s10] =	stream.linear.scatter [tilespmem:s24], [sflag:$0x3], $0x13C0, $0x38;
	[tilespmem:$0x185C0] =	vst v63  }
0xb3: {  	_ =	swait.ge [sflag:s22], $0x13C0  }
0xb4: {  	[sflag:s22] =	ssyncset.done $0x0  }
0xb5: {  	[sflag:s22] =	ssyncadd.s32 $0xFFFFEC40  }
0xb6: {  	[spmem:s11] =	stream.linear.scatter [tilespmem:s24], [sflag:$0x3], $0x13C0, $0x38;
	[tilespmem:$0x185C0] =	vst v63  }
0xb7: {  	_ =	swait.ge [sflag:s22], $0x13C0  }
0xb8: {  	[sflag:s22] =	ssyncset.done $0x0  }
0xb9: {  	[sflag:s22] =	ssyncadd.s32 $0xFFFFEC40  }
0xba: {  	[spmem:s12] =	stream.linear.scatter [tilespmem:s24], [sflag:$0x3], $0x13C0, $0x38;
	[tilespmem:$0x185C0] =	vst v63  }
0xbb: {  	_ =	swait.ge [sflag:s22], $0x13C0  }
0xbc: {  	[sflag:s22] =	ssyncset.done $0x0  }
0xbd: {  	[sflag:s22] =	ssyncadd.s32 $0xFFFFEC40  }
0xbe: {  	[spmem:s13] =	stream.linear.scatter [tilespmem:s24], [sflag:$0x3], $0x13C0, $0x38;
	[tilespmem:$0x185C0] =	vst v63  }
0xbf: {  	_ =	swait.ge [sflag:s22], $0x13C0  }
0xc0: {  	[sflag:s22] =	ssyncset.done $0x0  }
0xc1: {  	[sflag:s22] =	ssyncadd.s32 $0xFFFFEC40  }
0xc2: {  	[spmem:s14] =	stream.linear.scatter [tilespmem:s24], [sflag:$0x3], $0x13C0, $0x38;
	[tilespmem:$0x185C0] =	vst v63  }
0xc3: {  	_ =	swait.ge [sflag:s22], $0x13C0  }
0xc4: {  	[sflag:s22] =	ssyncset.done $0x0  }
0xc5: {  	[sflag:s22] =	ssyncadd.s32 $0xFFFFEC40  }
0xc6: {  	[spmem:s15] =	stream.linear.scatter [tilespmem:s24], [sflag:$0x3], $0x13C0, $0x38;
	[tilespmem:$0x185C0] =	vst v63  }
0xc7: {  	_ =	swait.ge [sflag:s22], $0x13C0  }
0xc8: {  	[sflag:s22] =	ssyncset.done $0x0  }
0xc9: {  	[sflag:s22] =	ssyncadd.s32 $0xFFFFEC40  }
0xca: {  	s20 =	simm.s32 $0x0;
	[bflag:$0x0] =	sbarrier.arrive $0xFFFF  }
0xcb: {  	[tilespmem:s28], [sflag:$0x1] =	stream.indirect.gather [hbm4b:s16+s26], $0x40, s20, s26, $0xb8;
	[tilespmem:$0x185C0] =	vst v63  }
0xcc: {  	_ = 	snop  }
0xcd: {  	[tilespmem:s29], [sflag:$0x2] =	stream.indirect.gather [hbm4b:s16+s26], $0x40, s26, s26, $0xb8;
	[tilespmem:$0x185C0] =	vst v63  }
0xce: {  	_ =	swait.ge [sflag:s30], $0x2000  }
0xcf: {  	[sflag:s30] =	ssyncset.done $0x0  }
0xd0: {  	[sflag:s30] =	ssyncadd.s32 $0xFFFFE000  }
0xd1: {  	[spmem:s2] =	stream.indirect.scatter.add.f32 [tilespmem:s28], [sflag:$0x3], $0x40, s17, s26, $0xb8;
	[tilespmem:$0x185C0] =	vst v63  }
0xd2: {  	_ =	swait.ge [sflag:s22], $0x2000  }
0xd3: {  	[sflag:s22] =	ssyncset.done $0x0  }
0xd4: {  	[sflag:s22] =	ssyncadd.s32 $0xFFFFE000  }
0xd5: {  	[tilespmem:s28], [sflag:$0x1] =	stream.indirect.gather [hbm4b:s16+s26], $0x40, s25, s26, $0xb8;
	[tilespmem:$0x185C0] =	vst v63  }
0xd6: {  	_ =	swait.ge [sflag:s31], $0x2000  }
0xd7: {  	[sflag:s31] =	ssyncset.done $0x0  }
0xd8: {  	[sflag:s31] =	ssyncadd.s32 $0xFFFFE000  }
0xd9: {  	[spmem:s2] =	stream.indirect.scatter.add.f32 [tilespmem:s29], [sflag:$0x3], $0x40, s18, s26, $0xb8;
	[tilespmem:$0x185C0] =	vst v63  }
0xda: {  	_ =	swait.ge [sflag:s22], $0x2000  }
0xdb: {  	[sflag:s22] =	ssyncset.done $0x0  }
0xdc: {  	[sflag:s22] =	ssyncadd.s32 $0xFFFFE000  }
0xdd: {  	[tilespmem:s29], [sflag:$0x2] =	stream.indirect.gather [hbm4b:s16+s26], $0x40, s7, s26, $0xb8;
	[tilespmem:$0x185C0] =	vst v63  }
0xde: {  	_ =	swait.ge [sflag:s30], $0x2000  }
0xdf: {  	[sflag:s30] =	ssyncset.done $0x0  }
0xe0: {  	[sflag:s30] =	ssyncadd.s32 $0xFFFFE000  }
0xe1: {  	[spmem:s2] =	stream.indirect.scatter.add.f32 [tilespmem:s28], [sflag:$0x3], $0x40, s5, s26, $0xb8;
	[tilespmem:$0x185C0] =	vst v63  }
0xe2: {  	_ =	swait.ge [sflag:s22], $0x2000  }
0xe3: {  	[sflag:s22] =	ssyncset.done $0x0  }
0xe4: {  	[sflag:s22] =	ssyncadd.s32 $0xFFFFE000  }
0xe5: {  	[tilespmem:s28], [sflag:$0x1] =	stream.indirect.gather [hbm4b:s16+s26], $0x40, s23, s26, $0xb8;
	[tilespmem:$0x185C0] =	vst v63  }
0xe6: {  	_ =	swait.ge [sflag:s31], $0x2000  }
0xe7: {  	[sflag:s31] =	ssyncset.done $0x0  }
0xe8: {  	[sflag:s31] =	ssyncadd.s32 $0xFFFFE000  }
0xe9: {  	[spmem:s2] =	stream.indirect.scatter.add.f32 [tilespmem:s29], [sflag:$0x3], $0x40, s3, s26, $0xb8;
	[tilespmem:$0x185C0] =	vst v63  }
0xea: {  	_ =	swait.ge [sflag:s22], $0x2000  }
0xeb: {  	[sflag:s22] =	ssyncset.done $0x0  }
0xec: {  	[sflag:s22] =	ssyncadd.s32 $0xFFFFE000  }
0xed: {  	[tilespmem:s29], [sflag:$0x2] =	stream.indirect.gather [hbm4b:s16+s26], $0x40, s1, s26, $0xb8;
	[tilespmem:$0x185C0] =	vst v63  }
0xee: {  	_ =	swait.ge [sflag:s30], $0x2000  }
0xef: {  	[sflag:s30] =	ssyncset.done $0x0  }
0xf0: {  	[sflag:s30] =	ssyncadd.s32 $0xFFFFE000  }
0xf1: {  	[spmem:s2] =	stream.indirect.scatter.add.f32 [tilespmem:s28], [sflag:$0x3], $0x40, s21, s26, $0xb8;
	[tilespmem:$0x185C0] =	vst v63  }
0xf2: {  	_ =	swait.ge [sflag:s22], $0x2000  }
0xf3: {  	[sflag:s22] =	ssyncset.done $0x0  }
0xf4: {  	s6 =	simm.s32 $0x300;
	[sflag:s22] =	ssyncadd.s32 $0xFFFFE000  }
0xf5: {  	[tilespmem:s28], [sflag:$0x1] =	stream.indirect.gather [hbm4b:s16+s26], $0x40, s6, s26, $0xb8;
	[tilespmem:$0x185C0] =	vst v63  }
0xf6: {  	_ =	swait.ge [sflag:s31], $0x2000  }
0xf7: {  	[sflag:s31] =	ssyncset.done $0x0  }
0xf8: {  	s7 =	simm.s32 $0x4C80;
	[sflag:s31] =	ssyncadd.s32 $0xFFFFE000  }
0xf9: {  	[spmem:s2] =	stream.indirect.scatter.add.f32 [tilespmem:s29], [sflag:$0x3], $0x40, s7, s26, $0xb8;
	[tilespmem:$0x185C0] =	vst v63  }
0xfa: {  	_ =	swait.ge [sflag:s22], $0x2000  }
0xfb: {  	[sflag:s22] =	ssyncset.done $0x0  }
0xfc: {  	s20 =	simm.s32 $0x380;
	[sflag:s22] =	ssyncadd.s32 $0xFFFFE000  }
0xfd: {  	[tilespmem:s29], [sflag:$0x2] =	stream.indirect.gather [hbm4b:s16+s26], $0x40, s20, s26, $0xb8;
	[tilespmem:$0x185C0] =	vst v63  }
0xfe: {  	_ =	swait.ge [sflag:s30], $0x2000  }
0xff: {  	[sflag:s30] =	ssyncset.done $0x0  }
0x100: {  	s25 =	simm.s32 $0x4D00;
	[sflag:s30] =	ssyncadd.s32 $0xFFFFE000  }
0x101: {  	[spmem:s2] =	stream.indirect.scatter.add.f32 [tilespmem:s28], [sflag:$0x3], $0x40, s25, s26, $0xb8;
	[tilespmem:$0x185C0] =	vst v63  }
0x102: {  	_ =	swait.ge [sflag:s22], $0x2000  }
0x103: {  	[sflag:s22] =	ssyncset.done $0x0  }
0x104: {  	s5 =	simm.s32 $0x400;
	[sflag:s22] =	ssyncadd.s32 $0xFFFFE000  }
0x105: {  	[tilespmem:s28], [sflag:$0x1] =	stream.indirect.gather [hbm4b:s16+s26], $0x40, s5, s26, $0xb8;
	[tilespmem:$0x185C0] =	vst v63  }
0x106: {  	_ =	swait.ge [sflag:s31], $0x2000  }
0x107: {  	[sflag:s31] =	ssyncset.done $0x0  }
0x108: {  	s6 =	simm.s32 $0x4D80;
	[sflag:s31] =	ssyncadd.s32 $0xFFFFE000  }
0x109: {  	[spmem:s2] =	stream.indirect.scatter.add.f32 [tilespmem:s29], [sflag:$0x3], $0x40, s6, s26, $0xb8;
	[tilespmem:$0x185C0] =	vst v63  }
0x10a: {  	_ =	swait.ge [sflag:s22], $0x2000  }
0x10b: {  	[sflag:s22] =	ssyncset.done $0x0  }
0x10c: {  	s7 =	simm.s32 $0x480;
	[sflag:s22] =	ssyncadd.s32 $0xFFFFE000  }
0x10d: {  	[tilespmem:s29], [sflag:$0x2] =	stream.indirect.gather [hbm4b:s16+s26], $0x40, s7, s26, $0xb8;
	[tilespmem:$0x185C0] =	vst v63  }
0x10e: {  	_ =	swait.ge [sflag:s30], $0x2000  }
0x10f: {  	[sflag:s30] =	ssyncset.done $0x0  }
0x110: {  	s20 =	simm.s32 $0x4E00;
	[sflag:s30] =	ssyncadd.s32 $0xFFFFE000  }
0x111: {  	[spmem:s2] =	stream.indirect.scatter.add.f32 [tilespmem:s28], [sflag:$0x3], $0x40, s20, s26, $0xb8;
	[tilespmem:$0x185C0] =	vst v63  }
0x112: {  	_ =	swait.ge [sflag:s22], $0x2000  }
0x113: {  	[sflag:s22] =	ssyncset.done $0x0  }
0x114: {  	s25 =	simm.s32 $0x500;
	[sflag:s22] =	ssyncadd.s32 $0xFFFFE000  }
0x115: {  	[tilespmem:s28], [sflag:$0x1] =	stream.indirect.gather [hbm4b:s16+s26], $0x40, s25, s26, $0xb8;
	[tilespmem:$0x185C0] =	vst v63  }
0x116: {  	_ =	swait.ge [sflag:s31], $0x2000  }
0x117: {  	[sflag:s31] =	ssyncset.done $0x0  }
0x118: {  	s5 =	simm.s32 $0x4E80;
	[sflag:s31] =	ssyncadd.s32 $0xFFFFE000  }
0x119: {  	[spmem:s2] =	stream.indirect.scatter.add.f32 [tilespmem:s29], [sflag:$0x3], $0x40, s5, s26, $0xb8;
	[tilespmem:$0x185C0] =	vst v63  }
0x11a: {  	_ =	swait.ge [sflag:s22], $0x2000  }
0x11b: {  	[sflag:s22] =	ssyncset.done $0x0  }
0x11c: {  	s6 =	simm.s32 $0x580;
	[sflag:s22] =	ssyncadd.s32 $0xFFFFE000  }
0x11d: {  	[tilespmem:s29], [sflag:$0x2] =	stream.indirect.gather [hbm4b:s16+s26], $0x40, s6, s26, $0xb8;
	[tilespmem:$0x185C0] =	vst v63  }
0x11e: {  	_ =	swait.ge [sflag:s30], $0x2000  }
0x11f: {  	[sflag:s30] =	ssyncset.done $0x0  }
0x120: {  	s7 =	simm.s32 $0x4F00;
	[sflag:s30] =	ssyncadd.s32 $0xFFFFE000  }
0x121: {  	[spmem:s2] =	stream.indirect.scatter.add.f32 [tilespmem:s28], [sflag:$0x3], $0x40, s7, s26, $0xb8;
	[tilespmem:$0x185C0] =	vst v63  }
0x122: {  	_ =	swait.ge [sflag:s22], $0x2000  }
0x123: {  	[sflag:s22] =	ssyncset.done $0x0  }
0x124: {  	[sflag:s22] =	ssyncadd.s32 $0xFFFFE000  }
0x125: {  	_ =	swait.ge [sflag:s31], $0x2000  }
0x126: {  	[sflag:s31] =	ssyncset.done $0x0  }
0x127: {  	s20 =	simm.s32 $0x4F80;
	[sflag:s31] =	ssyncadd.s32 $0xFFFFE000  }
0x128: {  	[spmem:s2] =	stream.indirect.scatter.add.f32 [tilespmem:s29], [sflag:$0x3], $0x40, s20, s26, $0xb8;
	[tilespmem:$0x185C0] =	vst v63  }
0x129: {  	_ =	swait.ge [sflag:s22], $0x2000  }
0x12a: {  	[sflag:s22] =	ssyncset.done $0x0  }
0x12b: {  	[sflag:s22] =	ssyncadd.s32 $0xFFFFE000  }
0x12c: {  	[bflag:$0x0] =	sbarrier.arrive $0xFFFF  }
0x12d: {  	s25 =	rddreg [dreg:$0xa]  }
0x12e: {  	s1 =	rddreg [dreg:$0xb]  }
0x12f: {  	s3 =	simm.s32 $0x0;
	s5 =	rddreg [dreg:$0xc];
	s20 =	sadd.s32 $0x13C00, s25  }
.LBB2_10:
0x130: {  	s6 =	sadd.s32 s5, s20;
	s25 =	sshrl.u32 s8, $0x3;
	s19 =	sadd.s32 $0x1, s19  }
0x131: {  	[hbm:s6], [sflag:s0] =	dma.local [spmem:s25], $0x13C0  }
0x132: {  	p1 =	sne.s32 s19, s1  }
.Ltmp1:
0x133: {  	_ =	swait.ge [sflag:s22], $0x13C0;
	(pc) =	sbr.rel @!p1 .LBB2_11-.Ltmp1, $3  }
0x134: {  	[sflag:s22] =	ssyncset.done $0x0  }
0x135: {  	[sflag:s22] =	ssyncadd.s32 $0xFFFFEC40  }
0x136: {  	[bflag:$0x0] =	sbarrier.arrive $0xFFFF;
	_ =	sdelay $0x1  }
.LBB2_1:
0x137: {  	s0 =	sand.u32 $0x7F00, s3  }
0x138: {  	s20 =	sand.u32 $0x30, s3;
	s25 =	sshrl.u32 s0, $0x2  }
0x139: {  	s0 =	simm.s32 $0x40;
	s25 =	sor.u32 s20, s25;
	s20 =	simm.s32 $0x0  }
.LBB2_2:
0x13a: {  	p1 =	sne.s32 s0, $0x4EC0  }
0x13b: {  	[tilespmem:s25+$0xD400] =	vst v0;
	s20 =	sadd.s32 $0x10, s20;
	s25 =	smov.u32 s0;
	s0 =	sadd.s32 $0x40, s0  }
.Ltmp2:
0x13c: {  	(pc) =	sbr.rel @p1 .LBB2_2-.Ltmp2, $4  }
0x13d: {  	_ = 	snop  }
0x13e: {  	s25 =	sand.u32 $0x7F00, s25  }
0x13f: {  	s6 =	sand.u32 $0x30, s20;
	s25 =	sshrl.u32 s25, $0x2  }
0x140: {  	s25 =	sor.u32 s6, s25  }
.Ltmp3:
0x141: {  	(pc) =	sbr.rel @p0 .LBB2_9-.Ltmp3, $2  }
0x142: {  	_ =	sdelay $0x2  }
0x143: {  	[tilespmem:s25+$0xD400] =	vst v0  }
0x144: {  	s0 =	simm.s32 $0x0;
	s6 =	rddreg [dreg:$0x6]  }
0x145: {  	[tilespmem:s0], [sflag:$0x3] =	stream.linear.gather [hbm4b:s6+s0], $0x4A00, $0x38;
	[tilespmem:$0x185C0] =	vst v63  }
0x146: {  	_ =	swait.ge [sflag:s22], $0x4A00  }
0x147: {  	[sflag:s22] =	ssyncset.done $0x0  }
0x148: {  	s7 =	simm.s32 $0x4A00;
	s25 =	rddreg [dreg:$0x7];
	[sflag:s22] =	ssyncadd.s32 $0xFFFFB600  }
0x149: {  	[tilespmem:s7], [sflag:$0x3] =	stream.linear.gather [hbm4b:s25+s0], $0x4A00, $0x38;
	[tilespmem:$0x185C0] =	vst v63  }
0x14a: {  	_ =	swait.ge [sflag:s22], $0x4A00  }
0x14b: {  	[sflag:s22] =	ssyncset.done $0x0  }
0x14c: {  	[sflag:s22] =	ssyncadd.s32 $0xFFFFB600  }
0x14d: {  	[spmem:s8] =	stream.linear.scatter [tilespmem:s24], [sflag:$0x3], $0x13C0, $0x38;
	[tilespmem:$0x185C0] =	vst v63  }
0x14e: {  	_ =	swait.ge [sflag:s22], $0x13C0  }
0x14f: {  	[sflag:s22] =	ssyncset.done $0x0  }
0x150: {  	[sflag:s22] =	ssyncadd.s32 $0xFFFFEC40  }
0x151: {  	[spmem:s9] =	stream.linear.scatter [tilespmem:s24], [sflag:$0x3], $0x13C0, $0x38;
	[tilespmem:$0x185C0] =	vst v63  }
0x152: {  	_ =	swait.ge [sflag:s22], $0x13C0  }
0x153: {  	[sflag:s22] =	ssyncset.done $0x0  }
0x154: {  	[sflag:s22] =	ssyncadd.s32 $0xFFFFEC40  }
0x155: {  	[spmem:s10] =	stream.linear.scatter [tilespmem:s24], [sflag:$0x3], $0x13C0, $0x38;
	[tilespmem:$0x185C0] =	vst v63  }
0x156: {  	_ =	swait.ge [sflag:s22], $0x13C0  }
0x157: {  	[sflag:s22] =	ssyncset.done $0x0  }
0x158: {  	[sflag:s22] =	ssyncadd.s32 $0xFFFFEC40  }
0x159: {  	[spmem:s11] =	stream.linear.scatter [tilespmem:s24], [sflag:$0x3], $0x13C0, $0x38;
	[tilespmem:$0x185C0] =	vst v63  }
0x15a: {  	_ =	swait.ge [sflag:s22], $0x13C0  }
0x15b: {  	[sflag:s22] =	ssyncset.done $0x0  }
0x15c: {  	[sflag:s22] =	ssyncadd.s32 $0xFFFFEC40  }
0x15d: {  	[spmem:s12] =	stream.linear.scatter [tilespmem:s24], [sflag:$0x3], $0x13C0, $0x38;
	[tilespmem:$0x185C0] =	vst v63  }
0x15e: {  	_ =	swait.ge [sflag:s22], $0x13C0  }
0x15f: {  	[sflag:s22] =	ssyncset.done $0x0  }
0x160: {  	[sflag:s22] =	ssyncadd.s32 $0xFFFFEC40  }
0x161: {  	[spmem:s13] =	stream.linear.scatter [tilespmem:s24], [sflag:$0x3], $0x13C0, $0x38;
	[tilespmem:$0x185C0] =	vst v63  }
0x162: {  	_ =	swait.ge [sflag:s22], $0x13C0  }
0x163: {  	[sflag:s22] =	ssyncset.done $0x0  }
0x164: {  	[sflag:s22] =	ssyncadd.s32 $0xFFFFEC40  }
0x165: {  	[spmem:s14] =	stream.linear.scatter [tilespmem:s24], [sflag:$0x3], $0x13C0, $0x38;
	[tilespmem:$0x185C0] =	vst v63  }
0x166: {  	_ =	swait.ge [sflag:s22], $0x13C0  }
0x167: {  	[sflag:s22] =	ssyncset.done $0x0  }
0x168: {  	[sflag:s22] =	ssyncadd.s32 $0xFFFFEC40  }
0x169: {  	[spmem:s15] =	stream.linear.scatter [tilespmem:s24], [sflag:$0x3], $0x13C0, $0x38;
	[tilespmem:$0x185C0] =	vst v63  }
0x16a: {  	_ =	swait.ge [sflag:s22], $0x13C0  }
0x16b: {  	[sflag:s22] =	ssyncset.done $0x0  }
0x16c: {  	[sflag:s22] =	ssyncadd.s32 $0xFFFFEC40  }
0x16d: {  	[bflag:$0x0] =	sbarrier.arrive $0xFFFF  }
0x16e: {  	[tilespmem:s28], [sflag:$0x1] =	stream.indirect.gather [hbm4b:s4+s26], $0x40, s0, s26, $0xb8;
	[tilespmem:$0x185C0] =	vst v63  }
0x16f: {  	_ = 	snop  }
0x170: {  	[tilespmem:s29], [sflag:$0x2] =	stream.indirect.gather [hbm4b:s4+s26], $0x40, s26, s26, $0xb8;
	[tilespmem:$0x185C0] =	vst v63  }
0x171: {  	_ =	swait.ge [sflag:s30], $0x2000  }
0x172: {  	[sflag:s30] =	ssyncset.done $0x0  }
0x173: {  	s7 =	simm.s32 $0x4A00;
	[sflag:s30] =	ssyncadd.s32 $0xFFFFE000  }
0x174: {  	[spmem:s2] =	stream.indirect.scatter.add.f32 [tilespmem:s28], [sflag:$0x3], $0x40, s7, s26, $0xb8;
	[tilespmem:$0x185C0] =	vst v63  }
0x175: {  	_ =	swait.ge [sflag:s22], $0x2000  }
0x176: {  	[sflag:s22] =	ssyncset.done $0x0  }
0x177: {  	s20 =	simm.s32 $0x100;
	[sflag:s22] =	ssyncadd.s32 $0xFFFFE000  }
0x178: {  	[tilespmem:s28], [sflag:$0x1] =	stream.indirect.gather [hbm4b:s4+s26], $0x40, s20, s26, $0xb8;
	[tilespmem:$0x185C0] =	vst v63  }
0x179: {  	_ =	swait.ge [sflag:s31], $0x2000  }
0x17a: {  	[sflag:s31] =	ssyncset.done $0x0  }
0x17b: {  	s25 =	simm.s32 $0x4A80;
	[sflag:s31] =	ssyncadd.s32 $0xFFFFE000  }
0x17c: {  	[spmem:s2] =	stream.indirect.scatter.add.f32 [tilespmem:s29], [sflag:$0x3], $0x40, s25, s26, $0xb8;
	[tilespmem:$0x185C0] =	vst v63  }
0x17d: {  	_ =	swait.ge [sflag:s22], $0x2000  }
0x17e: {  	[sflag:s22] =	ssyncset.done $0x0  }
0x17f: {  	s0 =	simm.s32 $0x400;
	s20 =	simm.s32 $0x180;
	[sflag:s22] =	ssyncadd.s32 $0xFFFFE000  }
.LBB2_5:
0x180: {  	[tilespmem:s29], [sflag:$0x2] =	stream.indirect.gather [hbm4b:s4+s26], $0x40, s20, s26, $0xb8;
	[tilespmem:$0x185C0] =	vst v63  }
0x181: {  	s6 =	smov.u32 s0  }
0x182: {  	p1 =	sne.s32 s0, $0x12000;
	s0 =	sadd.s32 $0x400, s0;
	_ =	swait.ge [sflag:s30], $0x2000  }
0x183: {  	s6 =	sshra.s32 s6, $0x2;
	[sflag:s30] =	ssyncset.done $0x0  }
0x184: {  	s20 =	sadd.s32 $0x4A00, s6;
	[sflag:s30] =	ssyncadd.s32 $0xFFFFE000  }
0x185: {  	[spmem:s2] =	stream.indirect.scatter.add.f32 [tilespmem:s28], [sflag:$0x3], $0x40, s20, s26, $0xb8;
	[tilespmem:$0x185C0] =	vst v63  }
0x186: {  	_ =	swait.ge [sflag:s22], $0x2000  }
0x187: {  	[sflag:s22] =	ssyncset.done $0x0  }
0x188: {  	s20 =	sadd.s32 $0x100, s6;
	[sflag:s22] =	ssyncadd.s32 $0xFFFFE000  }
0x189: {  	[tilespmem:s28], [sflag:$0x1] =	stream.indirect.gather [hbm4b:s4+s26], $0x40, s20, s26, $0xb8;
	[tilespmem:$0x185C0] =	vst v63  }
0x18a: {  	_ =	swait.ge [sflag:s31], $0x2000  }
0x18b: {  	[sflag:s31] =	ssyncset.done $0x0  }
.Ltmp4:
0x18c: {  	s20 =	sadd.s32 $0x4A80, s6;
	[sflag:s31] =	ssyncadd.s32 $0xFFFFE000;
	(pc) =	sbr.rel @p1 .LBB2_5-.Ltmp4, $4  }
0x18d: {  	[spmem:s2] =	stream.indirect.scatter.add.f32 [tilespmem:s29], [sflag:$0x3], $0x40, s20, s26, $0xb8;
	[tilespmem:$0x185C0] =	vst v63  }
0x18e: {  	_ =	swait.ge [sflag:s22], $0x2000  }
0x18f: {  	[sflag:s22] =	ssyncset.done $0x0  }
0x190: {  	s20 =	sadd.s32 $0x180, s6;
	[sflag:s22] =	ssyncadd.s32 $0xFFFFE000  }
0x191: {  	[tilespmem:s29], [sflag:$0x2] =	stream.indirect.gather [hbm4b:s4+s26], $0x40, s20, s26, $0xb8;
	[tilespmem:$0x185C0] =	vst v63  }
0x192: {  	_ =	swait.ge [sflag:s30], $0x2000  }
0x193: {  	[sflag:s30] =	ssyncset.done $0x0  }
0x194: {  	s0 =	simm.s32 $0x9300;
	[sflag:s30] =	ssyncadd.s32 $0xFFFFE000  }
0x195: {  	[spmem:s2] =	stream.indirect.scatter.add.f32 [tilespmem:s28], [sflag:$0x3], $0x40, s0, s26, $0xb8;
	[tilespmem:$0x185C0] =	vst v63  }
0x196: {  	_ =	swait.ge [sflag:s22], $0x2000  }
0x197: {  	[sflag:s22] =	ssyncset.done $0x0  }
0x198: {  	[sflag:s22] =	ssyncadd.s32 $0xFFFFE000  }
0x199: {  	_ =	swait.ge [sflag:s31], $0x2000  }
0x19a: {  	[sflag:s31] =	ssyncset.done $0x0  }
0x19b: {  	s25 =	simm.s32 $0x9380;
	[sflag:s31] =	ssyncadd.s32 $0xFFFFE000  }
0x19c: {  	[spmem:s2] =	stream.indirect.scatter.add.f32 [tilespmem:s29], [sflag:$0x3], $0x40, s25, s26, $0xb8;
	[tilespmem:$0x185C0] =	vst v63  }
0x19d: {  	_ =	swait.ge [sflag:s22], $0x2000  }
0x19e: {  	[sflag:s22] =	ssyncset.done $0x0  }
0x19f: {  	s6 =	stileid.u32;
	[sflag:s22] =	ssyncadd.s32 $0xFFFFE000  }
0x1a0: {  	s0 =	sshll.u32 s6, $0x6;
	[bflag:$0x0] =	sbarrier.arrive $0xFFFF  }
0x1a1: {  	s6 =	sshrl.u32 s8, $0x3;
	s0 =	sor.u32 $0x1C03, s0;
	s7 =	rddreg [dreg:$0x8]  }
0x1a2: {  	[hbm:s7], [sflag:s0] =	dma.local [spmem:s6], $0x13C0  }
0x1a3: {  	_ =	swait.ge [sflag:s22], $0x13C0  }
0x1a4: {  	[sflag:s22] =	ssyncset.done $0x0  }
0x1a5: {  	[sflag:s22] =	ssyncadd.s32 $0xFFFFEC40  }
0x1a6: {  	[bflag:$0x0] =	sbarrier.arrive $0xFFFF  }
0x1a7: {  	[spmem:s8] =	stream.linear.scatter [tilespmem:s24], [sflag:$0x3], $0x13C0, $0x38;
	[tilespmem:$0x185C0] =	vst v63  }
0x1a8: {  	_ =	swait.ge [sflag:s22], $0x13C0  }
0x1a9: {  	[sflag:s22] =	ssyncset.done $0x0  }
0x1aa: {  	[sflag:s22] =	ssyncadd.s32 $0xFFFFEC40  }
0x1ab: {  	[spmem:s9] =	stream.linear.scatter [tilespmem:s24], [sflag:$0x3], $0x13C0, $0x38;
	[tilespmem:$0x185C0] =	vst v63  }
0x1ac: {  	_ =	swait.ge [sflag:s22], $0x13C0  }
0x1ad: {  	[sflag:s22] =	ssyncset.done $0x0  }
0x1ae: {  	[sflag:s22] =	ssyncadd.s32 $0xFFFFEC40  }
0x1af: {  	[spmem:s10] =	stream.linear.scatter [tilespmem:s24], [sflag:$0x3], $0x13C0, $0x38;
	[tilespmem:$0x185C0] =	vst v63  }
0x1b0: {  	_ =	swait.ge [sflag:s22], $0x13C0  }
0x1b1: {  	[sflag:s22] =	ssyncset.done $0x0  }
0x1b2: {  	[sflag:s22] =	ssyncadd.s32 $0xFFFFEC40  }
0x1b3: {  	[spmem:s11] =	stream.linear.scatter [tilespmem:s24], [sflag:$0x3], $0x13C0, $0x38;
	[tilespmem:$0x185C0] =	vst v63  }
0x1b4: {  	_ =	swait.ge [sflag:s22], $0x13C0  }
0x1b5: {  	[sflag:s22] =	ssyncset.done $0x0  }
0x1b6: {  	[sflag:s22] =	ssyncadd.s32 $0xFFFFEC40  }
0x1b7: {  	[spmem:s12] =	stream.linear.scatter [tilespmem:s24], [sflag:$0x3], $0x13C0, $0x38;
	[tilespmem:$0x185C0] =	vst v63  }
0x1b8: {  	_ =	swait.ge [sflag:s22], $0x13C0  }
0x1b9: {  	[sflag:s22] =	ssyncset.done $0x0  }
0x1ba: {  	[sflag:s22] =	ssyncadd.s32 $0xFFFFEC40  }
0x1bb: {  	[spmem:s13] =	stream.linear.scatter [tilespmem:s24], [sflag:$0x3], $0x13C0, $0x38;
	[tilespmem:$0x185C0] =	vst v63  }
0x1bc: {  	_ =	swait.ge [sflag:s22], $0x13C0  }
0x1bd: {  	[sflag:s22] =	ssyncset.done $0x0  }
0x1be: {  	[sflag:s22] =	ssyncadd.s32 $0xFFFFEC40  }
0x1bf: {  	[spmem:s14] =	stream.linear.scatter [tilespmem:s24], [sflag:$0x3], $0x13C0, $0x38;
	[tilespmem:$0x185C0] =	vst v63  }
0x1c0: {  	_ =	swait.ge [sflag:s22], $0x13C0  }
0x1c1: {  	[sflag:s22] =	ssyncset.done $0x0  }
0x1c2: {  	[sflag:s22] =	ssyncadd.s32 $0xFFFFEC40  }
0x1c3: {  	[spmem:s15] =	stream.linear.scatter [tilespmem:s24], [sflag:$0x3], $0x13C0, $0x38;
	[tilespmem:$0x185C0] =	vst v63  }
0x1c4: {  	_ =	swait.ge [sflag:s22], $0x13C0  }
0x1c5: {  	[sflag:s22] =	ssyncset.done $0x0  }
0x1c6: {  	[sflag:s22] =	ssyncadd.s32 $0xFFFFEC40  }
0x1c7: {  	s25 =	simm.s32 $0x0;
	[bflag:$0x0] =	sbarrier.arrive $0xFFFF  }
0x1c8: {  	[tilespmem:s28], [sflag:$0x1] =	stream.indirect.gather [hbm4b:s16+s26], $0x40, s25, s26, $0xb8;
	[tilespmem:$0x185C0] =	vst v63  }
0x1c9: {  	_ = 	snop  }
0x1ca: {  	[tilespmem:s29], [sflag:$0x2] =	stream.indirect.gather [hbm4b:s16+s26], $0x40, s26, s26, $0xb8;
	[tilespmem:$0x185C0] =	vst v63  }
0x1cb: {  	_ =	swait.ge [sflag:s30], $0x2000  }
0x1cc: {  	[sflag:s30] =	ssyncset.done $0x0  }
0x1cd: {  	s7 =	simm.s32 $0x4A00;
	[sflag:s30] =	ssyncadd.s32 $0xFFFFE000  }
0x1ce: {  	[spmem:s2] =	stream.indirect.scatter.add.f32 [tilespmem:s28], [sflag:$0x3], $0x40, s7, s26, $0xb8;
	[tilespmem:$0x185C0] =	vst v63  }
0x1cf: {  	_ =	swait.ge [sflag:s22], $0x2000  }
0x1d0: {  	[sflag:s22] =	ssyncset.done $0x0  }
0x1d1: {  	s20 =	simm.s32 $0x100;
	[sflag:s22] =	ssyncadd.s32 $0xFFFFE000  }
0x1d2: {  	[tilespmem:s28], [sflag:$0x1] =	stream.indirect.gather [hbm4b:s16+s26], $0x40, s20, s26, $0xb8;
	[tilespmem:$0x185C0] =	vst v63  }
0x1d3: {  	_ =	swait.ge [sflag:s31], $0x2000  }
0x1d4: {  	[sflag:s31] =	ssyncset.done $0x0  }
0x1d5: {  	s25 =	simm.s32 $0x4A80;
	[sflag:s31] =	ssyncadd.s32 $0xFFFFE000  }
0x1d6: {  	[spmem:s2] =	stream.indirect.scatter.add.f32 [tilespmem:s29], [sflag:$0x3], $0x40, s25, s26, $0xb8;
	[tilespmem:$0x185C0] =	vst v63  }
0x1d7: {  	_ =	swait.ge [sflag:s22], $0x2000  }
0x1d8: {  	[sflag:s22] =	ssyncset.done $0x0  }
0x1d9: {  	s20 =	simm.s32 $0x400;
	s25 =	simm.s32 $0x180;
	[sflag:s22] =	ssyncadd.s32 $0xFFFFE000  }
.LBB2_7:
0x1da: {  	[tilespmem:s29], [sflag:$0x2] =	stream.indirect.gather [hbm4b:s16+s26], $0x40, s25, s26, $0xb8;
	[tilespmem:$0x185C0] =	vst v63  }
0x1db: {  	s6 =	smov.u32 s20  }
0x1dc: {  	p1 =	sne.s32 s20, $0x12000;
	s20 =	sadd.s32 $0x400, s20;
	_ =	swait.ge [sflag:s30], $0x2000  }
0x1dd: {  	s6 =	sshra.s32 s6, $0x2;
	[sflag:s30] =	ssyncset.done $0x0  }
0x1de: {  	s25 =	sadd.s32 $0x4A00, s6;
	[sflag:s30] =	ssyncadd.s32 $0xFFFFE000  }
0x1df: {  	[spmem:s2] =	stream.indirect.scatter.add.f32 [tilespmem:s28], [sflag:$0x3], $0x40, s25, s26, $0xb8;
	[tilespmem:$0x185C0] =	vst v63  }
0x1e0: {  	_ =	swait.ge [sflag:s22], $0x2000  }
0x1e1: {  	[sflag:s22] =	ssyncset.done $0x0  }
0x1e2: {  	s25 =	sadd.s32 $0x100, s6;
	[sflag:s22] =	ssyncadd.s32 $0xFFFFE000  }
0x1e3: {  	[tilespmem:s28], [sflag:$0x1] =	stream.indirect.gather [hbm4b:s16+s26], $0x40, s25, s26, $0xb8;
	[tilespmem:$0x185C0] =	vst v63  }
0x1e4: {  	_ =	swait.ge [sflag:s31], $0x2000  }
0x1e5: {  	[sflag:s31] =	ssyncset.done $0x0  }
.Ltmp5:
0x1e6: {  	s25 =	sadd.s32 $0x4A80, s6;
	[sflag:s31] =	ssyncadd.s32 $0xFFFFE000;
	(pc) =	sbr.rel @p1 .LBB2_7-.Ltmp5, $4  }
0x1e7: {  	[spmem:s2] =	stream.indirect.scatter.add.f32 [tilespmem:s29], [sflag:$0x3], $0x40, s25, s26, $0xb8;
	[tilespmem:$0x185C0] =	vst v63  }
0x1e8: {  	_ =	swait.ge [sflag:s22], $0x2000  }
0x1e9: {  	[sflag:s22] =	ssyncset.done $0x0  }
0x1ea: {  	s25 =	sadd.s32 $0x180, s6;
	[sflag:s22] =	ssyncadd.s32 $0xFFFFE000  }
0x1eb: {  	[tilespmem:s29], [sflag:$0x2] =	stream.indirect.gather [hbm4b:s16+s26], $0x40, s25, s26, $0xb8;
	[tilespmem:$0x185C0] =	vst v63  }
0x1ec: {  	_ =	swait.ge [sflag:s30], $0x2000  }
0x1ed: {  	[sflag:s30] =	ssyncset.done $0x0  }
0x1ee: {  	s6 =	simm.s32 $0x9300;
	[sflag:s30] =	ssyncadd.s32 $0xFFFFE000  }
0x1ef: {  	[spmem:s2] =	stream.indirect.scatter.add.f32 [tilespmem:s28], [sflag:$0x3], $0x40, s6, s26, $0xb8;
	[tilespmem:$0x185C0] =	vst v63  }
0x1f0: {  	_ =	swait.ge [sflag:s22], $0x2000  }
0x1f1: {  	[sflag:s22] =	ssyncset.done $0x0  }
0x1f2: {  	[sflag:s22] =	ssyncadd.s32 $0xFFFFE000  }
0x1f3: {  	_ =	swait.ge [sflag:s31], $0x2000  }
0x1f4: {  	[sflag:s31] =	ssyncset.done $0x0  }
0x1f5: {  	s25 =	simm.s32 $0x9380;
	[sflag:s31] =	ssyncadd.s32 $0xFFFFE000  }
0x1f6: {  	[spmem:s2] =	stream.indirect.scatter.add.f32 [tilespmem:s29], [sflag:$0x3], $0x40, s25, s26, $0xb8;
	[tilespmem:$0x185C0] =	vst v63  }
.Ltmp6:
0x1f7: {  	_ =	swait.ge [sflag:s22], $0x2000;
	(pc) =	sbr.rel .LBB2_10-.Ltmp6, $4  }
0x1f8: {  	[sflag:s22] =	ssyncset.done $0x0  }
0x1f9: {  	[sflag:s22] =	ssyncadd.s32 $0xFFFFE000  }
0x1fa: {  	[bflag:$0x0] =	sbarrier.arrive $0xFFFF  }
0x1fb: {  	s20 =	rddreg [dreg:$0xa]  }
.LBB2_11:
0x1fc: {  	_ =	sfence.sel $0x180000  }
0x1fd: {  	[bflag:$0x0] =	sbarrier.arrive $0xFFFF  }
0x1fe: {  	_ =	strace $0x9000004A  }
0x1ff: {  	s0 =	stileid.u32;
	[bflag:$0x2] =	sbarrier.arrive $0xFFFF  }
0x200: {  	p0 =	sne.s32 s0, $0x0;
	s0 =	rddreg [dreg:$0x3]  }
0x201: {  	s0 =	sadd.s32 @!p0 $0x100000, s0  }
0x202: {  	[sflag:s0] =	ssyncadd.tile.s32 @!p0 $0x1;
	_ =	shalt  }
.Lfunc_end2:
_tile_overlayer_lowered:
.L_overlay_start_2:
0x203: {  	(tag) =	ssettag $0x2  }
0x204: {  	s0 =	rddreg [dreg:$0x0];
	s2 =	stileid.u32  }
0x205: {  	s1 =	rddreg [dreg:$0x1];
	p0 =	sne.s32 s2, $0x0  }
0x206: {  	s3 =	rddreg [dreg:$0x2];
	[bflag:$0x3] =	sbarrier.arrive $0xFFFF;
	s2 =	simm.s32 @!p0 $0x1C03  }
0x207: {  	[timem:s3], [sflag:s2] =	dma.local @!p0 [hbm:s0], s1  }
0x208: {  	s0 =	simm.s32 @!p0 $0x3  }
0x209: {  	_ =	swait.ge @!p0 [sflag:s0], s1  }
0x20a: {  	s1 =	ssub.s32 @!p0 $0x0, s1;
	[sflag:s0] =	ssyncset.done @!p0 $0x0  }
0x20b: {  	[sflag:s0] =	ssyncadd.s32 @!p0 s1  }
0x20c: {  	[bflag:$0x3] =	sbarrier.arrive $0xFFFF  }
0x20d: {  	_ =	shalt  }

// kernel: kernel.7.cloned.1.call-start
scs
__scs_entry_jumppad:
0x0: {  	(pc) =	sbr.rel $0x88, $3  }
0x1: {  	(tag) =	ssettag $0x0;
	lr =	simm.s32 $0x1  }
0x2: {  	[smem:$0x3F9D] =	sst lr;
	_ =	strace $0xD0000000  }
0x3: {  	_ = 	snop  }
0x4: {  	_ = 	snop  }
0x5: {  	_ = 	snop  }
0x6: {  	_ = 	snop  }
0x7: {  	_ = 	snop  }
__scs_overlays_trampoline_lowered:
0x8: {  	[smem:$0x3FAC] =	sst s0  }
0x9: {  	[smem:$0x3FAD] =	sst s1  }
0xa: {  	[smem:$0x3FAE] =	sst s2  }
0xb: {  	[smem:$0x3FAF] =	sst s3  }
0xc: {  	[smem:$0x3FB0] =	sst s4  }
0xd: {  	[smem:$0x3FB1] =	sst s5  }
0xe: {  	[smem:$0x3FB2] =	sst s6  }
0xf: {  	[smem:$0x3FB3] =	sst s7  }
0x10: {  	[smem:$0x3FB4] =	sst s8  }
0x11: {  	[smem:$0x3FB5] =	sst s9;
	s0 =	simm.s32 @!p0 $0x0  }
0x12: {  	s1 =	sld [smem:$0x3F9B];
	s0 =	simm.s32 @p0 $0x1  }
0x13: {  	[smem:$0x3FB6] =	sst s0;
	s0 =	simm.s32 @!p1 $0x0  }
0x14: {  	s2 =	sld [smem:$0x3F9A];
	s0 =	simm.s32 @p1 $0x1  }
0x15: {  	[smem:$0x3FB7] =	sst s0;
	s0 =	simm.s32 @!p2 $0x0  }
0x16: {  	s3 =	sld [smem:$0x3FDB];
	s0 =	simm.s32 @p2 $0x1  }
0x17: {  	s4 =	simm.s32 $0x1BF5;
	[smem:$0x3FB9] =	sst s0  }
0x18: {  	s0 =	sld [smem:$0x3F9C];
	_ =	swait.ge [sflag:s4], $0x0  }
0x19: {  	s7 =	sld [smem:$0x3F9D]  }
0x1a: {  	s8 =	sadd.s32 $0xFFFFE003, lr  }
0x1b: {  	s9 =	sadd.s32 $0xFFFFFEF7, lr;
	s5 =	simm.s32 $0xFFFFFFFF;
	p2 =	slt.u32 s8, $0xFFFFF086  }
0x1c: {  	p1 =	slt.u32 s9, $0xF7A;
	s5 =	simm.s32 @!p2 $0x0  }
0x1d: {  	s5 =	simm.s32 @p1 $0x1;
	p0 =	seq.s32 s7, s2  }
0x1e: {  	s7 =	smul.u32 @!p0 $0xF7A, s2;
	p2 =	seq.s32 @!p0 s5, $0x0  }
0x1f: {  	s9 =	smul.u32 $0xF7A, s1;
	s8 =	simm.s32 @!p0 $0x1BF5;
	p2 =	por !p2, p0  }
0x20: {  	[sflag:s8] =	ssyncset.s32 @!p0 $0xFFFFF086;
	s6 =	sadd.s32 @!p0 s3, s7;
	s7 =	simm.s32 @!p0 $0x108  }
0x21: {  	s3 =	sadd.s32 s3, s9;
	s6 =	sadd.s32 @!p0 $0x88, s6;
	s7 =	simm.s32 @p2 $0x1082  }
0x22: {  	[simem:s7], [sflag:s8] =	dma.local @!p0 [hbm:s6], $0xF7A  }
0x23: {  	s9 =	sor.u32 $0xD0000000, s2;
	s6 =	simm.s32 $0x108;
	_ =	swait.ge @!p0 [sflag:s8], $0x0  }
0x24: {  	s3 =	sadd.s32 $0x88, s3;
	s6 =	simm.s32 @!p1 $0x1082;
	[sflag:s4] =	ssyncset.s32 $0xFFFFF086  }
0x25: {  	[simem:s6], [sflag:s4] =	dma.local [hbm:s3], $0xF7A  }
0x26: {  	[smem:$0x3F9D] =	sst s1;
	(tag) =	ssettag s2;
	_ =	strace s9  }
0x27: {  	s1 =	sld [smem:$0x3FAD]  }
0x28: {  	s2 =	sld [smem:$0x3FAE]  }
0x29: {  	s4 =	sld [smem:$0x3FB0]  }
0x2a: {  	p0 =	seq.s32 s5, $0x0;
	s5 =	sld [smem:$0x3FB1]  }
0x2b: {  	s6 =	sld [smem:$0x3FB2]  }
0x2c: {  	s7 =	sld [smem:$0x3FB3]  }
0x2d: {  	s3 =	simm.s32 $0x108;
	s8 =	sld [smem:$0x3FB4]  }
0x2e: {  	s3 =	simm.s32 @!p0 $0x1082;
	s9 =	sld [smem:$0x3FB5]  }
0x2f: {  	lr =	sadd.s32 s0, s3;
	s0 =	sld [smem:$0x3FAC]  }
0x30: {  	s3 =	sld [smem:$0x3FAF]  }
0x31: {  	[smem:$0x3FB8] =	sst s10  }
0x32: {  	s10 =	sld [smem:$0x3FB6];
	_ =	sdelay $0x3  }
0x33: {  	p0 =	seq.s32 s10, $0x1;
	s10 =	sld [smem:$0x3FB8];
	_ =	sdelay $0x3  }
0x34: {  	[smem:$0x3FB8] =	sst s10  }
0x35: {  	s10 =	sld [smem:$0x3FB7];
	_ =	sdelay $0x3  }
0x36: {  	p1 =	seq.s32 s10, $0x1;
	s10 =	sld [smem:$0x3FB8];
	_ =	sdelay $0x3  }
0x37: {  	[smem:$0x3FB8] =	sst s10  }
0x38: {  	s10 =	sld [smem:$0x3FB9]  }
0x39: {  	_ = 	snop;
	(pc) =	sbr.ind lr, $3  }
0x3a: {  	_ = 	snop  }
0x3b: {  	_ = 	snop  }
0x3c: {  	p2 =	seq.s32 s10, $0x1;
	s10 =	sld [smem:$0x3FB8]  }
0x3d: {  	_ =	shalt  }
0x3e: {  	_ =	shalt  }
0x3f: {  	_ =	shalt  }
0x40: {  	_ =	shalt  }
0x41: {  	_ =	shalt  }
0x42: {  	_ =	shalt  }
0x43: {  	_ =	shalt  }
0x44: {  	_ =	shalt  }
0x45: {  	_ =	shalt  }
0x46: {  	_ =	shalt  }
0x47: {  	_ =	shalt  }
0x48: {  	_ =	shalt  }
0x49: {  	_ =	shalt  }
0x4a: {  	_ =	shalt  }
0x4b: {  	_ =	shalt  }
0x4c: {  	_ =	shalt  }
0x4d: {  	_ =	shalt  }
0x4e: {  	_ =	shalt  }
0x4f: {  	_ =	shalt  }
0x50: {  	_ =	shalt  }
0x51: {  	_ =	shalt  }
0x52: {  	_ =	shalt  }
0x53: {  	_ =	shalt  }
0x54: {  	_ =	shalt  }
0x55: {  	_ =	shalt  }
0x56: {  	_ =	shalt  }
0x57: {  	_ =	shalt  }
0x58: {  	_ =	shalt  }
0x59: {  	_ =	shalt  }
0x5a: {  	_ =	shalt  }
0x5b: {  	_ =	shalt  }
0x5c: {  	_ =	shalt  }
0x5d: {  	_ =	shalt  }
0x5e: {  	_ =	shalt  }
0x5f: {  	_ =	shalt  }
0x60: {  	_ =	shalt  }
0x61: {  	_ =	shalt  }
0x62: {  	_ =	shalt  }
0x63: {  	_ =	shalt  }
0x64: {  	_ =	shalt  }
0x65: {  	_ =	shalt  }
0x66: {  	_ =	shalt  }
0x67: {  	_ =	shalt  }
0x68: {  	_ =	shalt  }
0x69: {  	_ =	shalt  }
0x6a: {  	_ =	shalt  }
0x6b: {  	_ =	shalt  }
0x6c: {  	_ =	shalt  }
0x6d: {  	_ =	shalt  }
0x6e: {  	_ =	shalt  }
0x6f: {  	_ =	shalt  }
0x70: {  	_ =	shalt  }
0x71: {  	_ =	shalt  }
0x72: {  	_ =	shalt  }
0x73: {  	_ =	shalt  }
0x74: {  	_ =	shalt  }
0x75: {  	_ =	shalt  }
0x76: {  	_ =	shalt  }
0x77: {  	_ =	shalt  }
0x78: {  	_ =	shalt  }
0x79: {  	_ =	shalt  }
0x7a: {  	_ =	shalt  }
0x7b: {  	_ =	shalt  }
0x7c: {  	_ =	shalt  }
0x7d: {  	_ =	shalt  }
0x7e: {  	_ =	shalt  }
0x7f: {  	_ =	shalt  }
0x80: {  	_ =	shalt  }
0x81: {  	_ =	shalt  }
0x82: {  	_ =	shalt  }
0x83: {  	_ =	shalt  }
0x84: {  	_ =	shalt  }
0x85: {  	_ =	shalt  }
0x86: {  	_ =	shalt  }
0x87: {  	_ =	shalt  }
.Lfunc_end0:
.L_simem_size_0:
called_computation_lowered:
.L_overlay_start_0:
0x88: {  	s2 =	sld [smem:$0x3FD9]  }
0x89: {  	s3 =	sld [smem:$0x3FFE];
	_ =	sdelay $0x1  }
0x8a: {  	s1 =	srdreg.scid  }
0x8b: {  	s0 =	sand.u32 $0x1, s1  }
0x8c: {  	s17 =	sshll.u32 s0, $0xA;
	s2 =	sadd.s32 s3, s2  }
0x8d: {  	s2 =	sadd.s32 s2, s17  }
0x8e: {  	[smem:$0x3FC4] =	sst s2  }
0x8f: {  	_ = 	snop  }
0x90: {  	s2 =	sld [smem:$0x3FD0];
	(tm) =	ssettm $0x1  }
0x91: {  	s18 =	sld [smem:$0x3FFB];
	_ =	sdelay $0x3  }
0x92: {  	_ =	strace s18  }
0x93: {  	s3 =	sld [smem:$0x3FFC];
	_ =	sdelay $0x3  }
0x94: {  	_ =	strace s3  }
0x95: {  	s3 =	sld [smem:$0x3FFD];
	_ =	sdelay $0x3  }
0x96: {  	_ =	strace s3  }
0x97: {  	_ =	strace $0x8FFFFFFF  }
0x98: {  	s19 =	sld [smem:$0x3FDB];
	_ =	sdelay $0x1  }
0x99: {  	s4 =	simm.s32 $_scs_section_size  }
0x9a: {  	s5 =	simm.s32 $_size__tile_overlayer_lowered;
	s6 =	simm.s32 $_tile_overlayer_lowered  }
0x9b: {  	s22 =	simm.s32 $0x1BFF;
	s21 =	sshll.u32 s6, $0x1;
	s3 =	sadd.s32 s4, s19  }
0x9c: {  	s7 =	simm.s32 $0x0;
	s20 =	sshll.u32 s5, $0x1;
	s5 =	sadd.s32 s21, s3  }
0x9d: {  	[timem:s7], [sflag:s22] =	dma.local [hbm:s5], s20  }
0x9e: {  	_ =	swait.ge [sflag:s22], s20  }
0x9f: {  	s4 =	ssub.s32 $0x0, s20;
	[sflag:s22] =	ssyncset.done $0x0  }
0xa0: {  	[sflag:s22] =	ssyncadd.s32 s4;
	_ =	sdelay $0x1  }
0xa1: {  	s23 =	simm.s32 $0x1B8B  }
0xa2: {  	_ =	swait.ge [sflag:s23], $0x1  }
0xa3: {  	[sflag:s23] =	ssyncset.done $0x0  }
0xa4: {  	s25 =	simm.s32 $0x1B8E;
	s24 =	sld [smem:$0x3FFE];
	[sflag:s23] =	ssyncadd.s32 $0xFFFFFFFF  }
0xa5: {  	s26 =	simm.s32 $execute0_lowered;
	[smem:$0x3FD2] =	sst s25  }
0xa6: {  	s5 =	sshll.u32 s26, $0x1;
	_ =	strace $0x80000046;
	[dreg:$0x1] =	wrdreg $0xFFFFFFFF  }
0xa7: {  	s28 =	simm.s32 $_size_execute0_lowered;
	s3 =	sadd.s32 s3, s5;
	[dreg:$0x0] =	wrdreg $0x0  }
0xa8: {  	s5 =	sshll.u32 s28, $0x1;
	[dreg:$0x2] =	wrdreg s3  }
0xa9: {  	[dreg:$0x3] =	wrdreg s5  }
0xaa: {  	[dreg:$0x4] =	wrdreg $0xC0  }
0xab: {  	_ =	task [dreg:s7], $0x5FFFF  }
0xac: {  	[dreg:$0x1] =	wrdreg $0xFFFFFFFF  }
0xad: {  	[dreg:$0x0] =	wrdreg $0x60  }
0xae: {  	[dreg:$0x2] =	wrdreg s2  }
0xaf: {  	[dreg:$0x3] =	wrdreg s24  }
0xb0: {  	[dreg:$0x4] =	wrdreg $0x58000  }
0xb1: {  	[dreg:$0x5] =	wrdreg $0x7F800  }
0xb2: {  	[dreg:$0x6] =	wrdreg $0x9  }
0xb3: {  	_ =	task.clear_ibuf [dreg:s7], $0x7FFFF;
	_ =	strace $0x90000046  }
0xb4: {  	s29 =	simm.s32 $0x9;
	_ =	strace $0x80000048  }
0xb5: {  	_ =	swait.ge [sflag:s29], $0x1  }
0xb6: {  	[sflag:s29] =	ssyncadd.s32 $0xFFFFFFFF  }
0xb7: {  	_ =	strace $0x90000048  }
0xb8: {  	_ =	sfence  }
0xb9: {  	s30 =	sld [smem:$0x0];
	_ =	sdelay $0x2  }
0xba: {  	s31 =	sshll.u32 s1, $0xD;
	s1 =	sshrl.u32 s1, $0x2  }
0xbb: {  	s3 =	sand.u32 $0x4000, s31;
	s1 =	sadd.s32 s1, s30  }
0xbc: {  	s0 =	sor.u32 s3, s0;
	s1 =	sshll.u32 s1, $0x11  }
0xbd: {  	s0 =	sor.u32 s1, s0  }
0xbe: {  	s0 =	sadd.s32 $0x8F2B, s0  }
0xbf: {  	[sflag:s0] =	ssyncadd.remote.s32 $0x1  }
0xc0: {  	_ =	sfence.sel $0xFFFF  }
0xc1: {  	[dreg:$0x0] =	wrdreg $0xFFFFFFFF;
	(pc) =	sbr.abs _section_cstart, $3  }
0xc2: {  	[dreg:$0x1] =	wrdreg $0xFFFFFFFF  }
0xc3: {  	_ =	task.clear_ibuf [dreg:s7], $0x2FFFF;
	_ =	strace $0x9FFFFFFF  }
0xc4: {  	(tm) =	ssettm $0x7FFFFFFF  }
0xc5: {  	_ =	shalt  }
tec
execute0_lowered:
.L_overlay_start_1:
0x0: {  	(tag) =	ssettag $0x1  }
0x1: {  	s7 =	rddreg [dreg:$0x0]  }
0x2: {  	s8 =	rddreg [dreg:$0x1]  }
0x3: {  	s2 =	rddreg [dreg:$0x2]  }
0x4: {  	s0 =	srdreg.scid;
	s3 =	rddreg [dreg:$0x3];
	s4 =	simm.s32 $0x0  }
0x5: {  	s6 =	sand.u32 $0x1, s0;
	s0 =	stileid.u32;
	[smem:$0x7FF] =	sst s4  }
0x6: {  	s1 =	sshll.u32 s6, $0x4;
	s11 =	smul.u32 $0x4F00, s6;
	s12 =	ssub.s32 $0x2, s6  }
0x7: {  	s6 =	sadd.s32 $0xB000, s8;
	s14 =	smul.u32 $0x2780, s0;
	s31 =	sshll.u32 s0, $0x6  }
0x8: {  	s5 =	sor.u32 s0, s1;
	s1 =	rddreg [dreg:$0x4];
	_ =	strace $0x80000047  }
0x9: {  	s13 =	sshrl.u32 s12, $0x1;
	s9 =	smul.u32 $0x500, s5;
	s5 =	sadd.s32 $0xAE00, s8  }
0xa: {  	s11 =	sadd.s32 s11, s8;
	s12 =	ssub.s32 s12, s13;
	s15 =	sadd.s32 s14, s2  }
0xb: {  	s16 =	sadd.s32 s14, s3;
	s18 =	sshrl.u32 s14, $0x3;
	s13 =	sor.u32 $0x1C01, s31  }
0xc: {  	s17 =	sadd.s32 $0xB600, s11;
	s19 =	sadd.s32 $0x15400, s11;
	s11 =	simm.s32 $0x2800  }
0xd: {  	s14 =	sshrl.u32 s15, $0x3;
	s15 =	sshrl.u32 s16, $0x3;
	s16 =	simm.s32 $0x80  }
0xe: {  	s10 =	sadd.s32 s9, s8;
	s7 =	sadd.s32 s7, s9;
	s9 =	smax.u32 s12, $0x1  }
0xf: {  	s12 =	simm.s32 $0x5000;
	s17 =	sadd.s32 s18, s17;
	s18 =	sadd.s32 s18, s19  }
0x10: {  	s19 =	simm.s32 $0x0;
	s8 =	sadd.s32 $0xE00, s10;
	s10 =	simm.s32 $0x1  }
.LBB2_1:
0x11: {  	[tilespmem:s4], [sflag:$0x1] =	stream.linear.gather [hbm4b:s7+s4], $0x2800, $0x38;
	[tilespmem:$0xA700] =	vst v63  }
0x12: {  	_ =	swait.ge [sflag:s10], $0x2800  }
0x13: {  	[sflag:s10] =	ssyncset.done $0x0  }
0x14: {  	[sflag:s10] =	ssyncadd.s32 $0xFFFFD800  }
0x15: {  	[tilespmem:s11], [sflag:$0x1] =	stream.linear.gather [hbm4b:s8+s4], $0x2800, $0x38;
	[tilespmem:$0xA700] =	vst v63  }
0x16: {  	_ =	swait.ge [sflag:s10], $0x2800  }
0x17: {  	[sflag:s10] =	ssyncset.done $0x0  }
0x18: {  	[sflag:s10] =	ssyncadd.s32 $0xFFFFD800  }
0x19: {  	[tilespmem:s12], [sflag:$0x1] =	stream.linear.gather [hbm4b:s5+s4], $0x800, $0x38;
	[tilespmem:$0xA700] =	vst v63  }
0x1a: {  	_ =	swait.ge [sflag:s10], $0x800  }
0x1b: {  	[sflag:s10] =	ssyncset.done $0x0  }
0x1c: {  	[sflag:s10] =	ssyncadd.s32 $0xFFFFF800  }
0x1d: {  	[spmem:s14], [sflag:s13] =	dma.local [hbm:s6], $0x4F0  }
0x1e: {  	_ =	swait.ge [sflag:s10], $0x4F0  }
0x1f: {  	[sflag:s10] =	ssyncset.done $0x0  }
0x20: {  	[sflag:s10] =	ssyncadd.s32 $0xFFFFFB10  }
0x21: {  	[spmem:s15], [sflag:s13] =	dma.local [hbm:s6], $0x4F0  }
0x22: {  	_ =	swait.ge [sflag:s10], $0x4F0  }
0x23: {  	[sflag:s10] =	ssyncset.done $0x0  }
0x24: {  	[sflag:s10] =	ssyncadd.s32 $0xFFFFFB10  }
0x25: {  	s20 =	simm.s32 $0x0;
	[bflag:$0x0] =	sbarrier.arrive $0xFFFF  }
0x26: {  	[spmem:s2] =	stream.indirect.scatter.add.f32 [tilespmem:s12], [sflag:$0x1], $0x10, s20, s16, $0xb8;
	[tilespmem:$0xA700] =	vst v63  }
0x27: {  	_ =	swait.ge [sflag:s10], $0x800  }
0x28: {  	[sflag:s10] =	ssyncset.done $0x0  }
0x29: {  	s31 =	simm.s32 $0x2800;
	[sflag:s10] =	ssyncadd.s32 $0xFFFFF800  }
0x2a: {  	[spmem:s3] =	stream.indirect.scatter.add.f32 [tilespmem:s12], [sflag:$0x1], $0x10, s31, s16, $0xb8;
	[tilespmem:$0xA700] =	vst v63  }
0x2b: {  	_ =	swait.ge [sflag:s10], $0x800  }
0x2c: {  	s21 =	simm.s32 $0x400;
	s20 =	simm.s32 $0x200;
	[sflag:s10] =	ssyncset.done $0x0  }
.LBB2_2:
0x2d: {  	s22 =	sshra.s32 s20, $0x2  }
0x2e: {  	[sflag:s10] =	ssyncadd.s32 $0xFFFFF800;
	s20 =	smov.u32 s21;
	s23 =	sadd.s32 $0x200, s21  }
0x2f: {  	[spmem:s2] =	stream.indirect.scatter.add.f32 [tilespmem:s12], [sflag:$0x1], $0x10, s22, s16, $0xb8;
	[tilespmem:$0xA700] =	vst v63  }
0x30: {  	p0 =	sne.s32 s21, $0x9E00;
	_ =	swait.ge [sflag:s10], $0x800  }
.Ltmp0:
0x31: {  	[sflag:s10] =	ssyncset.done $0x0;
	(pc) =	sbr.rel @p0 .LBB2_2-.Ltmp0, $4  }
0x32: {  	s21 =	sadd.s32 $0x2800, s22;
	[sflag:s10] =	ssyncadd.s32 $0xFFFFF800  }
0x33: {  	[spmem:s3] =	stream.indirect.scatter.add.f32 [tilespmem:s12], [sflag:$0x1], $0x10, s21, s16, $0xb8;
	[tilespmem:$0xA700] =	vst v63  }
0x34: {  	_ =	swait.ge [sflag:s10], $0x800  }
0x35: {  	s21 =	smov.u32 s23;
	[sflag:s10] =	ssyncset.done $0x0  }
0x36: {  	s20 =	sshra.s32 s20, $0x2;
	[sflag:s10] =	ssyncadd.s32 $0xFFFFF800  }
0x37: {  	[spmem:s2] =	stream.indirect.scatter.add.f32 [tilespmem:s12], [sflag:$0x1], $0x10, s20, s16, $0xb8;
	[tilespmem:$0xA700] =	vst v63  }
0x38: {  	_ =	swait.ge [sflag:s10], $0x800  }
0x39: {  	[sflag:s10] =	ssyncset.done $0x0  }
0x3a: {  	s20 =	sadd.s32 $0x2800, s20;
	[sflag:s10] =	ssyncadd.s32 $0xFFFFF800  }
0x3b: {  	[spmem:s3] =	stream.indirect.scatter.add.f32 [tilespmem:s12], [sflag:$0x1], $0x10, s20, s16, $0xb8;
	[tilespmem:$0xA700] =	vst v63  }
0x3c: {  	_ =	swait.ge [sflag:s10], $0x800  }
0x3d: {  	[sflag:s10] =	ssyncset.done $0x0  }
0x3e: {  	[sflag:s10] =	ssyncadd.s32 $0xFFFFF800  }
0x3f: {  	[bflag:$0x0] =	sbarrier.arrive $0xFFFF  }
0x40: {  	[hbm:s17], [sflag:s13] =	dma.local [spmem:s14], $0x4F0  }
0x41: {  	s19 =	sadd.s32 $0x1, s19;
	_ =	swait.ge [sflag:s10], $0x4F0  }
0x42: {  	p0 =	sne.s32 s19, s9;
	[sflag:s10] =	ssyncset.done $0x0  }
.Ltmp1:
0x43: {  	[sflag:s10] =	ssyncadd.s32 $0xFFFFFB10;
	(pc) =	sbr.rel @p0 .LBB2_1-.Ltmp1, $4  }
0x44: {  	[hbm:s18], [sflag:s13] =	dma.local [spmem:s15], $0x4F0  }
0x45: {  	_ =	swait.ge [sflag:s10], $0x4F0  }
0x46: {  	[sflag:s10] =	ssyncset.done $0x0  }
0x47: {  	[sflag:s10] =	ssyncadd.s32 $0xFFFFFB10  }
0x48: {  	_ =	sfence.sel $0x180000  }
0x49: {  	[bflag:$0x0] =	sbarrier.arrive $0xFFFF  }
0x4a: {  	p0 =	sne.s32 s0, $0x0;
	_ =	strace $0x90000047  }
0x4b: {  	s0 =	sadd.s32 @!p0 $0x100000, s1;
	[bflag:$0x2] =	sbarrier.arrive $0xFFFF  }
0x4c: {  	[sflag:s0] =	ssyncadd.tile.s32 @!p0 $0x1;
	_ =	shalt  }
.Lfunc_end2:
_tile_overlayer_lowered:
.L_overlay_start_2:
0x4d: {  	(tag) =	ssettag $0x2  }
0x4e: {  	s0 =	rddreg [dreg:$0x0];
	s2 =	stileid.u32  }
0x4f: {  	s1 =	rddreg [dreg:$0x1];
	p0 =	sne.s32 s2, $0x0  }
0x50: {  	s3 =	rddreg [dreg:$0x2];
	[bflag:$0x3] =	sbarrier.arrive $0xFFFF;
	s2 =	simm.s32 @!p0 $0x1C01  }
0x51: {  	[timem:s3], [sflag:s2] =	dma.local @!p0 [hbm:s0], s1  }
0x52: {  	s0 =	simm.s32 @!p0 $0x1  }
0x53: {  	_ =	swait.ge @!p0 [sflag:s0], s1  }
0x54: {  	s1 =	ssub.s32 @!p0 $0x0, s1;
	[sflag:s0] =	ssyncset.done @!p0 $0x0  }
0x55: {  	[sflag:s0] =	ssyncadd.s32 @!p0 s1  }
0x56: {  	[bflag:$0x3] =	sbarrier.arrive $0xFFFF  }
0x57: {  	_ =	shalt  }

</sc_bundles>
